<compile_context>
chip_gen: v7x
topology: tpu7x:2x2x1
jax: 0.10.2.dev20260603
libtpu: 0.0.44.dev20260713+nightly
codegen_flags: <defaults>
</compile_context>

<pallas_src>
import functools

import jax
import jax.numpy as jnp
from jax import lax
from jax.experimental import pallas as pl
from jax.experimental.pallas import tpu as pltpu
from jax.experimental.pallas import tpu_sc as plsc

K = 20
B = 4
N = 1024
BN = B * N
CNT = BN * K
CP = 128
PB = 4096
NPB = BN // PB

_f32 = jnp.float32
_bf16 = jnp.bfloat16


def _lrelu(z):
    return jnp.where(z > 0, z, 0.2 * z)


def _epilogue(S1, S2, MX, MN, g, b):
    m = jnp.sum(S1, axis=0, keepdims=True) * (1.0 / CNT)
    v = jnp.sum(S2, axis=0, keepdims=True) * (1.0 / CNT) - m * m
    inv = g / jnp.sqrt(v + 1e-5)
    sel = jnp.where(g >= 0, MX, MN)
    z = (sel - m) * inv + b
    return _lrelu(z)


def _topk_writeidx(x_all, idx_ref, pd_ref):
    iota = lax.broadcasted_iota(jnp.int32, (N, N), 1)
    iok = lax.broadcasted_iota(jnp.int32, (N, K), 1)
    for bb in range(B):
        xb = lax.slice(x_all, (bb * N, 0), ((bb + 1) * N, x_all.shape[1]))
        xx = jnp.sum(xb * xb, axis=1, keepdims=True)
        xb16 = xb.astype(_bf16)
        dot = lax.dot_general(xb16, xb16, (((1,), (1,)), ((), ())),
                              preferred_element_type=_f32)
        pd_ref[...] = 2.0 * dot - xx - jnp.transpose(xx)

        def body(j, acc):
            nv = pd_ref[...]
            rmax = jnp.max(nv, axis=1, keepdims=True)
            cand = jnp.where(nv == rmax, iota, N)
            am = jnp.min(cand, axis=1, keepdims=True)
            pd_ref[...] = jnp.where(iota == am, -jnp.inf, nv)
            return jnp.where(iok == j, am, acc)

        idxb = lax.fori_loop(0, K, body, jnp.zeros((N, K), jnp.int32))
        idx_ref[pl.ds(bb * N, N), :] = idxb + bb * N


def _first_body(x_ref, idx_ref, pd_ref):
    _topk_writeidx(x_ref[...], idx_ref, pd_ref)


def _mid_body(s1_ref, s2_ref, mx_ref, mn_ref, g_ref, b_ref,
              x_ref, idx_ref, pd_ref):
    xv = _epilogue(s1_ref[...], s2_ref[...], mx_ref[...], mn_ref[...],
                   g_ref[...], b_ref[...])
    x_ref[...] = xv
    _topk_writeidx(xv, idx_ref, pd_ref)


def _epi_body(s1_ref, s2_ref, mx_ref, mn_ref, g_ref, b_ref, x_ref):
    x_ref[...] = _epilogue(s1_ref[...], s2_ref[...], mx_ref[...], mn_ref[...],
                           g_ref[...], b_ref[...])


def _edge_body(gx_ref, x_ref, w_ref, s1_ref, s2_ref, mx_ref, mn_ref):
    k = pl.program_id(1)
    xv = x_ref[...]
    f = jnp.concatenate([gx_ref[...] - xv, xv], axis=1).astype(_bf16)
    y = jnp.dot(f, w_ref[...], preferred_element_type=_f32)
    y2 = y * y

    @pl.when(k == 0)
    def _():
        s1_ref[...] = y
        s2_ref[...] = y2
        mx_ref[...] = y
        mn_ref[...] = y

    @pl.when(k != 0)
    def _():
        s1_ref[...] += y
        s2_ref[...] += y2
        mx_ref[...] = jnp.maximum(mx_ref[...], y)
        mn_ref[...] = jnp.minimum(mn_ref[...], y)


def _final_body(x1_ref, x2_ref, x3_ref, x4_ref,
                w5a_ref, w5b_ref, w5c_ref, w5d_ref,
                g5_ref, b5_ref, gvec_ref, y_ref):
    for bb in range(B):
        sl = pl.ds(bb * N, N)
        yb = (jnp.dot(x1_ref[sl, :].astype(_bf16), w5a_ref[...],
                      preferred_element_type=_f32)
              + jnp.dot(x2_ref[sl, :].astype(_bf16), w5b_ref[...],
                        preferred_element_type=_f32)
              + jnp.dot(x3_ref[sl, :].astype(_bf16), w5c_ref[...],
                        preferred_element_type=_f32)
              + jnp.dot(x4_ref[sl, :].astype(_bf16), w5d_ref[...],
                        preferred_element_type=_f32))
        y_ref[sl, :] = yb
    ysum = jnp.zeros((1, 1024), _f32)
    for bb in range(B):
        ysum = ysum + jnp.sum(y_ref[pl.ds(bb * N, N), :], axis=0, keepdims=True)
    m = ysum * (1.0 / BN)
    vsum = jnp.zeros((1, 1024), _f32)
    for bb in range(B):
        d = y_ref[pl.ds(bb * N, N), :] - m
        vsum = vsum + jnp.sum(d * d, axis=0, keepdims=True)
    v = vsum * (1.0 / BN)
    g5 = g5_ref[...]
    b5 = b5_ref[...]
    inv = g5 / jnp.sqrt(v + 1e-5)
    for bb in range(B):
        blk = y_ref[pl.ds(bb * N, N), :]
        sel = jnp.where(g5 >= 0,
                        jnp.max(blk, axis=0, keepdims=True),
                        jnp.min(blk, axis=0, keepdims=True))
        p1 = _lrelu((sel - m) * inv + b5)
        act = _lrelu((blk - m) * inv + b5)
        p2 = jnp.sum(act, axis=0, keepdims=True) * (1.0 / N)
        gvec_ref[pl.ds(bb, 1), pl.ds(0, 1024)] = p1
        gvec_ref[pl.ds(bb, 1), pl.ds(1024, 1024)] = p2


def _tc_first(x0p):
    return pl.pallas_call(
        _first_body,
        out_shape=jax.ShapeDtypeStruct((BN, K), jnp.int32),
        scratch_shapes=[pltpu.VMEM((N, N), _f32)],
    )(x0p)


def _tc_mid(S1, S2, MX, MN, g, b):
    return pl.pallas_call(
        _mid_body,
        out_shape=(
            jax.ShapeDtypeStruct((BN, CP), _f32),
            jax.ShapeDtypeStruct((BN, K), jnp.int32),
        ),
        scratch_shapes=[pltpu.VMEM((N, N), _f32)],
    )(S1, S2, MX, MN, g, b)


def _tc_epi(S1, S2, MX, MN, g, b, opad):
    return pl.pallas_call(
        _epi_body,
        out_shape=jax.ShapeDtypeStruct((BN, opad), _f32),
    )(S1, S2, MX, MN, g, b)


def _tc_edge(gx, x, w16, opad):
    return pl.pallas_call(
        _edge_body,
        grid=(NPB, K),
        in_specs=[
            pl.BlockSpec((PB, CP), lambda i, k: (k * NPB + i, 0)),
            pl.BlockSpec((PB, CP), lambda i, k: (i, 0)),
            pl.BlockSpec((2 * CP, opad), lambda i, k: (0, 0)),
        ],
        out_specs=[
            pl.BlockSpec((PB, opad), lambda i, k: (i, 0)),
            pl.BlockSpec((PB, opad), lambda i, k: (i, 0)),
            pl.BlockSpec((PB, opad), lambda i, k: (i, 0)),
            pl.BlockSpec((PB, opad), lambda i, k: (i, 0)),
        ],
        out_shape=(
            jax.ShapeDtypeStruct((BN, opad), _f32),
            jax.ShapeDtypeStruct((BN, opad), _f32),
            jax.ShapeDtypeStruct((BN, opad), _f32),
            jax.ShapeDtypeStruct((BN, opad), _f32),
        ),
    )(gx, x, w16)


def _tc_final(x1, x2, x3, x4, w5a, w5b, w5c, w5d, g5, b5):
    return pl.pallas_call(
        _final_body,
        out_shape=jax.ShapeDtypeStruct((B, 2048), _f32),
        scratch_shapes=[pltpu.VMEM((BN, 1024), _f32)],
    )(x1, x2, x3, x4, w5a, w5b, w5c, w5d, g5, b5)



_NW = 32
_RW = BN * K // _NW
_GR = 128
_NG = _RW // _GR


def _sc_gather_body(x_hbm, idx_hbm, gx_hbm, idx_v, rows0_v, rows1_v,
                    sem0, sem1):
    wid = lax.axis_index("s") * 2 + lax.axis_index("c")
    base = wid * _RW
    pltpu.sync_copy(idx_hbm.at[pl.ds(base, _RW)], idx_v)

    def g_body(h, _):
        off0 = (2 * h) * _GR
        off1 = off0 + _GR
        cp0 = pltpu.async_copy(x_hbm.at[idx_v.at[pl.ds(off0, _GR)]],
                               rows0_v, sem0)
        cp1 = pltpu.async_copy(x_hbm.at[idx_v.at[pl.ds(off1, _GR)]],
                               rows1_v, sem1)
        cp0.wait()
        pltpu.sync_copy(rows0_v, gx_hbm.at[pl.ds(base + off0, _GR)])
        cp1.wait()
        pltpu.sync_copy(rows1_v, gx_hbm.at[pl.ds(base + off1, _GR)])
        return 0

    lax.fori_loop(0, _NG // 2, g_body, 0)


@functools.lru_cache(maxsize=None)
def _make_sc_gather():
    mesh = plsc.VectorSubcoreMesh(core_axis_name="c", subcore_axis_name="s")
    return functools.partial(
        pl.kernel,
        out_type=jax.ShapeDtypeStruct((BN * K, CP), _f32),
        mesh=mesh,
        scratch_types=[
            pltpu.VMEM((_RW,), jnp.int32),
            pltpu.VMEM((_GR, CP), _f32),
            pltpu.VMEM((_GR, CP), _f32),
            pltpu.SemaphoreType.DMA,
            pltpu.SemaphoreType.DMA,
        ],
    )(_sc_gather_body)


def _sc_gather(x, idx_km):
    return _make_sc_gather()(x, idx_km)




def _prep_w16(W, opad):
    O, twoC = W.shape
    C = twoC // 2
    w = jnp.zeros((2 * CP, opad), _f32)
    w = w.at[:C, :O].set(W[:, :C].T)
    w = w.at[CP:CP + C, :O].set(W[:, C:].T)
    return w.astype(_bf16)


def _pad_vec(g, opad):
    return jnp.zeros((1, opad), _f32).at[0, : g.shape[0]].set(g)


def _kmajor(idx):
    return jnp.transpose(idx).reshape(-1)


def kernel(xyz, W1, g1, b1, W2, g2, b2, W3, g3, b3, W4, g4, b4, W5, g5, b5):
    x0p = jnp.pad(xyz.reshape(BN, 3), ((0, 0), (0, CP - 3)))

    idx1 = _tc_first(x0p)
    gx = _sc_gather(x0p, _kmajor(idx1))
    S1, S2, MX, MN = _tc_edge(gx, x0p, _prep_w16(W1, 128), 128)

    x1, idx2 = _tc_mid(S1, S2, MX, MN, _pad_vec(g1, 128), _pad_vec(b1, 128))
    gx = _sc_gather(x1, _kmajor(idx2))
    S1, S2, MX, MN = _tc_edge(gx, x1, _prep_w16(W2, 128), 128)

    x2, idx3 = _tc_mid(S1, S2, MX, MN, _pad_vec(g2, 128), _pad_vec(b2, 128))
    gx = _sc_gather(x2, _kmajor(idx3))
    S1, S2, MX, MN = _tc_edge(gx, x2, _prep_w16(W3, 128), 128)

    x3, idx4 = _tc_mid(S1, S2, MX, MN, _pad_vec(g3, 128), _pad_vec(b3, 128))
    gx = _sc_gather(x3, _kmajor(idx4))
    S1, S2, MX, MN = _tc_edge(gx, x3, _prep_w16(W4, 384), 384)

    x4 = _tc_epi(S1, S2, MX, MN, _pad_vec(g4, 384), _pad_vec(b4, 384), 384)

    w5a = jnp.zeros((128, 1024), _f32).at[:64, :].set(W5[:, :64].T).astype(_bf16)
    w5b = jnp.zeros((128, 1024), _f32).at[:64, :].set(W5[:, 64:128].T).astype(_bf16)
    w5c = jnp.asarray(W5[:, 128:256].T, _f32).astype(_bf16)
    w5d = jnp.zeros((384, 1024), _f32).at[:257, :].set(W5[:, 256:513].T).astype(_bf16)

    gvec = _tc_final(x1, x2, x3, x4, w5a, w5b, w5c, w5d,
                     _pad_vec(g5, 1024), _pad_vec(b5, 1024))

    xf = jnp.concatenate([x1[:, :64], x2[:, :64], x3, x4[:, :257]], axis=1)
    xft = jnp.transpose(xf.reshape(B, N, 513), (0, 2, 1))
    x0t = jnp.transpose(xyz, (0, 2, 1))
    gr = jnp.broadcast_to(gvec[:, :, None], (B, 2048, N))
    return jnp.concatenate([gr, x0t, xft], axis=1)

# --- scband reference (transcript-rebuilt; emitter-appended) ---
"""Pipeline reference for scband-dynamic-graph-cnn-61194694033708 (READ-ONLY COPY).

The authoritative reference and input builder live on the scoring server;
editing this copy changes nothing except your own understanding.
"""

import jax, jax.numpy as jnp
import numpy as np

K = 20

def knn(x, k):
    inner = -2.0 * jnp.einsum('bcn,bcm->bnm', x, x)
    xx = jnp.sum(x * x, axis=1)
    pd = -xx[:, :, None] - inner - xx[:, None, :]
    _, idx = jax.lax.top_k(pd, k)
    return idx

def get_graph_feature(x, k):
    B, C, N = x.shape
    idx = knn(x, k)
    xt = jnp.transpose(x, (0, 2, 1))
    idx_flat = (idx + (jnp.arange(B) * N)[:, None, None]).reshape(-1)
    feature = jnp.take(xt.reshape(B * N, C), idx_flat, axis=0).reshape(B, N, k, C)
    xe = jnp.broadcast_to(xt[:, :, None, :], (B, N, k, C))
    f = jnp.concatenate([feature - xe, xe], axis=3)
    return jnp.transpose(f, (0, 3, 1, 2))

def bn_lrelu(y, g, b, axes):
    m = jnp.mean(y, axis=axes, keepdims=True)
    v = jnp.mean((y - m) ** 2, axis=axes, keepdims=True)
    yn = (y - m) / jnp.sqrt(v + 1e-5)
    sh = [1] * y.ndim
    sh[1] = -1
    yn = yn * g.reshape(sh) + b.reshape(sh)
    return jnp.where(yn > 0, yn, 0.2 * yn)

def conv2d1(x, W):
    return jnp.einsum('oc,bcnk->bonk', W, x)

def conv1d1(x, W):
    return jnp.einsum('oc,bcn->bon', W, x)

def setup_inputs(seed: int = 0):
    key = jax.random.key(seed)
    ks = jax.random.split(key, 8)
    B, N = 4, 1024
    xyz = jax.random.normal(ks[0], (B, N, 3), dtype=jnp.float32)
    W1 = jax.random.normal(ks[1], (64, 6), dtype=jnp.float32) * 0.1
    W2 = jax.random.normal(ks[2], (64, 128), dtype=jnp.float32) * 0.1
    W3 = jax.random.normal(ks[3], (128, 128), dtype=jnp.float32) * 0.1
    W4 = jax.random.normal(ks[4], (257, 256), dtype=jnp.float32) * 0.1
    W5 = jax.random.normal(ks[5], (1024, 513), dtype=jnp.float32) * 0.05
    g1 = jnp.ones((64,), jnp.float32); b1 = jnp.zeros((64,), jnp.float32)
    g2 = jnp.ones((64,), jnp.float32); b2 = jnp.zeros((64,), jnp.float32)
    g3 = jnp.ones((128,), jnp.float32); b3 = jnp.zeros((128,), jnp.float32)
    g4 = jnp.ones((257,), jnp.float32); b4 = jnp.zeros((257,), jnp.float32)
    g5 = jnp.ones((1024,), jnp.float32); b5 = jnp.zeros((1024,), jnp.float32)
    return {"xyz": xyz, "W1": W1, "g1": g1, "b1": b1, "W2": W2, "g2": g2, "b2": b2,
            "W3": W3, "g3": g3, "b3": b3, "W4": W4, "g4": g4, "b4": b4,
            "W5": W5, "g5": g5, "b5": b5}

def reference(xyz, W1, g1, b1, W2, g2, b2, W3, g3, b3, W4, g4, b4, W5, g5, b5):
    x0 = jnp.transpose(xyz, (0, 2, 1))
    B, _, N = x0.shape
    f = get_graph_feature(x0, K)
    h = bn_lrelu(conv2d1(f, W1), g1, b1, (0, 2, 3))
    x1 = jnp.max(h, axis=-1)
    f = get_graph_feature(x1, K)
    h = bn_lrelu(conv2d1(f, W2), g2, b2, (0, 2, 3))
    x2 = jnp.max(h, axis=-1)
    f = get_graph_feature(x2, K)
    h = bn_lrelu(conv2d1(f, W3), g3, b3, (0, 2, 3))
    x3 = jnp.max(h, axis=-1)
    f = get_graph_feature(x3, K)
    h = bn_lrelu(conv2d1(f, W4), g4, b4, (0, 2, 3))
    x4 = jnp.max(h, axis=-1)
    x_f = jnp.concatenate([x1, x2, x3, x4], axis=1)
    _x = bn_lrelu(conv1d1(x_f, W5), g5, b5, (0, 2))
    p1 = jnp.max(_x, axis=-1)
    p2 = jnp.mean(_x, axis=-1)
    g = jnp.concatenate([p1, p2], axis=1)[:, :, None]
    gr = jnp.broadcast_to(g, (B, g.shape[1], N))
    out = jnp.concatenate([gr, x0, x_f], axis=1)
    return out

if __name__ == "__main__":
    import jax
    _d = setup_inputs()
    print(jax.jit(kernel)(*tuple(_d.values())))

</pallas_src>

<mosaic_0001>
#map = affine_map<(d0, d1) -> (0, 0)>
#map1 = affine_map<(d0, d1) -> (0)>
module attributes {stable_mosaic.version = 14 : i64} {
  func.func @_sc_gather_body(%arg0: i32, %arg1: i32, %arg2: memref<4096x128xf32, #tpu.memory_space<hbm>>, %arg3: memref<81920xi32, #tpu.memory_space<hbm>>, %arg4: memref<81920x128xf32, #tpu.memory_space<hbm>>, %arg5: memref<2560xi32, #tpu.memory_space<vmem>>, %arg6: memref<128x128xf32, #tpu.memory_space<vmem>>, %arg7: memref<128x128xf32, #tpu.memory_space<vmem>>, %arg8: memref<!tpu.dma_semaphore, #tpu.memory_space<semaphore_mem>>, %arg9: memref<!tpu.dma_semaphore, #tpu.memory_space<semaphore_mem>>) attributes {dimension_semantics = [#tpu.dimension_semantics<core_parallel>, #tpu.dimension_semantics<subcore_parallel>], iteration_bounds = array<i64: 2, 16>, scalar_prefetch = 0 : i64, scratch_operands = 5 : i64, tpu.core_type = #tpu.core_type<sc_vector_subcore>, window_params = [{transform_indices = #map}, {transform_indices = #map1}, {transform_indices = #map}]} {
    %mul3A = arith.constant 2 : i32
    %mul3A_0 = arith.muli %arg1, %mul3A : i32
    %add3A = arith.addi %mul3A_0, %arg0 : i32
    %mul3A_1 = arith.constant 2560 : i32
    %mul3A_2 = arith.muli %add3A, %mul3A_1 : i32
    "tpu.region"() ({
      %run_scoped3A = tpu.sem_alloc : memref<!tpu.dma_semaphore, #tpu.memory_space<semaphore_mem>>
      %dma_start3A = tpu.memref_slice %arg3[%mul3A_2] : memref<81920xi32, #tpu.memory_space<hbm>> -> memref<2560xi32, #tpu.memory_space<hbm>>
      %dma_start3A_9 = tpu.memref_slice %arg3[%mul3A_2] : memref<81920xi32, #tpu.memory_space<hbm>> -> memref<2560xi32, #tpu.memory_space<hbm>>
      tpu.enqueue_dma source(%dma_start3A_9 : memref<2560xi32, #tpu.memory_space<hbm>>) target(%arg5 : memref<2560xi32, #tpu.memory_space<vmem>>) target_semaphore(%run_scoped3A : memref<!tpu.dma_semaphore, #tpu.memory_space<semaphore_mem>>)
      %dma_wait3A = tpu.memref_slice %arg3[%mul3A_2] : memref<81920xi32, #tpu.memory_space<hbm>> -> memref<2560xi32, #tpu.memory_space<hbm>>
      %dma_wait3A_10 = tpu.memref_slice %arg3[%mul3A_2] : memref<81920xi32, #tpu.memory_space<hbm>> -> memref<2560xi32, #tpu.memory_space<hbm>>
      tpu.wait_dma2 semaphore(%run_scoped3A : memref<!tpu.dma_semaphore, #tpu.memory_space<semaphore_mem>>) src(%dma_wait3A_10 : memref<2560xi32, #tpu.memory_space<hbm>>) dst(%arg5 : memref<2560xi32, #tpu.memory_space<vmem>>)
      tpu.yield
    }) : () -> ()
    %scan3A = arith.constant 0 : i32
    %scan3A_3 = arith.constant 0 : i32
    %scan3A_4 = arith.constant 10 : i32
    %scan3A_5 = arith.addi %scan3A_3, %scan3A_4 : i32
    %scan3A_6 = arith.constant 1 : i32
    %scan3A_7 = scf.for %scan3A_9 = %scan3A_3 to %scan3A_5 step %scan3A_6 iter_args(%scan3A_10 = %scan3A) -> (i32)  : i32 {
      %mul3A_11 = arith.constant 2 : i32
      %mul3A_12 = arith.muli %mul3A_11, %scan3A_9 : i32
      %mul3A_13 = arith.constant 128 : i32
      %mul3A_14 = arith.muli %mul3A_12, %mul3A_13 : i32
      %add3A_15 = arith.constant 128 : i32
      %add3A_16 = arith.addi %mul3A_14, %add3A_15 : i32
      %dma_start3A = tpu.memref_slice %arg5[%mul3A_14] : memref<2560xi32, #tpu.memory_space<vmem>> -> memref<128xi32, #tpu.memory_space<vmem>>
      %dma_start3A_17 = arith.constant 0 : i32
      %dma_start3A_18 = arith.constant 0 : i32
      %dma_start3A_19 = tpu.memref_slice %arg2[%dma_start3A_17, %dma_start3A_18] : memref<4096x128xf32, #tpu.memory_space<hbm>> -> memref<4096x128xf32, #tpu.memory_space<hbm>>
      tpu.enqueue_indirect_dma source(%dma_start3A_19 : memref<4096x128xf32, #tpu.memory_space<hbm>>) target(%arg6 : memref<128x128xf32, #tpu.memory_space<vmem>>) offsets(%dma_start3A : memref<128xi32, #tpu.memory_space<vmem>>) semaphore(%arg8 : memref<!tpu.dma_semaphore, #tpu.memory_space<semaphore_mem>>)
      %dma_start3A_20 = tpu.memref_slice %arg5[%add3A_16] : memref<2560xi32, #tpu.memory_space<vmem>> -> memref<128xi32, #tpu.memory_space<vmem>>
      %dma_start3A_21 = arith.constant 0 : i32
      %dma_start3A_22 = arith.constant 0 : i32
      %dma_start3A_23 = tpu.memref_slice %arg2[%dma_start3A_21, %dma_start3A_22] : memref<4096x128xf32, #tpu.memory_space<hbm>> -> memref<4096x128xf32, #tpu.memory_space<hbm>>
      tpu.enqueue_indirect_dma source(%dma_start3A_23 : memref<4096x128xf32, #tpu.memory_space<hbm>>) target(%arg7 : memref<128x128xf32, #tpu.memory_space<vmem>>) offsets(%dma_start3A_20 : memref<128xi32, #tpu.memory_space<vmem>>) semaphore(%arg9 : memref<!tpu.dma_semaphore, #tpu.memory_space<semaphore_mem>>)
      %dma_wait3A = tpu.memref_slice %arg5[%mul3A_14] : memref<2560xi32, #tpu.memory_space<vmem>> -> memref<128xi32, #tpu.memory_space<vmem>>
      %dma_wait3A_24 = arith.constant 0 : i32
      %dma_wait3A_25 = arith.constant 0 : i32
      %dma_wait3A_26 = tpu.memref_slice %arg2[%dma_wait3A_24, %dma_wait3A_25] : memref<4096x128xf32, #tpu.memory_space<hbm>> -> memref<4096x128xf32, #tpu.memory_space<hbm>>
      tpu.wait_indirect_dma semaphore(%arg8 : memref<!tpu.dma_semaphore, #tpu.memory_space<semaphore_mem>>) src(%dma_wait3A_26 : memref<4096x128xf32, #tpu.memory_space<hbm>>) dst(%arg6 : memref<128x128xf32, #tpu.memory_space<vmem>>)
      %add3A_27 = arith.addi %mul3A_2, %mul3A_14 : i32
      "tpu.region"() ({
        %run_scoped3A = tpu.sem_alloc : memref<!tpu.dma_semaphore, #tpu.memory_space<semaphore_mem>>
        %dma_start3A_34 = arith.constant 0 : i32
        %dma_start3A_35 = tpu.memref_slice %arg4[%add3A_27, %dma_start3A_34] : memref<81920x128xf32, #tpu.memory_space<hbm>> -> memref<128x128xf32, #tpu.memory_space<hbm>>
        %dma_start3A_36 = arith.constant 0 : i32
        %dma_start3A_37 = tpu.memref_slice %arg4[%add3A_27, %dma_start3A_36] : memref<81920x128xf32, #tpu.memory_space<hbm>> -> memref<128x128xf32, #tpu.memory_space<hbm>>
        tpu.enqueue_dma source(%arg6 : memref<128x128xf32, #tpu.memory_space<vmem>>) target(%dma_start3A_37 : memref<128x128xf32, #tpu.memory_space<hbm>>) target_semaphore(%run_scoped3A : memref<!tpu.dma_semaphore, #tpu.memory_space<semaphore_mem>>)
        %dma_wait3A_38 = arith.constant 0 : i32
        %dma_wait3A_39 = tpu.memref_slice %arg4[%add3A_27, %dma_wait3A_38] : memref<81920x128xf32, #tpu.memory_space<hbm>> -> memref<128x128xf32, #tpu.memory_space<hbm>>
        %dma_wait3A_40 = arith.constant 0 : i32
        %dma_wait3A_41 = tpu.memref_slice %arg4[%add3A_27, %dma_wait3A_40] : memref<81920x128xf32, #tpu.memory_space<hbm>> -> memref<128x128xf32, #tpu.memory_space<hbm>>
        tpu.wait_dma2 semaphore(%run_scoped3A : memref<!tpu.dma_semaphore, #tpu.memory_space<semaphore_mem>>) src(%arg6 : memref<128x128xf32, #tpu.memory_space<vmem>>) dst(%dma_wait3A_41 : memref<128x128xf32, #tpu.memory_space<hbm>>)
        tpu.yield
      }) : () -> ()
      %dma_wait3A_28 = tpu.memref_slice %arg5[%add3A_16] : memref<2560xi32, #tpu.memory_space<vmem>> -> memref<128xi32, #tpu.memory_space<vmem>>
      %dma_wait3A_29 = arith.constant 0 : i32
      %dma_wait3A_30 = arith.constant 0 : i32
      %dma_wait3A_31 = tpu.memref_slice %arg2[%dma_wait3A_29, %dma_wait3A_30] : memref<4096x128xf32, #tpu.memory_space<hbm>> -> memref<4096x128xf32, #tpu.memory_space<hbm>>
      tpu.wait_indirect_dma semaphore(%arg9 : memref<!tpu.dma_semaphore, #tpu.memory_space<semaphore_mem>>) src(%dma_wait3A_31 : memref<4096x128xf32, #tpu.memory_space<hbm>>) dst(%arg7 : memref<128x128xf32, #tpu.memory_space<vmem>>)
      %add3A_32 = arith.addi %mul3A_2, %add3A_16 : i32
      "tpu.region"() ({
        %run_scoped3A = tpu.sem_alloc : memref<!tpu.dma_semaphore, #tpu.memory_space<semaphore_mem>>
        %dma_start3A_34 = arith.constant 0 : i32
        %dma_start3A_35 = tpu.memref_slice %arg4[%add3A_32, %dma_start3A_34] : memref<81920x128xf32, #tpu.memory_space<hbm>> -> memref<128x128xf32, #tpu.memory_space<hbm>>
        %dma_start3A_36 = arith.constant 0 : i32
        %dma_start3A_37 = tpu.memref_slice %arg4[%add3A_32, %dma_start3A_36] : memref<81920x128xf32, #tpu.memory_space<hbm>> -> memref<128x128xf32, #tpu.memory_space<hbm>>
        tpu.enqueue_dma source(%arg7 : memref<128x128xf32, #tpu.memory_space<vmem>>) target(%dma_start3A_37 : memref<128x128xf32, #tpu.memory_space<hbm>>) target_semaphore(%run_scoped3A : memref<!tpu.dma_semaphore, #tpu.memory_space<semaphore_mem>>)
        %dma_wait3A_38 = arith.constant 0 : i32
        %dma_wait3A_39 = tpu.memref_slice %arg4[%add3A_32, %dma_wait3A_38] : memref<81920x128xf32, #tpu.memory_space<hbm>> -> memref<128x128xf32, #tpu.memory_space<hbm>>
        %dma_wait3A_40 = arith.constant 0 : i32
        %dma_wait3A_41 = tpu.memref_slice %arg4[%add3A_32, %dma_wait3A_40] : memref<81920x128xf32, #tpu.memory_space<hbm>> -> memref<128x128xf32, #tpu.memory_space<hbm>>
        tpu.wait_dma2 semaphore(%run_scoped3A : memref<!tpu.dma_semaphore, #tpu.memory_space<semaphore_mem>>) src(%arg7 : memref<128x128xf32, #tpu.memory_space<vmem>>) dst(%dma_wait3A_41 : memref<128x128xf32, #tpu.memory_space<hbm>>)
        tpu.yield
      }) : () -> ()
      %scan3A_33 = arith.constant 0 : i32
      scf.yield %scan3A_33 : i32
    }
    %scan3A_8 = arith.constant 10 : i32
    return
  }
}

#map = affine_map<(d0, d1) -> (0, 0)>
#map1 = affine_map<(d0, d1) -> (0)>
module attributes {stable_mosaic.version = 14 : i64} {
  func.func @_sc_gather_body(%arg0: i32, %arg1: i32, %arg2: memref<4096x128xf32, #tpu.memory_space<hbm>>, %arg3: memref<81920xi32, #tpu.memory_space<hbm>>, %arg4: memref<81920x128xf32, #tpu.memory_space<hbm>>, %arg5: memref<2560xi32, #tpu.memory_space<vmem>>, %arg6: memref<128x128xf32, #tpu.memory_space<vmem>>, %arg7: memref<128x128xf32, #tpu.memory_space<vmem>>, %arg8: memref<!tpu.dma_semaphore, #tpu.memory_space<semaphore_mem>>, %arg9: memref<!tpu.dma_semaphore, #tpu.memory_space<semaphore_mem>>) attributes {dimension_semantics = [#tpu.dimension_semantics<core_parallel>, #tpu.dimension_semantics<subcore_parallel>], iteration_bounds = array<i64: 2, 16>, scalar_prefetch = 0 : i64, scratch_operands = 5 : i64, tpu.core_type = #tpu.core_type<sc_vector_subcore>, window_params = [{transform_indices = #map}, {transform_indices = #map1}, {transform_indices = #map}]} {
    %mul3A = arith.constant 2 : i32
    %mul3A_0 = arith.muli %arg1, %mul3A : i32
    %add3A = arith.addi %mul3A_0, %arg0 : i32
    %mul3A_1 = arith.constant 2560 : i32
    %mul3A_2 = arith.muli %add3A, %mul3A_1 : i32
    "tpu.region"() ({
      %run_scoped3A = tpu.sem_alloc : memref<!tpu.dma_semaphore, #tpu.memory_space<semaphore_mem>>
      %dma_start3A = tpu.memref_slice %arg3[%mul3A_2] : memref<81920xi32, #tpu.memory_space<hbm>> -> memref<2560xi32, #tpu.memory_space<hbm>>
      %dma_start3A_9 = tpu.memref_slice %arg3[%mul3A_2] : memref<81920xi32, #tpu.memory_space<hbm>> -> memref<2560xi32, #tpu.memory_space<hbm>>
      tpu.enqueue_dma source(%dma_start3A_9 : memref<2560xi32, #tpu.memory_space<hbm>>) target(%arg5 : memref<2560xi32, #tpu.memory_space<vmem>>) target_semaphore(%run_scoped3A : memref<!tpu.dma_semaphore, #tpu.memory_space<semaphore_mem>>)
      %dma_wait3A = tpu.memref_slice %arg3[%mul3A_2] : memref<81920xi32, #tpu.memory_space<hbm>> -> memref<2560xi32, #tpu.memory_space<hbm>>
      %dma_wait3A_10 = tpu.memref_slice %arg3[%mul3A_2] : memref<81920xi32, #tpu.memory_space<hbm>> -> memref<2560xi32, #tpu.memory_space<hbm>>
      tpu.wait_dma2 semaphore(%run_scoped3A : memref<!tpu.dma_semaphore, #tpu.memory_space<semaphore_mem>>) src(%dma_wait3A_10 : memref<2560xi32, #tpu.memory_space<hbm>>) dst(%arg5 : memref<2560xi32, #tpu.memory_space<vmem>>)
      tpu.yield
    }) : () -> ()
    %scan3A = arith.constant 0 : i32
    %scan3A_3 = arith.constant 0 : i32
    %scan3A_4 = arith.constant 10 : i32
    %scan3A_5 = arith.addi %scan3A_3, %scan3A_4 : i32
    %scan3A_6 = arith.constant 1 : i32
    %scan3A_7 = scf.for %scan3A_9 = %scan3A_3 to %scan3A_5 step %scan3A_6 iter_args(%scan3A_10 = %scan3A) -> (i32)  : i32 {
      %mul3A_11 = arith.constant 2 : i32
      %mul3A_12 = arith.muli %mul3A_11, %scan3A_9 : i32
      %mul3A_13 = arith.constant 128 : i32
      %mul3A_14 = arith.muli %mul3A_12, %mul3A_13 : i32
      %add3A_15 = arith.constant 128 : i32
      %add3A_16 = arith.addi %mul3A_14, %add3A_15 : i32
      %dma_start3A = tpu.memref_slice %arg5[%mul3A_14] : memref<2560xi32, #tpu.memory_space<vmem>> -> memref<128xi32, #tpu.memory_space<vmem>>
      %dma_start3A_17 = arith.constant 0 : i32
      %dma_start3A_18 = arith.constant 0 : i32
      %dma_start3A_19 = tpu.memref_slice %arg2[%dma_start3A_17, %dma_start3A_18] : memref<4096x128xf32, #tpu.memory_space<hbm>> -> memref<4096x128xf32, #tpu.memory_space<hbm>>
      tpu.enqueue_indirect_dma source(%dma_start3A_19 : memref<4096x128xf32, #tpu.memory_space<hbm>>) target(%arg6 : memref<128x128xf32, #tpu.memory_space<vmem>>) offsets(%dma_start3A : memref<128xi32, #tpu.memory_space<vmem>>) semaphore(%arg8 : memref<!tpu.dma_semaphore, #tpu.memory_space<semaphore_mem>>)
      %dma_start3A_20 = tpu.memref_slice %arg5[%add3A_16] : memref<2560xi32, #tpu.memory_space<vmem>> -> memref<128xi32, #tpu.memory_space<vmem>>
      %dma_start3A_21 = arith.constant 0 : i32
      %dma_start3A_22 = arith.constant 0 : i32
      %dma_start3A_23 = tpu.memref_slice %arg2[%dma_start3A_21, %dma_start3A_22] : memref<4096x128xf32, #tpu.memory_space<hbm>> -> memref<4096x128xf32, #tpu.memory_space<hbm>>
      tpu.enqueue_indirect_dma source(%dma_start3A_23 : memref<4096x128xf32, #tpu.memory_space<hbm>>) target(%arg7 : memref<128x128xf32, #tpu.memory_space<vmem>>) offsets(%dma_start3A_20 : memref<128xi32, #tpu.memory_space<vmem>>) semaphore(%arg9 : memref<!tpu.dma_semaphore, #tpu.memory_space<semaphore_mem>>)
      %dma_wait3A = tpu.memref_slice %arg5[%mul3A_14] : memref<2560xi32, #tpu.memory_space<vmem>> -> memref<128xi32, #tpu.memory_space<vmem>>
      %dma_wait3A_24 = arith.constant 0 : i32
      %dma_wait3A_25 = arith.constant 0 : i32
      %dma_wait3A_26 = tpu.memref_slice %arg2[%dma_wait3A_24, %dma_wait3A_25] : memref<4096x128xf32, #tpu.memory_space<hbm>> -> memref<4096x128xf32, #tpu.memory_space<hbm>>
      tpu.wait_indirect_dma semaphore(%arg8 : memref<!tpu.dma_semaphore, #tpu.memory_space<semaphore_mem>>) src(%dma_wait3A_26 : memref<4096x128xf32, #tpu.memory_space<hbm>>) dst(%arg6 : memref<128x128xf32, #tpu.memory_space<vmem>>)
      %add3A_27 = arith.addi %mul3A_2, %mul3A_14 : i32
      "tpu.region"() ({
        %run_scoped3A = tpu.sem_alloc : memref<!tpu.dma_semaphore, #tpu.memory_space<semaphore_mem>>
        %dma_start3A_34 = arith.constant 0 : i32
        %dma_start3A_35 = tpu.memref_slice %arg4[%add3A_27, %dma_start3A_34] : memref<81920x128xf32, #tpu.memory_space<hbm>> -> memref<128x128xf32, #tpu.memory_space<hbm>>
        %dma_start3A_36 = arith.constant 0 : i32
        %dma_start3A_37 = tpu.memref_slice %arg4[%add3A_27, %dma_start3A_36] : memref<81920x128xf32, #tpu.memory_space<hbm>> -> memref<128x128xf32, #tpu.memory_space<hbm>>
        tpu.enqueue_dma source(%arg6 : memref<128x128xf32, #tpu.memory_space<vmem>>) target(%dma_start3A_37 : memref<128x128xf32, #tpu.memory_space<hbm>>) target_semaphore(%run_scoped3A : memref<!tpu.dma_semaphore, #tpu.memory_space<semaphore_mem>>)
        %dma_wait3A_38 = arith.constant 0 : i32
        %dma_wait3A_39 = tpu.memref_slice %arg4[%add3A_27, %dma_wait3A_38] : memref<81920x128xf32, #tpu.memory_space<hbm>> -> memref<128x128xf32, #tpu.memory_space<hbm>>
        %dma_wait3A_40 = arith.constant 0 : i32
        %dma_wait3A_41 = tpu.memref_slice %arg4[%add3A_27, %dma_wait3A_40] : memref<81920x128xf32, #tpu.memory_space<hbm>> -> memref<128x128xf32, #tpu.memory_space<hbm>>
        tpu.wait_dma2 semaphore(%run_scoped3A : memref<!tpu.dma_semaphore, #tpu.memory_space<semaphore_mem>>) src(%arg6 : memref<128x128xf32, #tpu.memory_space<vmem>>) dst(%dma_wait3A_41 : memref<128x128xf32, #tpu.memory_space<hbm>>)
        tpu.yield
      }) : () -> ()
      %dma_wait3A_28 = tpu.memref_slice %arg5[%add3A_16] : memref<2560xi32, #tpu.memory_space<vmem>> -> memref<128xi32, #tpu.memory_space<vmem>>
      %dma_wait3A_29 = arith.constant 0 : i32
      %dma_wait3A_30 = arith.constant 0 : i32
      %dma_wait3A_31 = tpu.memref_slice %arg2[%dma_wait3A_29, %dma_wait3A_30] : memref<4096x128xf32, #tpu.memory_space<hbm>> -> memref<4096x128xf32, #tpu.memory_space<hbm>>
      tpu.wait_indirect_dma semaphore(%arg9 : memref<!tpu.dma_semaphore, #tpu.memory_space<semaphore_mem>>) src(%dma_wait3A_31 : memref<4096x128xf32, #tpu.memory_space<hbm>>) dst(%arg7 : memref<128x128xf32, #tpu.memory_space<vmem>>)
      %add3A_32 = arith.addi %mul3A_2, %add3A_16 : i32
      "tpu.region"() ({
        %run_scoped3A = tpu.sem_alloc : memref<!tpu.dma_semaphore, #tpu.memory_space<semaphore_mem>>
        %dma_start3A_34 = arith.constant 0 : i32
        %dma_start3A_35 = tpu.memref_slice %arg4[%add3A_32, %dma_start3A_34] : memref<81920x128xf32, #tpu.memory_space<hbm>> -> memref<128x128xf32, #tpu.memory_space<hbm>>
        %dma_start3A_36 = arith.constant 0 : i32
        %dma_start3A_37 = tpu.memref_slice %arg4[%add3A_32, %dma_start3A_36] : memref<81920x128xf32, #tpu.memory_space<hbm>> -> memref<128x128xf32, #tpu.memory_space<hbm>>
        tpu.enqueue_dma source(%arg7 : memref<128x128xf32, #tpu.memory_space<vmem>>) target(%dma_start3A_37 : memref<128x128xf32, #tpu.memory_space<hbm>>) target_semaphore(%run_scoped3A : memref<!tpu.dma_semaphore, #tpu.memory_space<semaphore_mem>>)
        %dma_wait3A_38 = arith.constant 0 : i32
        %dma_wait3A_39 = tpu.memref_slice %arg4[%add3A_32, %dma_wait3A_38] : memref<81920x128xf32, #tpu.memory_space<hbm>> -> memref<128x128xf32, #tpu.memory_space<hbm>>
        %dma_wait3A_40 = arith.constant 0 : i32
        %dma_wait3A_41 = tpu.memref_slice %arg4[%add3A_32, %dma_wait3A_40] : memref<81920x128xf32, #tpu.memory_space<hbm>> -> memref<128x128xf32, #tpu.memory_space<hbm>>
        tpu.wait_dma2 semaphore(%run_scoped3A : memref<!tpu.dma_semaphore, #tpu.memory_space<semaphore_mem>>) src(%arg7 : memref<128x128xf32, #tpu.memory_space<vmem>>) dst(%dma_wait3A_41 : memref<128x128xf32, #tpu.memory_space<hbm>>)
        tpu.yield
      }) : () -> ()
      %scan3A_33 = arith.constant 0 : i32
      scf.yield %scan3A_33 : i32
    }
    %scan3A_8 = arith.constant 10 : i32
    return
  }
}

#map = affine_map<(d0, d1) -> (0, 0)>
#map1 = affine_map<(d0, d1) -> (0)>
module attributes {stable_mosaic.version = 14 : i64} {
  func.func @_sc_gather_body(%arg0: i32, %arg1: i32, %arg2: memref<4096x128xf32, #tpu.memory_space<hbm>>, %arg3: memref<81920xi32, #tpu.memory_space<hbm>>, %arg4: memref<81920x128xf32, #tpu.memory_space<hbm>>, %arg5: memref<2560xi32, #tpu.memory_space<vmem>>, %arg6: memref<128x128xf32, #tpu.memory_space<vmem>>, %arg7: memref<128x128xf32, #tpu.memory_space<vmem>>, %arg8: memref<!tpu.dma_semaphore, #tpu.memory_space<semaphore_mem>>, %arg9: memref<!tpu.dma_semaphore, #tpu.memory_space<semaphore_mem>>) attributes {dimension_semantics = [#tpu.dimension_semantics<core_parallel>, #tpu.dimension_semantics<subcore_parallel>], iteration_bounds = array<i64: 2, 16>, scalar_prefetch = 0 : i64, scratch_operands = 5 : i64, tpu.core_type = #tpu.core_type<sc_vector_subcore>, window_params = [{transform_indices = #map}, {transform_indices = #map1}, {transform_indices = #map}]} {
    %mul3A = arith.constant 2 : i32
    %mul3A_0 = arith.muli %arg1, %mul3A : i32
    %add3A = arith.addi %mul3A_0, %arg0 : i32
    %mul3A_1 = arith.constant 2560 : i32
    %mul3A_2 = arith.muli %add3A, %mul3A_1 : i32
    "tpu.region"() ({
      %run_scoped3A = tpu.sem_alloc : memref<!tpu.dma_semaphore, #tpu.memory_space<semaphore_mem>>
      %dma_start3A = tpu.memref_slice %arg3[%mul3A_2] : memref<81920xi32, #tpu.memory_space<hbm>> -> memref<2560xi32, #tpu.memory_space<hbm>>
      %dma_start3A_9 = tpu.memref_slice %arg3[%mul3A_2] : memref<81920xi32, #tpu.memory_space<hbm>> -> memref<2560xi32, #tpu.memory_space<hbm>>
      tpu.enqueue_dma source(%dma_start3A_9 : memref<2560xi32, #tpu.memory_space<hbm>>) target(%arg5 : memref<2560xi32, #tpu.memory_space<vmem>>) target_semaphore(%run_scoped3A : memref<!tpu.dma_semaphore, #tpu.memory_space<semaphore_mem>>)
      %dma_wait3A = tpu.memref_slice %arg3[%mul3A_2] : memref<81920xi32, #tpu.memory_space<hbm>> -> memref<2560xi32, #tpu.memory_space<hbm>>
      %dma_wait3A_10 = tpu.memref_slice %arg3[%mul3A_2] : memref<81920xi32, #tpu.memory_space<hbm>> -> memref<2560xi32, #tpu.memory_space<hbm>>
      tpu.wait_dma2 semaphore(%run_scoped3A : memref<!tpu.dma_semaphore, #tpu.memory_space<semaphore_mem>>) src(%dma_wait3A_10 : memref<2560xi32, #tpu.memory_space<hbm>>) dst(%arg5 : memref<2560xi32, #tpu.memory_space<vmem>>)
      tpu.yield
    }) : () -> ()
    %scan3A = arith.constant 0 : i32
    %scan3A_3 = arith.constant 0 : i32
    %scan3A_4 = arith.constant 10 : i32
    %scan3A_5 = arith.addi %scan3A_3, %scan3A_4 : i32
    %scan3A_6 = arith.constant 1 : i32
    %scan3A_7 = scf.for %scan3A_9 = %scan3A_3 to %scan3A_5 step %scan3A_6 iter_args(%scan3A_10 = %scan3A) -> (i32)  : i32 {
      %mul3A_11 = arith.constant 2 : i32
      %mul3A_12 = arith.muli %mul3A_11, %scan3A_9 : i32
      %mul3A_13 = arith.constant 128 : i32
      %mul3A_14 = arith.muli %mul3A_12, %mul3A_13 : i32
      %add3A_15 = arith.constant 128 : i32
      %add3A_16 = arith.addi %mul3A_14, %add3A_15 : i32
      %dma_start3A = tpu.memref_slice %arg5[%mul3A_14] : memref<2560xi32, #tpu.memory_space<vmem>> -> memref<128xi32, #tpu.memory_space<vmem>>
      %dma_start3A_17 = arith.constant 0 : i32
      %dma_start3A_18 = arith.constant 0 : i32
      %dma_start3A_19 = tpu.memref_slice %arg2[%dma_start3A_17, %dma_start3A_18] : memref<4096x128xf32, #tpu.memory_space<hbm>> -> memref<4096x128xf32, #tpu.memory_space<hbm>>
      tpu.enqueue_indirect_dma source(%dma_start3A_19 : memref<4096x128xf32, #tpu.memory_space<hbm>>) target(%arg6 : memref<128x128xf32, #tpu.memory_space<vmem>>) offsets(%dma_start3A : memref<128xi32, #tpu.memory_space<vmem>>) semaphore(%arg8 : memref<!tpu.dma_semaphore, #tpu.memory_space<semaphore_mem>>)
      %dma_start3A_20 = tpu.memref_slice %arg5[%add3A_16] : memref<2560xi32, #tpu.memory_space<vmem>> -> memref<128xi32, #tpu.memory_space<vmem>>
      %dma_start3A_21 = arith.constant 0 : i32
      %dma_start3A_22 = arith.constant 0 : i32
      %dma_start3A_23 = tpu.memref_slice %arg2[%dma_start3A_21, %dma_start3A_22] : memref<4096x128xf32, #tpu.memory_space<hbm>> -> memref<4096x128xf32, #tpu.memory_space<hbm>>
      tpu.enqueue_indirect_dma source(%dma_start3A_23 : memref<4096x128xf32, #tpu.memory_space<hbm>>) target(%arg7 : memref<128x128xf32, #tpu.memory_space<vmem>>) offsets(%dma_start3A_20 : memref<128xi32, #tpu.memory_space<vmem>>) semaphore(%arg9 : memref<!tpu.dma_semaphore, #tpu.memory_space<semaphore_mem>>)
      %dma_wait3A = tpu.memref_slice %arg5[%mul3A_14] : memref<2560xi32, #tpu.memory_space<vmem>> -> memref<128xi32, #tpu.memory_space<vmem>>
      %dma_wait3A_24 = arith.constant 0 : i32
      %dma_wait3A_25 = arith.constant 0 : i32
      %dma_wait3A_26 = tpu.memref_slice %arg2[%dma_wait3A_24, %dma_wait3A_25] : memref<4096x128xf32, #tpu.memory_space<hbm>> -> memref<4096x128xf32, #tpu.memory_space<hbm>>
      tpu.wait_indirect_dma semaphore(%arg8 : memref<!tpu.dma_semaphore, #tpu.memory_space<semaphore_mem>>) src(%dma_wait3A_26 : memref<4096x128xf32, #tpu.memory_space<hbm>>) dst(%arg6 : memref<128x128xf32, #tpu.memory_space<vmem>>)
      %add3A_27 = arith.addi %mul3A_2, %mul3A_14 : i32
      "tpu.region"() ({
        %run_scoped3A = tpu.sem_alloc : memref<!tpu.dma_semaphore, #tpu.memory_space<semaphore_mem>>
        %dma_start3A_34 = arith.constant 0 : i32
        %dma_start3A_35 = tpu.memref_slice %arg4[%add3A_27, %dma_start3A_34] : memref<81920x128xf32, #tpu.memory_space<hbm>> -> memref<128x128xf32, #tpu.memory_space<hbm>>
        %dma_start3A_36 = arith.constant 0 : i32
        %dma_start3A_37 = tpu.memref_slice %arg4[%add3A_27, %dma_start3A_36] : memref<81920x128xf32, #tpu.memory_space<hbm>> -> memref<128x128xf32, #tpu.memory_space<hbm>>
        tpu.enqueue_dma source(%arg6 : memref<128x128xf32, #tpu.memory_space<vmem>>) target(%dma_start3A_37 : memref<128x128xf32, #tpu.memory_space<hbm>>) target_semaphore(%run_scoped3A : memref<!tpu.dma_semaphore, #tpu.memory_space<semaphore_mem>>)
        %dma_wait3A_38 = arith.constant 0 : i32
        %dma_wait3A_39 = tpu.memref_slice %arg4[%add3A_27, %dma_wait3A_38] : memref<81920x128xf32, #tpu.memory_space<hbm>> -> memref<128x128xf32, #tpu.memory_space<hbm>>
        %dma_wait3A_40 = arith.constant 0 : i32
        %dma_wait3A_41 = tpu.memref_slice %arg4[%add3A_27, %dma_wait3A_40] : memref<81920x128xf32, #tpu.memory_space<hbm>> -> memref<128x128xf32, #tpu.memory_space<hbm>>
        tpu.wait_dma2 semaphore(%run_scoped3A : memref<!tpu.dma_semaphore, #tpu.memory_space<semaphore_mem>>) src(%arg6 : memref<128x128xf32, #tpu.memory_space<vmem>>) dst(%dma_wait3A_41 : memref<128x128xf32, #tpu.memory_space<hbm>>)
        tpu.yield
      }) : () -> ()
      %dma_wait3A_28 = tpu.memref_slice %arg5[%add3A_16] : memref<2560xi32, #tpu.memory_space<vmem>> -> memref<128xi32, #tpu.memory_space<vmem>>
      %dma_wait3A_29 = arith.constant 0 : i32
      %dma_wait3A_30 = arith.constant 0 : i32
      %dma_wait3A_31 = tpu.memref_slice %arg2[%dma_wait3A_29, %dma_wait3A_30] : memref<4096x128xf32, #tpu.memory_space<hbm>> -> memref<4096x128xf32, #tpu.memory_space<hbm>>
      tpu.wait_indirect_dma semaphore(%arg9 : memref<!tpu.dma_semaphore, #tpu.memory_space<semaphore_mem>>) src(%dma_wait3A_31 : memref<4096x128xf32, #tpu.memory_space<hbm>>) dst(%arg7 : memref<128x128xf32, #tpu.memory_space<vmem>>)
      %add3A_32 = arith.addi %mul3A_2, %add3A_16 : i32
      "tpu.region"() ({
        %run_scoped3A = tpu.sem_alloc : memref<!tpu.dma_semaphore, #tpu.memory_space<semaphore_mem>>
        %dma_start3A_34 = arith.constant 0 : i32
        %dma_start3A_35 = tpu.memref_slice %arg4[%add3A_32, %dma_start3A_34] : memref<81920x128xf32, #tpu.memory_space<hbm>> -> memref<128x128xf32, #tpu.memory_space<hbm>>
        %dma_start3A_36 = arith.constant 0 : i32
        %dma_start3A_37 = tpu.memref_slice %arg4[%add3A_32, %dma_start3A_36] : memref<81920x128xf32, #tpu.memory_space<hbm>> -> memref<128x128xf32, #tpu.memory_space<hbm>>
        tpu.enqueue_dma source(%arg7 : memref<128x128xf32, #tpu.memory_space<vmem>>) target(%dma_start3A_37 : memref<128x128xf32, #tpu.memory_space<hbm>>) target_semaphore(%run_scoped3A : memref<!tpu.dma_semaphore, #tpu.memory_space<semaphore_mem>>)
        %dma_wait3A_38 = arith.constant 0 : i32
        %dma_wait3A_39 = tpu.memref_slice %arg4[%add3A_32, %dma_wait3A_38] : memref<81920x128xf32, #tpu.memory_space<hbm>> -> memref<128x128xf32, #tpu.memory_space<hbm>>
        %dma_wait3A_40 = arith.constant 0 : i32
        %dma_wait3A_41 = tpu.memref_slice %arg4[%add3A_32, %dma_wait3A_40] : memref<81920x128xf32, #tpu.memory_space<hbm>> -> memref<128x128xf32, #tpu.memory_space<hbm>>
        tpu.wait_dma2 semaphore(%run_scoped3A : memref<!tpu.dma_semaphore, #tpu.memory_space<semaphore_mem>>) src(%arg7 : memref<128x128xf32, #tpu.memory_space<vmem>>) dst(%dma_wait3A_41 : memref<128x128xf32, #tpu.memory_space<hbm>>)
        tpu.yield
      }) : () -> ()
      %scan3A_33 = arith.constant 0 : i32
      scf.yield %scan3A_33 : i32
    }
    %scan3A_8 = arith.constant 10 : i32
    return
  }
}

#map = affine_map<(d0, d1) -> (0, 0)>
#map1 = affine_map<(d0, d1) -> (0)>
module attributes {stable_mosaic.version = 14 : i64} {
  func.func @_sc_gather_body(%arg0: i32, %arg1: i32, %arg2: memref<4096x128xf32, #tpu.memory_space<hbm>>, %arg3: memref<81920xi32, #tpu.memory_space<hbm>>, %arg4: memref<81920x128xf32, #tpu.memory_space<hbm>>, %arg5: memref<2560xi32, #tpu.memory_space<vmem>>, %arg6: memref<128x128xf32, #tpu.memory_space<vmem>>, %arg7: memref<128x128xf32, #tpu.memory_space<vmem>>, %arg8: memref<!tpu.dma_semaphore, #tpu.memory_space<semaphore_mem>>, %arg9: memref<!tpu.dma_semaphore, #tpu.memory_space<semaphore_mem>>) attributes {dimension_semantics = [#tpu.dimension_semantics<core_parallel>, #tpu.dimension_semantics<subcore_parallel>], iteration_bounds = array<i64: 2, 16>, scalar_prefetch = 0 : i64, scratch_operands = 5 : i64, tpu.core_type = #tpu.core_type<sc_vector_subcore>, window_params = [{transform_indices = #map}, {transform_indices = #map1}, {transform_indices = #map}]} {
    %mul3A = arith.constant 2 : i32
    %mul3A_0 = arith.muli %arg1, %mul3A : i32
    %add3A = arith.addi %mul3A_0, %arg0 : i32
    %mul3A_1 = arith.constant 2560 : i32
    %mul3A_2 = arith.muli %add3A, %mul3A_1 : i32
    "tpu.region"() ({
      %run_scoped3A = tpu.sem_alloc : memref<!tpu.dma_semaphore, #tpu.memory_space<semaphore_mem>>
      %dma_start3A = tpu.memref_slice %arg3[%mul3A_2] : memref<81920xi32, #tpu.memory_space<hbm>> -> memref<2560xi32, #tpu.memory_space<hbm>>
      %dma_start3A_9 = tpu.memref_slice %arg3[%mul3A_2] : memref<81920xi32, #tpu.memory_space<hbm>> -> memref<2560xi32, #tpu.memory_space<hbm>>
      tpu.enqueue_dma source(%dma_start3A_9 : memref<2560xi32, #tpu.memory_space<hbm>>) target(%arg5 : memref<2560xi32, #tpu.memory_space<vmem>>) target_semaphore(%run_scoped3A : memref<!tpu.dma_semaphore, #tpu.memory_space<semaphore_mem>>)
      %dma_wait3A = tpu.memref_slice %arg3[%mul3A_2] : memref<81920xi32, #tpu.memory_space<hbm>> -> memref<2560xi32, #tpu.memory_space<hbm>>
      %dma_wait3A_10 = tpu.memref_slice %arg3[%mul3A_2] : memref<81920xi32, #tpu.memory_space<hbm>> -> memref<2560xi32, #tpu.memory_space<hbm>>
      tpu.wait_dma2 semaphore(%run_scoped3A : memref<!tpu.dma_semaphore, #tpu.memory_space<semaphore_mem>>) src(%dma_wait3A_10 : memref<2560xi32, #tpu.memory_space<hbm>>) dst(%arg5 : memref<2560xi32, #tpu.memory_space<vmem>>)
      tpu.yield
    }) : () -> ()
    %scan3A = arith.constant 0 : i32
    %scan3A_3 = arith.constant 0 : i32
    %scan3A_4 = arith.constant 10 : i32
    %scan3A_5 = arith.addi %scan3A_3, %scan3A_4 : i32
    %scan3A_6 = arith.constant 1 : i32
    %scan3A_7 = scf.for %scan3A_9 = %scan3A_3 to %scan3A_5 step %scan3A_6 iter_args(%scan3A_10 = %scan3A) -> (i32)  : i32 {
      %mul3A_11 = arith.constant 2 : i32
      %mul3A_12 = arith.muli %mul3A_11, %scan3A_9 : i32
      %mul3A_13 = arith.constant 128 : i32
      %mul3A_14 = arith.muli %mul3A_12, %mul3A_13 : i32
      %add3A_15 = arith.constant 128 : i32
      %add3A_16 = arith.addi %mul3A_14, %add3A_15 : i32
      %dma_start3A = tpu.memref_slice %arg5[%mul3A_14] : memref<2560xi32, #tpu.memory_space<vmem>> -> memref<128xi32, #tpu.memory_space<vmem>>
      %dma_start3A_17 = arith.constant 0 : i32
      %dma_start3A_18 = arith.constant 0 : i32
      %dma_start3A_19 = tpu.memref_slice %arg2[%dma_start3A_17, %dma_start3A_18] : memref<4096x128xf32, #tpu.memory_space<hbm>> -> memref<4096x128xf32, #tpu.memory_space<hbm>>
      tpu.enqueue_indirect_dma source(%dma_start3A_19 : memref<4096x128xf32, #tpu.memory_space<hbm>>) target(%arg6 : memref<128x128xf32, #tpu.memory_space<vmem>>) offsets(%dma_start3A : memref<128xi32, #tpu.memory_space<vmem>>) semaphore(%arg8 : memref<!tpu.dma_semaphore, #tpu.memory_space<semaphore_mem>>)
      %dma_start3A_20 = tpu.memref_slice %arg5[%add3A_16] : memref<2560xi32, #tpu.memory_space<vmem>> -> memref<128xi32, #tpu.memory_space<vmem>>
      %dma_start3A_21 = arith.constant 0 : i32
      %dma_start3A_22 = arith.constant 0 : i32
      %dma_start3A_23 = tpu.memref_slice %arg2[%dma_start3A_21, %dma_start3A_22] : memref<4096x128xf32, #tpu.memory_space<hbm>> -> memref<4096x128xf32, #tpu.memory_space<hbm>>
      tpu.enqueue_indirect_dma source(%dma_start3A_23 : memref<4096x128xf32, #tpu.memory_space<hbm>>) target(%arg7 : memref<128x128xf32, #tpu.memory_space<vmem>>) offsets(%dma_start3A_20 : memref<128xi32, #tpu.memory_space<vmem>>) semaphore(%arg9 : memref<!tpu.dma_semaphore, #tpu.memory_space<semaphore_mem>>)
      %dma_wait3A = tpu.memref_slice %arg5[%mul3A_14] : memref<2560xi32, #tpu.memory_space<vmem>> -> memref<128xi32, #tpu.memory_space<vmem>>
      %dma_wait3A_24 = arith.constant 0 : i32
      %dma_wait3A_25 = arith.constant 0 : i32
      %dma_wait3A_26 = tpu.memref_slice %arg2[%dma_wait3A_24, %dma_wait3A_25] : memref<4096x128xf32, #tpu.memory_space<hbm>> -> memref<4096x128xf32, #tpu.memory_space<hbm>>
      tpu.wait_indirect_dma semaphore(%arg8 : memref<!tpu.dma_semaphore, #tpu.memory_space<semaphore_mem>>) src(%dma_wait3A_26 : memref<4096x128xf32, #tpu.memory_space<hbm>>) dst(%arg6 : memref<128x128xf32, #tpu.memory_space<vmem>>)
      %add3A_27 = arith.addi %mul3A_2, %mul3A_14 : i32
      "tpu.region"() ({
        %run_scoped3A = tpu.sem_alloc : memref<!tpu.dma_semaphore, #tpu.memory_space<semaphore_mem>>
        %dma_start3A_34 = arith.constant 0 : i32
        %dma_start3A_35 = tpu.memref_slice %arg4[%add3A_27, %dma_start3A_34] : memref<81920x128xf32, #tpu.memory_space<hbm>> -> memref<128x128xf32, #tpu.memory_space<hbm>>
        %dma_start3A_36 = arith.constant 0 : i32
        %dma_start3A_37 = tpu.memref_slice %arg4[%add3A_27, %dma_start3A_36] : memref<81920x128xf32, #tpu.memory_space<hbm>> -> memref<128x128xf32, #tpu.memory_space<hbm>>
        tpu.enqueue_dma source(%arg6 : memref<128x128xf32, #tpu.memory_space<vmem>>) target(%dma_start3A_37 : memref<128x128xf32, #tpu.memory_space<hbm>>) target_semaphore(%run_scoped3A : memref<!tpu.dma_semaphore, #tpu.memory_space<semaphore_mem>>)
        %dma_wait3A_38 = arith.constant 0 : i32
        %dma_wait3A_39 = tpu.memref_slice %arg4[%add3A_27, %dma_wait3A_38] : memref<81920x128xf32, #tpu.memory_space<hbm>> -> memref<128x128xf32, #tpu.memory_space<hbm>>
        %dma_wait3A_40 = arith.constant 0 : i32
        %dma_wait3A_41 = tpu.memref_slice %arg4[%add3A_27, %dma_wait3A_40] : memref<81920x128xf32, #tpu.memory_space<hbm>> -> memref<128x128xf32, #tpu.memory_space<hbm>>
        tpu.wait_dma2 semaphore(%run_scoped3A : memref<!tpu.dma_semaphore, #tpu.memory_space<semaphore_mem>>) src(%arg6 : memref<128x128xf32, #tpu.memory_space<vmem>>) dst(%dma_wait3A_41 : memref<128x128xf32, #tpu.memory_space<hbm>>)
        tpu.yield
      }) : () -> ()
      %dma_wait3A_28 = tpu.memref_slice %arg5[%add3A_16] : memref<2560xi32, #tpu.memory_space<vmem>> -> memref<128xi32, #tpu.memory_space<vmem>>
      %dma_wait3A_29 = arith.constant 0 : i32
      %dma_wait3A_30 = arith.constant 0 : i32
      %dma_wait3A_31 = tpu.memref_slice %arg2[%dma_wait3A_29, %dma_wait3A_30] : memref<4096x128xf32, #tpu.memory_space<hbm>> -> memref<4096x128xf32, #tpu.memory_space<hbm>>
      tpu.wait_indirect_dma semaphore(%arg9 : memref<!tpu.dma_semaphore, #tpu.memory_space<semaphore_mem>>) src(%dma_wait3A_31 : memref<4096x128xf32, #tpu.memory_space<hbm>>) dst(%arg7 : memref<128x128xf32, #tpu.memory_space<vmem>>)
      %add3A_32 = arith.addi %mul3A_2, %add3A_16 : i32
      "tpu.region"() ({
        %run_scoped3A = tpu.sem_alloc : memref<!tpu.dma_semaphore, #tpu.memory_space<semaphore_mem>>
        %dma_start3A_34 = arith.constant 0 : i32
        %dma_start3A_35 = tpu.memref_slice %arg4[%add3A_32, %dma_start3A_34] : memref<81920x128xf32, #tpu.memory_space<hbm>> -> memref<128x128xf32, #tpu.memory_space<hbm>>
        %dma_start3A_36 = arith.constant 0 : i32
        %dma_start3A_37 = tpu.memref_slice %arg4[%add3A_32, %dma_start3A_36] : memref<81920x128xf32, #tpu.memory_space<hbm>> -> memref<128x128xf32, #tpu.memory_space<hbm>>
        tpu.enqueue_dma source(%arg7 : memref<128x128xf32, #tpu.memory_space<vmem>>) target(%dma_start3A_37 : memref<128x128xf32, #tpu.memory_space<hbm>>) target_semaphore(%run_scoped3A : memref<!tpu.dma_semaphore, #tpu.memory_space<semaphore_mem>>)
        %dma_wait3A_38 = arith.constant 0 : i32
        %dma_wait3A_39 = tpu.memref_slice %arg4[%add3A_32, %dma_wait3A_38] : memref<81920x128xf32, #tpu.memory_space<hbm>> -> memref<128x128xf32, #tpu.memory_space<hbm>>
        %dma_wait3A_40 = arith.constant 0 : i32
        %dma_wait3A_41 = tpu.memref_slice %arg4[%add3A_32, %dma_wait3A_40] : memref<81920x128xf32, #tpu.memory_space<hbm>> -> memref<128x128xf32, #tpu.memory_space<hbm>>
        tpu.wait_dma2 semaphore(%run_scoped3A : memref<!tpu.dma_semaphore, #tpu.memory_space<semaphore_mem>>) src(%arg7 : memref<128x128xf32, #tpu.memory_space<vmem>>) dst(%dma_wait3A_41 : memref<128x128xf32, #tpu.memory_space<hbm>>)
        tpu.yield
      }) : () -> ()
      %scan3A_33 = arith.constant 0 : i32
      scf.yield %scan3A_33 : i32
    }
    %scan3A_8 = arith.constant 10 : i32
    return
  }
}

module attributes {stable_mosaic.version = 14 : i64} {
  func.func @_first_body(%arg0: memref<4096x128xf32, #tpu.memory_space<vmem>>, %arg1: memref<4096x20xi32, #tpu.memory_space<vmem>>, %arg2: memref<1024x1024xf32, #tpu.memory_space<vmem>>) attributes {dimension_semantics = [], scalar_prefetch = 0 : i64, scratch_operands = 1 : i64, tpu.core_type = #tpu.core_type<tc>} {
    %get3A = arith.constant 0 : index
    %get3A_0 = arith.constant 0 : index
    %get3A_1 = vector.load %arg0[%get3A, %get3A_0] : memref<4096x128xf32, #tpu.memory_space<vmem>>, vector<4096x128xf32>
    %iota3A = tpu.iota {dimensions = array<i32: 1>} : vector<1024x1024xi32>
    %iota3A_2 = tpu.iota {dimensions = array<i32: 1>} : vector<1024x20xi32>
    %slice3A = vector.extract_strided_slice %get3A_1 {offsets = [0, 0], sizes = [1024, 128], strides = [1, 1]} : vector<4096x128xf32> to vector<1024x128xf32>
    %mul3A = arith.mulf %slice3A, %slice3A : vector<1024x128xf32>
    %reduce_sum3A = arith.constant dense<0.000000e+00> : vector<1024xf32>
    %reduce_sum3A_3 = vector.multi_reduction <add>, %mul3A, %reduce_sum3A [1] : vector<1024x128xf32> to vector<1024xf32>
    %broadcast_in_dim3A = vector.shape_cast %reduce_sum3A_3 : vector<1024xf32> to vector<1024x1xf32>
    %convert_element_type3A = arith.truncf %slice3A : vector<1024x128xf32> to vector<1024x128xbf16>
    %dot_general3A = arith.constant dense<0.000000e+00> : vector<1024x1024xf32>
    %dot_general3A_4 = tpu.matmul %convert_element_type3A, %convert_element_type3A, %dot_general3A {dimension_numbers = #tpu.dot_dimension_numbers<[1], [1], [0], [0], [0, 0, 1, 0], [], []>, transpose_lhs_hint = false} : vector<1024x128xbf16>, vector<1024x128xbf16>, vector<1024x1024xf32> -> vector<1024x1024xf32>
    %mul3A_5 = arith.constant 2.000000e+00 : f32
    %mul3A_6 = vector.broadcast %mul3A_5 : f32 to vector<1024x1024xf32>
    %mul3A_7 = arith.mulf %mul3A_6, %dot_general3A_4 : vector<1024x1024xf32>
    %sub3A = vector.broadcast %broadcast_in_dim3A : vector<1024x1xf32> to vector<1024x1024xf32>
    %sub3A_8 = arith.subf %mul3A_7, %sub3A : vector<1024x1024xf32>
    %transpose3A = tpu.transpose %broadcast_in_dim3A, [1, 0] : vector<1024x1xf32> -> vector<1x1024xf32>
    %sub3A_9 = vector.broadcast %transpose3A : vector<1x1024xf32> to vector<1024x1024xf32>
    %sub3A_10 = arith.subf %sub3A_8, %sub3A_9 : vector<1024x1024xf32>
    %swap3A = arith.constant 0 : index
    %swap3A_11 = arith.constant 0 : index
    %swap3A_12 = vector.load %arg2[%swap3A, %swap3A_11] : memref<1024x1024xf32, #tpu.memory_space<vmem>>, vector<1024x1024xf32>
    tpu.vector_store %arg2[%swap3A, %swap3A_11], %sub3A_10 {strides = array<i32>} : memref<1024x1024xf32, #tpu.memory_space<vmem>>, vector<1024x1024xf32>,
    %broadcast_in_dim3A_13 = arith.constant 0 : i32
    %broadcast_in_dim3A_14 = vector.broadcast %broadcast_in_dim3A_13 : i32 to vector<1024x20xi32>
    %scan3A = arith.constant 0 : i32
    %scan3A_15 = arith.constant 20 : i32
    %scan3A_16 = arith.addi %scan3A, %scan3A_15 : i32
    %scan3A_17 = arith.constant 1 : i32
    %scan3A_18 = scf.for %scan3A_124 = %scan3A to %scan3A_16 step %scan3A_17 iter_args(%scan3A_125 = %broadcast_in_dim3A_14) -> (vector<1024x20xi32>)  : i32 {
      %get3A_126 = arith.constant 0 : index
      %get3A_127 = arith.constant 0 : index
      %get3A_128 = vector.load %arg2[%get3A_126, %get3A_127] : memref<1024x1024xf32, #tpu.memory_space<vmem>>, vector<1024x1024xf32>
      %reduce_max3A = arith.constant dense<0xFF800000> : vector<1024xf32>
      %reduce_max3A_129 = vector.multi_reduction <maximumf>, %get3A_128, %reduce_max3A [1] : vector<1024x1024xf32> to vector<1024xf32>
      %broadcast_in_dim3A_130 = vector.shape_cast %reduce_max3A_129 : vector<1024xf32> to vector<1024x1xf32>
      %eq3A = vector.broadcast %broadcast_in_dim3A_130 : vector<1024x1xf32> to vector<1024x1024xf32>
      %eq3A_131 = arith.cmpf oeq, %get3A_128, %eq3A : vector<1024x1024xf32>
      %jit3A = arith.constant 1024 : i32
      %broadcast_in_dim3A_132 = vector.broadcast %jit3A : i32 to vector<1024x1024xi32>
      %select_n3A = arith.select %eq3A_131, %iota3A, %broadcast_in_dim3A_132 : vector<1024x1024xi1>, vector<1024x1024xi32>
      %reduce_min3A = arith.constant dense<2147483647> : vector<1024xi32>
      %reduce_min3A_133 = vector.multi_reduction <minsi>, %select_n3A, %reduce_min3A [1] : vector<1024x1024xi32> to vector<1024xi32>
      %broadcast_in_dim3A_134 = vector.shape_cast %reduce_min3A_133 : vector<1024xi32> to vector<1024x1xi32>
      %eq3A_135 = vector.broadcast %broadcast_in_dim3A_134 : vector<1024x1xi32> to vector<1024x1024xi32>
      %eq3A_136 = arith.cmpi eq, %iota3A, %eq3A_135 : vector<1024x1024xi32>
      %jit3A_137 = arith.constant 0xFF800000 : f32
      %broadcast_in_dim3A_138 = vector.broadcast %jit3A_137 : f32 to vector<1024x1024xf32>
      %select_n3A_139 = arith.select %eq3A_136, %broadcast_in_dim3A_138, %get3A_128 : vector<1024x1024xi1>, vector<1024x1024xf32>
      %swap3A_140 = arith.constant 0 : index
      %swap3A_141 = arith.constant 0 : index
      %swap3A_142 = vector.load %arg2[%swap3A_140, %swap3A_141] : memref<1024x1024xf32, #tpu.memory_space<vmem>>, vector<1024x1024xf32>
      tpu.vector_store %arg2[%swap3A_140, %swap3A_141], %select_n3A_139 {strides = array<i32>} : memref<1024x1024xf32, #tpu.memory_space<vmem>>, vector<1024x1024xf32>,
      %eq3A_143 = vector.broadcast %scan3A_124 : i32 to vector<1024x20xi32>
      %eq3A_144 = arith.cmpi eq, %iota3A_2, %eq3A_143 : vector<1024x20xi32>
      %broadcast_in_dim3A_145 = vector.shape_cast %broadcast_in_dim3A_134 : vector<1024x1xi32> to vector<1024x1xi32>
      %broadcast_in_dim3A_146 = vector.broadcast %broadcast_in_dim3A_145 : vector<1024x1xi32> to vector<1024x20xi32>
      %select_n3A_147 = arith.select %eq3A_144, %broadcast_in_dim3A_146, %scan3A_125 : vector<1024x20xi1>, vector<1024x20xi32>
      scf.yield %select_n3A_147 : vector<1024x20xi32>
    }
    %scan3A_19 = arith.constant 20 : i32
    %add3A = arith.constant 0 : i32
    %add3A_20 = vector.broadcast %add3A : i32 to vector<1024x20xi32>
    %add3A_21 = arith.addi %scan3A_18, %add3A_20 : vector<1024x20xi32>
    %swap3A_22 = arith.constant 0 : index
    %swap3A_23 = arith.constant 0 : index
    %swap3A_24 = vector.load %arg1[%swap3A_22, %swap3A_23] : memref<4096x20xi32, #tpu.memory_space<vmem>>, vector<1024x20xi32>
    tpu.vector_store %arg1[%swap3A_22, %swap3A_23], %add3A_21 {strides = array<i32>} : memref<4096x20xi32, #tpu.memory_space<vmem>>, vector<1024x20xi32>,
    %slice3A_25 = vector.extract_strided_slice %get3A_1 {offsets = [1024, 0], sizes = [1024, 128], strides = [1, 1]} : vector<4096x128xf32> to vector<1024x128xf32>
    %mul3A_26 = arith.mulf %slice3A_25, %slice3A_25 : vector<1024x128xf32>
    %reduce_sum3A_27 = arith.constant dense<0.000000e+00> : vector<1024xf32>
    %reduce_sum3A_28 = vector.multi_reduction <add>, %mul3A_26, %reduce_sum3A_27 [1] : vector<1024x128xf32> to vector<1024xf32>
    %broadcast_in_dim3A_29 = vector.shape_cast %reduce_sum3A_28 : vector<1024xf32> to vector<1024x1xf32>
    %convert_element_type3A_30 = arith.truncf %slice3A_25 : vector<1024x128xf32> to vector<1024x128xbf16>
    %dot_general3A_31 = arith.constant dense<0.000000e+00> : vector<1024x1024xf32>
    %dot_general3A_32 = tpu.matmul %convert_element_type3A_30, %convert_element_type3A_30, %dot_general3A_31 {dimension_numbers = #tpu.dot_dimension_numbers<[1], [1], [0], [0], [0, 0, 1, 0], [], []>, transpose_lhs_hint = false} : vector<1024x128xbf16>, vector<1024x128xbf16>, vector<1024x1024xf32> -> vector<1024x1024xf32>
    %mul3A_33 = arith.constant 2.000000e+00 : f32
    %mul3A_34 = vector.broadcast %mul3A_33 : f32 to vector<1024x1024xf32>
    %mul3A_35 = arith.mulf %mul3A_34, %dot_general3A_32 : vector<1024x1024xf32>
    %sub3A_36 = vector.broadcast %broadcast_in_dim3A_29 : vector<1024x1xf32> to vector<1024x1024xf32>
    %sub3A_37 = arith.subf %mul3A_35, %sub3A_36 : vector<1024x1024xf32>
    %transpose3A_38 = tpu.transpose %broadcast_in_dim3A_29, [1, 0] : vector<1024x1xf32> -> vector<1x1024xf32>
    %sub3A_39 = vector.broadcast %transpose3A_38 : vector<1x1024xf32> to vector<1024x1024xf32>
    %sub3A_40 = arith.subf %sub3A_37, %sub3A_39 : vector<1024x1024xf32>
    %swap3A_41 = arith.constant 0 : index
    %swap3A_42 = arith.constant 0 : index
    %swap3A_43 = vector.load %arg2[%swap3A_41, %swap3A_42] : memref<1024x1024xf32, #tpu.memory_space<vmem>>, vector<1024x1024xf32>
    tpu.vector_store %arg2[%swap3A_41, %swap3A_42], %sub3A_40 {strides = array<i32>} : memref<1024x1024xf32, #tpu.memory_space<vmem>>, vector<1024x1024xf32>,
    %broadcast_in_dim3A_44 = arith.constant 0 : i32
    %broadcast_in_dim3A_45 = vector.broadcast %broadcast_in_dim3A_44 : i32 to vector<1024x20xi32>
    %scan3A_46 = arith.constant 0 : i32
    %scan3A_47 = arith.constant 20 : i32
    %scan3A_48 = arith.addi %scan3A_46, %scan3A_47 : i32
    %scan3A_49 = arith.constant 1 : i32
    %scan3A_50 = scf.for %scan3A_124 = %scan3A_46 to %scan3A_48 step %scan3A_49 iter_args(%scan3A_125 = %broadcast_in_dim3A_45) -> (vector<1024x20xi32>)  : i32 {
      %get3A_126 = arith.constant 0 : index
      %get3A_127 = arith.constant 0 : index
      %get3A_128 = vector.load %arg2[%get3A_126, %get3A_127] : memref<1024x1024xf32, #tpu.memory_space<vmem>>, vector<1024x1024xf32>
      %reduce_max3A = arith.constant dense<0xFF800000> : vector<1024xf32>
      %reduce_max3A_129 = vector.multi_reduction <maximumf>, %get3A_128, %reduce_max3A [1] : vector<1024x1024xf32> to vector<1024xf32>
      %broadcast_in_dim3A_130 = vector.shape_cast %reduce_max3A_129 : vector<1024xf32> to vector<1024x1xf32>
      %eq3A = vector.broadcast %broadcast_in_dim3A_130 : vector<1024x1xf32> to vector<1024x1024xf32>
      %eq3A_131 = arith.cmpf oeq, %get3A_128, %eq3A : vector<1024x1024xf32>
      %jit3A = arith.constant 1024 : i32
      %broadcast_in_dim3A_132 = vector.broadcast %jit3A : i32 to vector<1024x1024xi32>
      %select_n3A = arith.select %eq3A_131, %iota3A, %broadcast_in_dim3A_132 : vector<1024x1024xi1>, vector<1024x1024xi32>
      %reduce_min3A = arith.constant dense<2147483647> : vector<1024xi32>
      %reduce_min3A_133 = vector.multi_reduction <minsi>, %select_n3A, %reduce_min3A [1] : vector<1024x1024xi32> to vector<1024xi32>
      %broadcast_in_dim3A_134 = vector.shape_cast %reduce_min3A_133 : vector<1024xi32> to vector<1024x1xi32>
      %eq3A_135 = vector.broadcast %broadcast_in_dim3A_134 : vector<1024x1xi32> to vector<1024x1024xi32>
      %eq3A_136 = arith.cmpi eq, %iota3A, %eq3A_135 : vector<1024x1024xi32>
      %jit3A_137 = arith.constant 0xFF800000 : f32
      %broadcast_in_dim3A_138 = vector.broadcast %jit3A_137 : f32 to vector<1024x1024xf32>
      %select_n3A_139 = arith.select %eq3A_136, %broadcast_in_dim3A_138, %get3A_128 : vector<1024x1024xi1>, vector<1024x1024xf32>
      %swap3A_140 = arith.constant 0 : index
      %swap3A_141 = arith.constant 0 : index
      %swap3A_142 = vector.load %arg2[%swap3A_140, %swap3A_141] : memref<1024x1024xf32, #tpu.memory_space<vmem>>, vector<1024x1024xf32>
      tpu.vector_store %arg2[%swap3A_140, %swap3A_141], %select_n3A_139 {strides = array<i32>} : memref<1024x1024xf32, #tpu.memory_space<vmem>>, vector<1024x1024xf32>,
      %eq3A_143 = vector.broadcast %scan3A_124 : i32 to vector<1024x20xi32>
      %eq3A_144 = arith.cmpi eq, %iota3A_2, %eq3A_143 : vector<1024x20xi32>
      %broadcast_in_dim3A_145 = vector.shape_cast %broadcast_in_dim3A_134 : vector<1024x1xi32> to vector<1024x1xi32>
      %broadcast_in_dim3A_146 = vector.broadcast %broadcast_in_dim3A_145 : vector<1024x1xi32> to vector<1024x20xi32>
      %select_n3A_147 = arith.select %eq3A_144, %broadcast_in_dim3A_146, %scan3A_125 : vector<1024x20xi1>, vector<1024x20xi32>
      scf.yield %select_n3A_147 : vector<1024x20xi32>
    }
    %scan3A_51 = arith.constant 20 : i32
    %add3A_52 = arith.constant 1024 : i32
    %add3A_53 = vector.broadcast %add3A_52 : i32 to vector<1024x20xi32>
    %add3A_54 = arith.addi %scan3A_50, %add3A_53 : vector<1024x20xi32>
    %swap3A_55 = arith.constant 1024 : index
    %swap3A_56 = arith.constant 0 : index
    %swap3A_57 = vector.load %arg1[%swap3A_55, %swap3A_56] : memref<4096x20xi32, #tpu.memory_space<vmem>>, vector<1024x20xi32>
    tpu.vector_store %arg1[%swap3A_55, %swap3A_56], %add3A_54 {strides = array<i32>} : memref<4096x20xi32, #tpu.memory_space<vmem>>, vector<1024x20xi32>,
    %slice3A_58 = vector.extract_strided_slice %get3A_1 {offsets = [2048, 0], sizes = [1024, 128], strides = [1, 1]} : vector<4096x128xf32> to vector<1024x128xf32>
    %mul3A_59 = arith.mulf %slice3A_58, %slice3A_58 : vector<1024x128xf32>
    %reduce_sum3A_60 = arith.constant dense<0.000000e+00> : vector<1024xf32>
    %reduce_sum3A_61 = vector.multi_reduction <add>, %mul3A_59, %reduce_sum3A_60 [1] : vector<1024x128xf32> to vector<1024xf32>
    %broadcast_in_dim3A_62 = vector.shape_cast %reduce_sum3A_61 : vector<1024xf32> to vector<1024x1xf32>
    %convert_element_type3A_63 = arith.truncf %slice3A_58 : vector<1024x128xf32> to vector<1024x128xbf16>
    %dot_general3A_64 = arith.constant dense<0.000000e+00> : vector<1024x1024xf32>
    %dot_general3A_65 = tpu.matmul %convert_element_type3A_63, %convert_element_type3A_63, %dot_general3A_64 {dimension_numbers = #tpu.dot_dimension_numbers<[1], [1], [0], [0], [0, 0, 1, 0], [], []>, transpose_lhs_hint = false} : vector<1024x128xbf16>, vector<1024x128xbf16>, vector<1024x1024xf32> -> vector<1024x1024xf32>
    %mul3A_66 = arith.constant 2.000000e+00 : f32
    %mul3A_67 = vector.broadcast %mul3A_66 : f32 to vector<1024x1024xf32>
    %mul3A_68 = arith.mulf %mul3A_67, %dot_general3A_65 : vector<1024x1024xf32>
    %sub3A_69 = vector.broadcast %broadcast_in_dim3A_62 : vector<1024x1xf32> to vector<1024x1024xf32>
    %sub3A_70 = arith.subf %mul3A_68, %sub3A_69 : vector<1024x1024xf32>
    %transpose3A_71 = tpu.transpose %broadcast_in_dim3A_62, [1, 0] : vector<1024x1xf32> -> vector<1x1024xf32>
    %sub3A_72 = vector.broadcast %transpose3A_71 : vector<1x1024xf32> to vector<1024x1024xf32>
    %sub3A_73 = arith.subf %sub3A_70, %sub3A_72 : vector<1024x1024xf32>
    %swap3A_74 = arith.constant 0 : index
    %swap3A_75 = arith.constant 0 : index
    %swap3A_76 = vector.load %arg2[%swap3A_74, %swap3A_75] : memref<1024x1024xf32, #tpu.memory_space<vmem>>, vector<1024x1024xf32>
    tpu.vector_store %arg2[%swap3A_74, %swap3A_75], %sub3A_73 {strides = array<i32>} : memref<1024x1024xf32, #tpu.memory_space<vmem>>, vector<1024x1024xf32>,
    %broadcast_in_dim3A_77 = arith.constant 0 : i32
    %broadcast_in_dim3A_78 = vector.broadcast %broadcast_in_dim3A_77 : i32 to vector<1024x20xi32>
    %scan3A_79 = arith.constant 0 : i32
    %scan3A_80 = arith.constant 20 : i32
    %scan3A_81 = arith.addi %scan3A_79, %scan3A_80 : i32
    %scan3A_82 = arith.constant 1 : i32
    %scan3A_83 = scf.for %scan3A_124 = %scan3A_79 to %scan3A_81 step %scan3A_82 iter_args(%scan3A_125 = %broadcast_in_dim3A_78) -> (vector<1024x20xi32>)  : i32 {
      %get3A_126 = arith.constant 0 : index
      %get3A_127 = arith.constant 0 : index
      %get3A_128 = vector.load %arg2[%get3A_126, %get3A_127] : memref<1024x1024xf32, #tpu.memory_space<vmem>>, vector<1024x1024xf32>
      %reduce_max3A = arith.constant dense<0xFF800000> : vector<1024xf32>
      %reduce_max3A_129 = vector.multi_reduction <maximumf>, %get3A_128, %reduce_max3A [1] : vector<1024x1024xf32> to vector<1024xf32>
      %broadcast_in_dim3A_130 = vector.shape_cast %reduce_max3A_129 : vector<1024xf32> to vector<1024x1xf32>
      %eq3A = vector.broadcast %broadcast_in_dim3A_130 : vector<1024x1xf32> to vector<1024x1024xf32>
      %eq3A_131 = arith.cmpf oeq, %get3A_128, %eq3A : vector<1024x1024xf32>
      %jit3A = arith.constant 1024 : i32
      %broadcast_in_dim3A_132 = vector.broadcast %jit3A : i32 to vector<1024x1024xi32>
      %select_n3A = arith.select %eq3A_131, %iota3A, %broadcast_in_dim3A_132 : vector<1024x1024xi1>, vector<1024x1024xi32>
      %reduce_min3A = arith.constant dense<2147483647> : vector<1024xi32>
      %reduce_min3A_133 = vector.multi_reduction <minsi>, %select_n3A, %reduce_min3A [1] : vector<1024x1024xi32> to vector<1024xi32>
      %broadcast_in_dim3A_134 = vector.shape_cast %reduce_min3A_133 : vector<1024xi32> to vector<1024x1xi32>
      %eq3A_135 = vector.broadcast %broadcast_in_dim3A_134 : vector<1024x1xi32> to vector<1024x1024xi32>
      %eq3A_136 = arith.cmpi eq, %iota3A, %eq3A_135 : vector<1024x1024xi32>
      %jit3A_137 = arith.constant 0xFF800000 : f32
      %broadcast_in_dim3A_138 = vector.broadcast %jit3A_137 : f32 to vector<1024x1024xf32>
      %select_n3A_139 = arith.select %eq3A_136, %broadcast_in_dim3A_138, %get3A_128 : vector<1024x1024xi1>, vector<1024x1024xf32>
      %swap3A_140 = arith.constant 0 : index
      %swap3A_141 = arith.constant 0 : index
      %swap3A_142 = vector.load %arg2[%swap3A_140, %swap3A_141] : memref<1024x1024xf32, #tpu.memory_space<vmem>>, vector<1024x1024xf32>
      tpu.vector_store %arg2[%swap3A_140, %swap3A_141], %select_n3A_139 {strides = array<i32>} : memref<1024x1024xf32, #tpu.memory_space<vmem>>, vector<1024x1024xf32>,
      %eq3A_143 = vector.broadcast %scan3A_124 : i32 to vector<1024x20xi32>
      %eq3A_144 = arith.cmpi eq, %iota3A_2, %eq3A_143 : vector<1024x20xi32>
      %broadcast_in_dim3A_145 = vector.shape_cast %broadcast_in_dim3A_134 : vector<1024x1xi32> to vector<1024x1xi32>
      %broadcast_in_dim3A_146 = vector.broadcast %broadcast_in_dim3A_145 : vector<1024x1xi32> to vector<1024x20xi32>
      %select_n3A_147 = arith.select %eq3A_144, %broadcast_in_dim3A_146, %scan3A_125 : vector<1024x20xi1>, vector<1024x20xi32>
      scf.yield %select_n3A_147 : vector<1024x20xi32>
    }
    %scan3A_84 = arith.constant 20 : i32
    %add3A_85 = arith.constant 2048 : i32
    %add3A_86 = vector.broadcast %add3A_85 : i32 to vector<1024x20xi32>
    %add3A_87 = arith.addi %scan3A_83, %add3A_86 : vector<1024x20xi32>
    %swap3A_88 = arith.constant 2048 : index
    %swap3A_89 = arith.constant 0 : index
    %swap3A_90 = vector.load %arg1[%swap3A_88, %swap3A_89] : memref<4096x20xi32, #tpu.memory_space<vmem>>, vector<1024x20xi32>
    tpu.vector_store %arg1[%swap3A_88, %swap3A_89], %add3A_87 {strides = array<i32>} : memref<4096x20xi32, #tpu.memory_space<vmem>>, vector<1024x20xi32>,
    %slice3A_91 = vector.extract_strided_slice %get3A_1 {offsets = [3072, 0], sizes = [1024, 128], strides = [1, 1]} : vector<4096x128xf32> to vector<1024x128xf32>
    %mul3A_92 = arith.mulf %slice3A_91, %slice3A_91 : vector<1024x128xf32>
    %reduce_sum3A_93 = arith.constant dense<0.000000e+00> : vector<1024xf32>
    %reduce_sum3A_94 = vector.multi_reduction <add>, %mul3A_92, %reduce_sum3A_93 [1] : vector<1024x128xf32> to vector<1024xf32>
    %broadcast_in_dim3A_95 = vector.shape_cast %reduce_sum3A_94 : vector<1024xf32> to vector<1024x1xf32>
    %convert_element_type3A_96 = arith.truncf %slice3A_91 : vector<1024x128xf32> to vector<1024x128xbf16>
    %dot_general3A_97 = arith.constant dense<0.000000e+00> : vector<1024x1024xf32>
    %dot_general3A_98 = tpu.matmul %convert_element_type3A_96, %convert_element_type3A_96, %dot_general3A_97 {dimension_numbers = #tpu.dot_dimension_numbers<[1], [1], [0], [0], [0, 0, 1, 0], [], []>, transpose_lhs_hint = false} : vector<1024x128xbf16>, vector<1024x128xbf16>, vector<1024x1024xf32> -> vector<1024x1024xf32>
    %mul3A_99 = arith.constant 2.000000e+00 : f32
    %mul3A_100 = vector.broadcast %mul3A_99 : f32 to vector<1024x1024xf32>
    %mul3A_101 = arith.mulf %mul3A_100, %dot_general3A_98 : vector<1024x1024xf32>
    %sub3A_102 = vector.broadcast %broadcast_in_dim3A_95 : vector<1024x1xf32> to vector<1024x1024xf32>
    %sub3A_103 = arith.subf %mul3A_101, %sub3A_102 : vector<1024x1024xf32>
    %transpose3A_104 = tpu.transpose %broadcast_in_dim3A_95, [1, 0] : vector<1024x1xf32> -> vector<1x1024xf32>
    %sub3A_105 = vector.broadcast %transpose3A_104 : vector<1x1024xf32> to vector<1024x1024xf32>
    %sub3A_106 = arith.subf %sub3A_103, %sub3A_105 : vector<1024x1024xf32>
    %swap3A_107 = arith.constant 0 : index
    %swap3A_108 = arith.constant 0 : index
    %swap3A_109 = vector.load %arg2[%swap3A_107, %swap3A_108] : memref<1024x1024xf32, #tpu.memory_space<vmem>>, vector<1024x1024xf32>
    tpu.vector_store %arg2[%swap3A_107, %swap3A_108], %sub3A_106 {strides = array<i32>} : memref<1024x1024xf32, #tpu.memory_space<vmem>>, vector<1024x1024xf32>,
    %broadcast_in_dim3A_110 = arith.constant 0 : i32
    %broadcast_in_dim3A_111 = vector.broadcast %broadcast_in_dim3A_110 : i32 to vector<1024x20xi32>
    %scan3A_112 = arith.constant 0 : i32
    %scan3A_113 = arith.constant 20 : i32
    %scan3A_114 = arith.addi %scan3A_112, %scan3A_113 : i32
    %scan3A_115 = arith.constant 1 : i32
    %scan3A_116 = scf.for %scan3A_124 = %scan3A_112 to %scan3A_114 step %scan3A_115 iter_args(%scan3A_125 = %broadcast_in_dim3A_111) -> (vector<1024x20xi32>)  : i32 {
      %get3A_126 = arith.constant 0 : index
      %get3A_127 = arith.constant 0 : index
      %get3A_128 = vector.load %arg2[%get3A_126, %get3A_127] : memref<1024x1024xf32, #tpu.memory_space<vmem>>, vector<1024x1024xf32>
      %reduce_max3A = arith.constant dense<0xFF800000> : vector<1024xf32>
      %reduce_max3A_129 = vector.multi_reduction <maximumf>, %get3A_128, %reduce_max3A [1] : vector<1024x1024xf32> to vector<1024xf32>
      %broadcast_in_dim3A_130 = vector.shape_cast %reduce_max3A_129 : vector<1024xf32> to vector<1024x1xf32>
      %eq3A = vector.broadcast %broadcast_in_dim3A_130 : vector<1024x1xf32> to vector<1024x1024xf32>
      %eq3A_131 = arith.cmpf oeq, %get3A_128, %eq3A : vector<1024x1024xf32>
      %jit3A = arith.constant 1024 : i32
      %broadcast_in_dim3A_132 = vector.broadcast %jit3A : i32 to vector<1024x1024xi32>
      %select_n3A = arith.select %eq3A_131, %iota3A, %broadcast_in_dim3A_132 : vector<1024x1024xi1>, vector<1024x1024xi32>
      %reduce_min3A = arith.constant dense<2147483647> : vector<1024xi32>
      %reduce_min3A_133 = vector.multi_reduction <minsi>, %select_n3A, %reduce_min3A [1] : vector<1024x1024xi32> to vector<1024xi32>
      %broadcast_in_dim3A_134 = vector.shape_cast %reduce_min3A_133 : vector<1024xi32> to vector<1024x1xi32>
      %eq3A_135 = vector.broadcast %broadcast_in_dim3A_134 : vector<1024x1xi32> to vector<1024x1024xi32>
      %eq3A_136 = arith.cmpi eq, %iota3A, %eq3A_135 : vector<1024x1024xi32>
      %jit3A_137 = arith.constant 0xFF800000 : f32
      %broadcast_in_dim3A_138 = vector.broadcast %jit3A_137 : f32 to vector<1024x1024xf32>
      %select_n3A_139 = arith.select %eq3A_136, %broadcast_in_dim3A_138, %get3A_128 : vector<1024x1024xi1>, vector<1024x1024xf32>
      %swap3A_140 = arith.constant 0 : index
      %swap3A_141 = arith.constant 0 : index
      %swap3A_142 = vector.load %arg2[%swap3A_140, %swap3A_141] : memref<1024x1024xf32, #tpu.memory_space<vmem>>, vector<1024x1024xf32>
      tpu.vector_store %arg2[%swap3A_140, %swap3A_141], %select_n3A_139 {strides = array<i32>} : memref<1024x1024xf32, #tpu.memory_space<vmem>>, vector<1024x1024xf32>,
      %eq3A_143 = vector.broadcast %scan3A_124 : i32 to vector<1024x20xi32>
      %eq3A_144 = arith.cmpi eq, %iota3A_2, %eq3A_143 : vector<1024x20xi32>
      %broadcast_in_dim3A_145 = vector.shape_cast %broadcast_in_dim3A_134 : vector<1024x1xi32> to vector<1024x1xi32>
      %broadcast_in_dim3A_146 = vector.broadcast %broadcast_in_dim3A_145 : vector<1024x1xi32> to vector<1024x20xi32>
      %select_n3A_147 = arith.select %eq3A_144, %broadcast_in_dim3A_146, %scan3A_125 : vector<1024x20xi1>, vector<1024x20xi32>
      scf.yield %select_n3A_147 : vector<1024x20xi32>
    }
    %scan3A_117 = arith.constant 20 : i32
    %add3A_118 = arith.constant 3072 : i32
    %add3A_119 = vector.broadcast %add3A_118 : i32 to vector<1024x20xi32>
    %add3A_120 = arith.addi %scan3A_116, %add3A_119 : vector<1024x20xi32>
    %swap3A_121 = arith.constant 3072 : index
    %swap3A_122 = arith.constant 0 : index
    %swap3A_123 = vector.load %arg1[%swap3A_121, %swap3A_122] : memref<4096x20xi32, #tpu.memory_space<vmem>>, vector<1024x20xi32>
    tpu.vector_store %arg1[%swap3A_121, %swap3A_122], %add3A_120 {strides = array<i32>} : memref<4096x20xi32, #tpu.memory_space<vmem>>, vector<1024x20xi32>,
    return
  }
}

module attributes {stable_mosaic.version = 14 : i64} {
  func.func @_edge_body(%arg0: i32, %arg1: i32, %arg2: memref<4096x128xf32, #tpu.memory_space<vmem>>, %arg3: memref<4096x128xf32, #tpu.memory_space<vmem>>, %arg4: memref<256x128xbf16, #tpu.memory_space<vmem>>, %arg5: memref<4096x128xf32, #tpu.memory_space<vmem>>, %arg6: memref<4096x128xf32, #tpu.memory_space<vmem>>, %arg7: memref<4096x128xf32, #tpu.memory_space<vmem>>, %arg8: memref<4096x128xf32, #tpu.memory_space<vmem>>) attributes {dimension_semantics = [#tpu.dimension_semantics<arbitrary>, #tpu.dimension_semantics<arbitrary>], iteration_bounds = array<i64: 1, 20>, scalar_prefetch = 0 : i64, scratch_operands = 0 : i64, tpu.core_type = #tpu.core_type<tc>, window_params = [{transform_indices = @transform_0, window_bounds = array<i64: 4096, 128>}, {transform_indices = @transform_1, window_bounds = array<i64: 4096, 128>}, {pipeline_mode = #tpu.pipeline_mode<synchronous>, transform_indices = @transform_2, window_bounds = array<i64: 256, 128>}, {transform_indices = @transform_3, window_bounds = array<i64: 4096, 128>}, {transform_indices = @transform_4, window_bounds = array<i64: 4096, 128>}, {transform_indices = @transform_5, window_bounds = array<i64: 4096, 128>}, {transform_indices = @transform_6, window_bounds = array<i64: 4096, 128>}]} {
    %get3A = arith.constant 0 : index
    %get3A_0 = arith.constant 0 : index
    %get3A_1 = vector.load %arg3[%get3A, %get3A_0] : memref<4096x128xf32, #tpu.memory_space<vmem>>, vector<4096x128xf32>
    %get3A_2 = arith.constant 0 : index
    %get3A_3 = arith.constant 0 : index
    %get3A_4 = vector.load %arg2[%get3A_2, %get3A_3] : memref<4096x128xf32, #tpu.memory_space<vmem>>, vector<4096x128xf32>
    %sub3A = arith.subf %get3A_4, %get3A_1 : vector<4096x128xf32>
    %concatenate3A = tpu.concatenate %sub3A, %get3A_1 in 1 : vector<4096x128xf32>, vector<4096x128xf32> -> vector<4096x256xf32>
    %convert_element_type3A = arith.truncf %concatenate3A : vector<4096x256xf32> to vector<4096x256xbf16>
    %get3A_5 = arith.constant 0 : index
    %get3A_6 = arith.constant 0 : index
    %get3A_7 = vector.load %arg4[%get3A_5, %get3A_6] : memref<256x128xbf16, #tpu.memory_space<vmem>>, vector<256x128xbf16>
    %dot_general3A = arith.constant dense<0.000000e+00> : vector<4096x128xf32>
    %dot_general3A_8 = tpu.matmul %convert_element_type3A, %get3A_7, %dot_general3A {dimension_numbers = #tpu.dot_dimension_numbers<[1], [0], [0], [1], [0, 0, 1, 1], [], []>, transpose_lhs_hint = false} : vector<4096x256xbf16>, vector<256x128xbf16>, vector<4096x128xf32> -> vector<4096x128xf32>
    %mul3A = arith.mulf %dot_general3A_8, %dot_general3A_8 : vector<4096x128xf32>
    %eq3A = arith.constant 0 : i32
    %eq3A_9 = arith.cmpi eq, %arg1, %eq3A : i32
    %convert_element_type3A_10 = arith.extui %eq3A_9 : i1 to i32
    %cond3A = arith.constant 0 : i32
    %cond3A_11 = arith.cmpi ne, %convert_element_type3A_10, %cond3A : i32
    scf.if %cond3A_11 {
      %swap3A = arith.constant 0 : index
      %swap3A_16 = arith.constant 0 : index
      %swap3A_17 = vector.load %arg5[%swap3A, %swap3A_16] : memref<4096x128xf32, #tpu.memory_space<vmem>>, vector<4096x128xf32>
      tpu.vector_store %arg5[%swap3A, %swap3A_16], %dot_general3A_8 {strides = array<i32>} : memref<4096x128xf32, #tpu.memory_space<vmem>>, vector<4096x128xf32>,
      %swap3A_18 = arith.constant 0 : index
      %swap3A_19 = arith.constant 0 : index
      %swap3A_20 = vector.load %arg6[%swap3A_18, %swap3A_19] : memref<4096x128xf32, #tpu.memory_space<vmem>>, vector<4096x128xf32>
      tpu.vector_store %arg6[%swap3A_18, %swap3A_19], %mul3A {strides = array<i32>} : memref<4096x128xf32, #tpu.memory_space<vmem>>, vector<4096x128xf32>,
      %swap3A_21 = arith.constant 0 : index
      %swap3A_22 = arith.constant 0 : index
      %swap3A_23 = vector.load %arg7[%swap3A_21, %swap3A_22] : memref<4096x128xf32, #tpu.memory_space<vmem>>, vector<4096x128xf32>
      tpu.vector_store %arg7[%swap3A_21, %swap3A_22], %dot_general3A_8 {strides = array<i32>} : memref<4096x128xf32, #tpu.memory_space<vmem>>, vector<4096x128xf32>,
      %swap3A_24 = arith.constant 0 : index
      %swap3A_25 = arith.constant 0 : index
      %swap3A_26 = vector.load %arg8[%swap3A_24, %swap3A_25] : memref<4096x128xf32, #tpu.memory_space<vmem>>, vector<4096x128xf32>
      tpu.vector_store %arg8[%swap3A_24, %swap3A_25], %dot_general3A_8 {strides = array<i32>} : memref<4096x128xf32, #tpu.memory_space<vmem>>, vector<4096x128xf32>,
    } else {
    }
    %ne3A = arith.constant 0 : i32
    %ne3A_12 = arith.cmpi ne, %arg1, %ne3A : i32
    %convert_element_type3A_13 = arith.extui %ne3A_12 : i1 to i32
    %cond3A_14 = arith.constant 0 : i32
    %cond3A_15 = arith.cmpi ne, %convert_element_type3A_13, %cond3A_14 : i32
    scf.if %cond3A_15 {
      %get3A_16 = arith.constant 0 : index
      %get3A_17 = arith.constant 0 : index
      %get3A_18 = vector.load %arg5[%get3A_16, %get3A_17] : memref<4096x128xf32, #tpu.memory_space<vmem>>, vector<4096x128xf32>
      %add3A = arith.addf %get3A_18, %dot_general3A_8 : vector<4096x128xf32>
      %swap3A = arith.constant 0 : index
      %swap3A_19 = arith.constant 0 : index
      %swap3A_20 = vector.load %arg5[%swap3A, %swap3A_19] : memref<4096x128xf32, #tpu.memory_space<vmem>>, vector<4096x128xf32>
      tpu.vector_store %arg5[%swap3A, %swap3A_19], %add3A {strides = array<i32>} : memref<4096x128xf32, #tpu.memory_space<vmem>>, vector<4096x128xf32>,
      %get3A_21 = arith.constant 0 : index
      %get3A_22 = arith.constant 0 : index
      %get3A_23 = vector.load %arg6[%get3A_21, %get3A_22] : memref<4096x128xf32, #tpu.memory_space<vmem>>, vector<4096x128xf32>
      %add3A_24 = arith.addf %get3A_23, %mul3A : vector<4096x128xf32>
      %swap3A_25 = arith.constant 0 : index
      %swap3A_26 = arith.constant 0 : index
      %swap3A_27 = vector.load %arg6[%swap3A_25, %swap3A_26] : memref<4096x128xf32, #tpu.memory_space<vmem>>, vector<4096x128xf32>
      tpu.vector_store %arg6[%swap3A_25, %swap3A_26], %add3A_24 {strides = array<i32>} : memref<4096x128xf32, #tpu.memory_space<vmem>>, vector<4096x128xf32>,
      %get3A_28 = arith.constant 0 : index
      %get3A_29 = arith.constant 0 : index
      %get3A_30 = vector.load %arg7[%get3A_28, %get3A_29] : memref<4096x128xf32, #tpu.memory_space<vmem>>, vector<4096x128xf32>
      %max3A = arith.maximumf %get3A_30, %dot_general3A_8 : vector<4096x128xf32>
      %swap3A_31 = arith.constant 0 : index
      %swap3A_32 = arith.constant 0 : index
      %swap3A_33 = vector.load %arg7[%swap3A_31, %swap3A_32] : memref<4096x128xf32, #tpu.memory_space<vmem>>, vector<4096x128xf32>
      tpu.vector_store %arg7[%swap3A_31, %swap3A_32], %max3A {strides = array<i32>} : memref<4096x128xf32, #tpu.memory_space<vmem>>, vector<4096x128xf32>,
      %get3A_34 = arith.constant 0 : index
      %get3A_35 = arith.constant 0 : index
      %get3A_36 = vector.load %arg8[%get3A_34, %get3A_35] : memref<4096x128xf32, #tpu.memory_space<vmem>>, vector<4096x128xf32>
      %min3A = arith.minimumf %get3A_36, %dot_general3A_8 : vector<4096x128xf32>
      %swap3A_37 = arith.constant 0 : index
      %swap3A_38 = arith.constant 0 : index
      %swap3A_39 = vector.load %arg8[%swap3A_37, %swap3A_38] : memref<4096x128xf32, #tpu.memory_space<vmem>>, vector<4096x128xf32>
      tpu.vector_store %arg8[%swap3A_37, %swap3A_38], %min3A {strides = array<i32>} : memref<4096x128xf32, #tpu.memory_space<vmem>>, vector<4096x128xf32>,
    } else {
    }
    return
  }
  func.func @transform_0(%arg0: i32, %arg1: i32) -> (i32, i32) {
    %mul3A = arith.constant 1 : i32
    %mul3A_0 = arith.muli %arg1, %mul3A : i32
    %add3A = arith.addi %mul3A_0, %arg0 : i32
    %c0_i32 = arith.constant 0 : i32
    %c0_i32_1 = arith.constant 0 : i32
    return %add3A, %c0_i32 : i32, i32
  }
  func.func @transform_1(%arg0: i32, %arg1: i32) -> (i32, i32) {
    %c0_i32 = arith.constant 0 : i32
    %c0_i32_0 = arith.constant 0 : i32
    return %arg0, %c0_i32 : i32, i32
  }
  func.func @transform_2(%arg0: i32, %arg1: i32) -> (i32, i32) {
    %c0_i32 = arith.constant 0 : i32
    %c0_i32_0 = arith.constant 0 : i32
    %c0_i32_1 = arith.constant 0 : i32
    return %c0_i32, %c0_i32_0 : i32, i32
  }
  func.func @transform_3(%arg0: i32, %arg1: i32) -> (i32, i32) {
    %c0_i32 = arith.constant 0 : i32
    %c0_i32_0 = arith.constant 0 : i32
    return %arg0, %c0_i32 : i32, i32
  }
  func.func @transform_4(%arg0: i32, %arg1: i32) -> (i32, i32) {
    %c0_i32 = arith.constant 0 : i32
    %c0_i32_0 = arith.constant 0 : i32
    return %arg0, %c0_i32 : i32, i32
  }
  func.func @transform_5(%arg0: i32, %arg1: i32) -> (i32, i32) {
    %c0_i32 = arith.constant 0 : i32
    %c0_i32_0 = arith.constant 0 : i32
    return %arg0, %c0_i32 : i32, i32
  }
  func.func @transform_6(%arg0: i32, %arg1: i32) -> (i32, i32) {
    %c0_i32 = arith.constant 0 : i32
    %c0_i32_0 = arith.constant 0 : i32
    return %arg0, %c0_i32 : i32, i32
  }
}

module attributes {stable_mosaic.version = 14 : i64} {
  func.func @_mid_body(%arg0: memref<4096x128xf32, #tpu.memory_space<vmem>>, %arg1: memref<4096x128xf32, #tpu.memory_space<vmem>>, %arg2: memref<4096x128xf32, #tpu.memory_space<vmem>>, %arg3: memref<4096x128xf32, #tpu.memory_space<vmem>>, %arg4: memref<1x128xf32, #tpu.memory_space<vmem>>, %arg5: memref<1x128xf32, #tpu.memory_space<vmem>>, %arg6: memref<4096x128xf32, #tpu.memory_space<vmem>>, %arg7: memref<4096x20xi32, #tpu.memory_space<vmem>>, %arg8: memref<1024x1024xf32, #tpu.memory_space<vmem>>) attributes {dimension_semantics = [], scalar_prefetch = 0 : i64, scratch_operands = 1 : i64, tpu.core_type = #tpu.core_type<tc>} {
    %get3A = arith.constant 0 : index
    %get3A_0 = arith.constant 0 : index
    %get3A_1 = vector.load %arg0[%get3A, %get3A_0] : memref<4096x128xf32, #tpu.memory_space<vmem>>, vector<4096x128xf32>
    %get3A_2 = arith.constant 0 : index
    %get3A_3 = arith.constant 0 : index
    %get3A_4 = vector.load %arg1[%get3A_2, %get3A_3] : memref<4096x128xf32, #tpu.memory_space<vmem>>, vector<4096x128xf32>
    %get3A_5 = arith.constant 0 : index
    %get3A_6 = arith.constant 0 : index
    %get3A_7 = vector.load %arg2[%get3A_5, %get3A_6] : memref<4096x128xf32, #tpu.memory_space<vmem>>, vector<4096x128xf32>
    %get3A_8 = arith.constant 0 : index
    %get3A_9 = arith.constant 0 : index
    %get3A_10 = vector.load %arg3[%get3A_8, %get3A_9] : memref<4096x128xf32, #tpu.memory_space<vmem>>, vector<4096x128xf32>
    %get3A_11 = arith.constant 0 : index
    %get3A_12 = arith.constant 0 : index
    %get3A_13 = vector.load %arg4[%get3A_11, %get3A_12] : memref<1x128xf32, #tpu.memory_space<vmem>>, vector<1x128xf32>
    %get3A_14 = arith.constant 0 : index
    %get3A_15 = arith.constant 0 : index
    %get3A_16 = vector.load %arg5[%get3A_14, %get3A_15] : memref<1x128xf32, #tpu.memory_space<vmem>>, vector<1x128xf32>
    %reduce_sum3A = arith.constant dense<0.000000e+00> : vector<128xf32>
    %reduce_sum3A_17 = vector.multi_reduction <add>, %get3A_1, %reduce_sum3A [0] : vector<4096x128xf32> to vector<128xf32>
    %broadcast_in_dim3A = vector.shape_cast %reduce_sum3A_17 : vector<128xf32> to vector<1x128xf32>
    %mul3A = arith.constant 1.22070314E-5 : f32
    %mul3A_18 = vector.broadcast %mul3A : f32 to vector<1x128xf32>
    %mul3A_19 = arith.mulf %broadcast_in_dim3A, %mul3A_18 : vector<1x128xf32>
    %reduce_sum3A_20 = arith.constant dense<0.000000e+00> : vector<128xf32>
    %reduce_sum3A_21 = vector.multi_reduction <add>, %get3A_4, %reduce_sum3A_20 [0] : vector<4096x128xf32> to vector<128xf32>
    %broadcast_in_dim3A_22 = vector.shape_cast %reduce_sum3A_21 : vector<128xf32> to vector<1x128xf32>
    %mul3A_23 = arith.constant 1.22070314E-5 : f32
    %mul3A_24 = vector.broadcast %mul3A_23 : f32 to vector<1x128xf32>
    %mul3A_25 = arith.mulf %broadcast_in_dim3A_22, %mul3A_24 : vector<1x128xf32>
    %mul3A_26 = arith.mulf %mul3A_19, %mul3A_19 : vector<1x128xf32>
    %sub3A = arith.subf %mul3A_25, %mul3A_26 : vector<1x128xf32>
    %add3A = arith.constant 9.99999974E-6 : f32
    %add3A_27 = vector.broadcast %add3A : f32 to vector<1x128xf32>
    %add3A_28 = arith.addf %sub3A, %add3A_27 : vector<1x128xf32>
    %sqrt3A = math.sqrt %add3A_28 : vector<1x128xf32>
    %div3A = arith.divf %get3A_13, %sqrt3A : vector<1x128xf32>
    %ge3A = arith.constant 0.000000e+00 : f32
    %ge3A_29 = vector.broadcast %ge3A : f32 to vector<1x128xf32>
    %ge3A_30 = arith.cmpf oge, %get3A_13, %ge3A_29 : vector<1x128xf32>
    %broadcast_in_dim3A_31 = vector.shape_cast %ge3A_30 : vector<1x128xi1> to vector<1x128xi1>
    %broadcast_in_dim3A_32 = vector.broadcast %broadcast_in_dim3A_31 : vector<1x128xi1> to vector<4096x128xi1>
    %select_n3A = arith.select %broadcast_in_dim3A_32, %get3A_7, %get3A_10 : vector<4096x128xi1>, vector<4096x128xf32>
    %sub3A_33 = vector.broadcast %mul3A_19 : vector<1x128xf32> to vector<4096x128xf32>
    %sub3A_34 = arith.subf %select_n3A, %sub3A_33 : vector<4096x128xf32>
    %mul3A_35 = vector.broadcast %div3A : vector<1x128xf32> to vector<4096x128xf32>
    %mul3A_36 = arith.mulf %sub3A_34, %mul3A_35 : vector<4096x128xf32>
    %add3A_37 = vector.broadcast %get3A_16 : vector<1x128xf32> to vector<4096x128xf32>
    %add3A_38 = arith.addf %mul3A_36, %add3A_37 : vector<4096x128xf32>
    %gt3A = arith.constant 0.000000e+00 : f32
    %gt3A_39 = vector.broadcast %gt3A : f32 to vector<4096x128xf32>
    %gt3A_40 = arith.cmpf ogt, %add3A_38, %gt3A_39 : vector<4096x128xf32>
    %mul3A_41 = arith.constant 2.000000e-01 : f32
    %mul3A_42 = vector.broadcast %mul3A_41 : f32 to vector<4096x128xf32>
    %mul3A_43 = arith.mulf %mul3A_42, %add3A_38 : vector<4096x128xf32>
    %select_n3A_44 = arith.select %gt3A_40, %add3A_38, %mul3A_43 : vector<4096x128xi1>, vector<4096x128xf32>
    %swap3A = arith.constant 0 : index
    %swap3A_45 = arith.constant 0 : index
    %swap3A_46 = vector.load %arg6[%swap3A, %swap3A_45] : memref<4096x128xf32, #tpu.memory_space<vmem>>, vector<4096x128xf32>
    tpu.vector_store %arg6[%swap3A, %swap3A_45], %select_n3A_44 {strides = array<i32>} : memref<4096x128xf32, #tpu.memory_space<vmem>>, vector<4096x128xf32>,
    %iota3A = tpu.iota {dimensions = array<i32: 1>} : vector<1024x1024xi32>
    %iota3A_47 = tpu.iota {dimensions = array<i32: 1>} : vector<1024x20xi32>
    %slice3A = vector.extract_strided_slice %select_n3A_44 {offsets = [0, 0], sizes = [1024, 128], strides = [1, 1]} : vector<4096x128xf32> to vector<1024x128xf32>
    %mul3A_48 = arith.mulf %slice3A, %slice3A : vector<1024x128xf32>
    %reduce_sum3A_49 = arith.constant dense<0.000000e+00> : vector<1024xf32>
    %reduce_sum3A_50 = vector.multi_reduction <add>, %mul3A_48, %reduce_sum3A_49 [1] : vector<1024x128xf32> to vector<1024xf32>
    %broadcast_in_dim3A_51 = vector.shape_cast %reduce_sum3A_50 : vector<1024xf32> to vector<1024x1xf32>
    %convert_element_type3A = arith.truncf %slice3A : vector<1024x128xf32> to vector<1024x128xbf16>
    %dot_general3A = arith.constant dense<0.000000e+00> : vector<1024x1024xf32>
    %dot_general3A_52 = tpu.matmul %convert_element_type3A, %convert_element_type3A, %dot_general3A {dimension_numbers = #tpu.dot_dimension_numbers<[1], [1], [0], [0], [0, 0, 1, 0], [], []>, transpose_lhs_hint = false} : vector<1024x128xbf16>, vector<1024x128xbf16>, vector<1024x1024xf32> -> vector<1024x1024xf32>
    %mul3A_53 = arith.constant 2.000000e+00 : f32
    %mul3A_54 = vector.broadcast %mul3A_53 : f32 to vector<1024x1024xf32>
    %mul3A_55 = arith.mulf %mul3A_54, %dot_general3A_52 : vector<1024x1024xf32>
    %sub3A_56 = vector.broadcast %broadcast_in_dim3A_51 : vector<1024x1xf32> to vector<1024x1024xf32>
    %sub3A_57 = arith.subf %mul3A_55, %sub3A_56 : vector<1024x1024xf32>
    %transpose3A = tpu.transpose %broadcast_in_dim3A_51, [1, 0] : vector<1024x1xf32> -> vector<1x1024xf32>
    %sub3A_58 = vector.broadcast %transpose3A : vector<1x1024xf32> to vector<1024x1024xf32>
    %sub3A_59 = arith.subf %sub3A_57, %sub3A_58 : vector<1024x1024xf32>
    %swap3A_60 = arith.constant 0 : index
    %swap3A_61 = arith.constant 0 : index
    %swap3A_62 = vector.load %arg8[%swap3A_60, %swap3A_61] : memref<1024x1024xf32, #tpu.memory_space<vmem>>, vector<1024x1024xf32>
    tpu.vector_store %arg8[%swap3A_60, %swap3A_61], %sub3A_59 {strides = array<i32>} : memref<1024x1024xf32, #tpu.memory_space<vmem>>, vector<1024x1024xf32>,
    %broadcast_in_dim3A_63 = arith.constant 0 : i32
    %broadcast_in_dim3A_64 = vector.broadcast %broadcast_in_dim3A_63 : i32 to vector<1024x20xi32>
    %scan3A = arith.constant 0 : i32
    %scan3A_65 = arith.constant 20 : i32
    %scan3A_66 = arith.addi %scan3A, %scan3A_65 : i32
    %scan3A_67 = arith.constant 1 : i32
    %scan3A_68 = scf.for %scan3A_175 = %scan3A to %scan3A_66 step %scan3A_67 iter_args(%scan3A_176 = %broadcast_in_dim3A_64) -> (vector<1024x20xi32>)  : i32 {
      %get3A_177 = arith.constant 0 : index
      %get3A_178 = arith.constant 0 : index
      %get3A_179 = vector.load %arg8[%get3A_177, %get3A_178] : memref<1024x1024xf32, #tpu.memory_space<vmem>>, vector<1024x1024xf32>
      %reduce_max3A = arith.constant dense<0xFF800000> : vector<1024xf32>
      %reduce_max3A_180 = vector.multi_reduction <maximumf>, %get3A_179, %reduce_max3A [1] : vector<1024x1024xf32> to vector<1024xf32>
      %broadcast_in_dim3A_181 = vector.shape_cast %reduce_max3A_180 : vector<1024xf32> to vector<1024x1xf32>
      %eq3A = vector.broadcast %broadcast_in_dim3A_181 : vector<1024x1xf32> to vector<1024x1024xf32>
      %eq3A_182 = arith.cmpf oeq, %get3A_179, %eq3A : vector<1024x1024xf32>
      %jit3A = arith.constant 1024 : i32
      %broadcast_in_dim3A_183 = vector.broadcast %jit3A : i32 to vector<1024x1024xi32>
      %select_n3A_184 = arith.select %eq3A_182, %iota3A, %broadcast_in_dim3A_183 : vector<1024x1024xi1>, vector<1024x1024xi32>
      %reduce_min3A = arith.constant dense<2147483647> : vector<1024xi32>
      %reduce_min3A_185 = vector.multi_reduction <minsi>, %select_n3A_184, %reduce_min3A [1] : vector<1024x1024xi32> to vector<1024xi32>
      %broadcast_in_dim3A_186 = vector.shape_cast %reduce_min3A_185 : vector<1024xi32> to vector<1024x1xi32>
      %eq3A_187 = vector.broadcast %broadcast_in_dim3A_186 : vector<1024x1xi32> to vector<1024x1024xi32>
      %eq3A_188 = arith.cmpi eq, %iota3A, %eq3A_187 : vector<1024x1024xi32>
      %jit3A_189 = arith.constant 0xFF800000 : f32
      %broadcast_in_dim3A_190 = vector.broadcast %jit3A_189 : f32 to vector<1024x1024xf32>
      %select_n3A_191 = arith.select %eq3A_188, %broadcast_in_dim3A_190, %get3A_179 : vector<1024x1024xi1>, vector<1024x1024xf32>
      %swap3A_192 = arith.constant 0 : index
      %swap3A_193 = arith.constant 0 : index
      %swap3A_194 = vector.load %arg8[%swap3A_192, %swap3A_193] : memref<1024x1024xf32, #tpu.memory_space<vmem>>, vector<1024x1024xf32>
      tpu.vector_store %arg8[%swap3A_192, %swap3A_193], %select_n3A_191 {strides = array<i32>} : memref<1024x1024xf32, #tpu.memory_space<vmem>>, vector<1024x1024xf32>,
      %eq3A_195 = vector.broadcast %scan3A_175 : i32 to vector<1024x20xi32>
      %eq3A_196 = arith.cmpi eq, %iota3A_47, %eq3A_195 : vector<1024x20xi32>
      %broadcast_in_dim3A_197 = vector.shape_cast %broadcast_in_dim3A_186 : vector<1024x1xi32> to vector<1024x1xi32>
      %broadcast_in_dim3A_198 = vector.broadcast %broadcast_in_dim3A_197 : vector<1024x1xi32> to vector<1024x20xi32>
      %select_n3A_199 = arith.select %eq3A_196, %broadcast_in_dim3A_198, %scan3A_176 : vector<1024x20xi1>, vector<1024x20xi32>
      scf.yield %select_n3A_199 : vector<1024x20xi32>
    }
    %scan3A_69 = arith.constant 20 : i32
    %add3A_70 = arith.constant 0 : i32
    %add3A_71 = vector.broadcast %add3A_70 : i32 to vector<1024x20xi32>
    %add3A_72 = arith.addi %scan3A_68, %add3A_71 : vector<1024x20xi32>
    %swap3A_73 = arith.constant 0 : index
    %swap3A_74 = arith.constant 0 : index
    %swap3A_75 = vector.load %arg7[%swap3A_73, %swap3A_74] : memref<4096x20xi32, #tpu.memory_space<vmem>>, vector<1024x20xi32>
    tpu.vector_store %arg7[%swap3A_73, %swap3A_74], %add3A_72 {strides = array<i32>} : memref<4096x20xi32, #tpu.memory_space<vmem>>, vector<1024x20xi32>,
    %slice3A_76 = vector.extract_strided_slice %select_n3A_44 {offsets = [1024, 0], sizes = [1024, 128], strides = [1, 1]} : vector<4096x128xf32> to vector<1024x128xf32>
    %mul3A_77 = arith.mulf %slice3A_76, %slice3A_76 : vector<1024x128xf32>
    %reduce_sum3A_78 = arith.constant dense<0.000000e+00> : vector<1024xf32>
    %reduce_sum3A_79 = vector.multi_reduction <add>, %mul3A_77, %reduce_sum3A_78 [1] : vector<1024x128xf32> to vector<1024xf32>
    %broadcast_in_dim3A_80 = vector.shape_cast %reduce_sum3A_79 : vector<1024xf32> to vector<1024x1xf32>
    %convert_element_type3A_81 = arith.truncf %slice3A_76 : vector<1024x128xf32> to vector<1024x128xbf16>
    %dot_general3A_82 = arith.constant dense<0.000000e+00> : vector<1024x1024xf32>
    %dot_general3A_83 = tpu.matmul %convert_element_type3A_81, %convert_element_type3A_81, %dot_general3A_82 {dimension_numbers = #tpu.dot_dimension_numbers<[1], [1], [0], [0], [0, 0, 1, 0], [], []>, transpose_lhs_hint = false} : vector<1024x128xbf16>, vector<1024x128xbf16>, vector<1024x1024xf32> -> vector<1024x1024xf32>
    %mul3A_84 = arith.constant 2.000000e+00 : f32
    %mul3A_85 = vector.broadcast %mul3A_84 : f32 to vector<1024x1024xf32>
    %mul3A_86 = arith.mulf %mul3A_85, %dot_general3A_83 : vector<1024x1024xf32>
    %sub3A_87 = vector.broadcast %broadcast_in_dim3A_80 : vector<1024x1xf32> to vector<1024x1024xf32>
    %sub3A_88 = arith.subf %mul3A_86, %sub3A_87 : vector<1024x1024xf32>
    %transpose3A_89 = tpu.transpose %broadcast_in_dim3A_80, [1, 0] : vector<1024x1xf32> -> vector<1x1024xf32>
    %sub3A_90 = vector.broadcast %transpose3A_89 : vector<1x1024xf32> to vector<1024x1024xf32>
    %sub3A_91 = arith.subf %sub3A_88, %sub3A_90 : vector<1024x1024xf32>
    %swap3A_92 = arith.constant 0 : index
    %swap3A_93 = arith.constant 0 : index
    %swap3A_94 = vector.load %arg8[%swap3A_92, %swap3A_93] : memref<1024x1024xf32, #tpu.memory_space<vmem>>, vector<1024x1024xf32>
    tpu.vector_store %arg8[%swap3A_92, %swap3A_93], %sub3A_91 {strides = array<i32>} : memref<1024x1024xf32, #tpu.memory_space<vmem>>, vector<1024x1024xf32>,
    %broadcast_in_dim3A_95 = arith.constant 0 : i32
    %broadcast_in_dim3A_96 = vector.broadcast %broadcast_in_dim3A_95 : i32 to vector<1024x20xi32>
    %scan3A_97 = arith.constant 0 : i32
    %scan3A_98 = arith.constant 20 : i32
    %scan3A_99 = arith.addi %scan3A_97, %scan3A_98 : i32
    %scan3A_100 = arith.constant 1 : i32
    %scan3A_101 = scf.for %scan3A_175 = %scan3A_97 to %scan3A_99 step %scan3A_100 iter_args(%scan3A_176 = %broadcast_in_dim3A_96) -> (vector<1024x20xi32>)  : i32 {
      %get3A_177 = arith.constant 0 : index
      %get3A_178 = arith.constant 0 : index
      %get3A_179 = vector.load %arg8[%get3A_177, %get3A_178] : memref<1024x1024xf32, #tpu.memory_space<vmem>>, vector<1024x1024xf32>
      %reduce_max3A = arith.constant dense<0xFF800000> : vector<1024xf32>
      %reduce_max3A_180 = vector.multi_reduction <maximumf>, %get3A_179, %reduce_max3A [1] : vector<1024x1024xf32> to vector<1024xf32>
      %broadcast_in_dim3A_181 = vector.shape_cast %reduce_max3A_180 : vector<1024xf32> to vector<1024x1xf32>
      %eq3A = vector.broadcast %broadcast_in_dim3A_181 : vector<1024x1xf32> to vector<1024x1024xf32>
      %eq3A_182 = arith.cmpf oeq, %get3A_179, %eq3A : vector<1024x1024xf32>
      %jit3A = arith.constant 1024 : i32
      %broadcast_in_dim3A_183 = vector.broadcast %jit3A : i32 to vector<1024x1024xi32>
      %select_n3A_184 = arith.select %eq3A_182, %iota3A, %broadcast_in_dim3A_183 : vector<1024x1024xi1>, vector<1024x1024xi32>
      %reduce_min3A = arith.constant dense<2147483647> : vector<1024xi32>
      %reduce_min3A_185 = vector.multi_reduction <minsi>, %select_n3A_184, %reduce_min3A [1] : vector<1024x1024xi32> to vector<1024xi32>
      %broadcast_in_dim3A_186 = vector.shape_cast %reduce_min3A_185 : vector<1024xi32> to vector<1024x1xi32>
      %eq3A_187 = vector.broadcast %broadcast_in_dim3A_186 : vector<1024x1xi32> to vector<1024x1024xi32>
      %eq3A_188 = arith.cmpi eq, %iota3A, %eq3A_187 : vector<1024x1024xi32>
      %jit3A_189 = arith.constant 0xFF800000 : f32
      %broadcast_in_dim3A_190 = vector.broadcast %jit3A_189 : f32 to vector<1024x1024xf32>
      %select_n3A_191 = arith.select %eq3A_188, %broadcast_in_dim3A_190, %get3A_179 : vector<1024x1024xi1>, vector<1024x1024xf32>
      %swap3A_192 = arith.constant 0 : index
      %swap3A_193 = arith.constant 0 : index
      %swap3A_194 = vector.load %arg8[%swap3A_192, %swap3A_193] : memref<1024x1024xf32, #tpu.memory_space<vmem>>, vector<1024x1024xf32>
      tpu.vector_store %arg8[%swap3A_192, %swap3A_193], %select_n3A_191 {strides = array<i32>} : memref<1024x1024xf32, #tpu.memory_space<vmem>>, vector<1024x1024xf32>,
      %eq3A_195 = vector.broadcast %scan3A_175 : i32 to vector<1024x20xi32>
      %eq3A_196 = arith.cmpi eq, %iota3A_47, %eq3A_195 : vector<1024x20xi32>
      %broadcast_in_dim3A_197 = vector.shape_cast %broadcast_in_dim3A_186 : vector<1024x1xi32> to vector<1024x1xi32>
      %broadcast_in_dim3A_198 = vector.broadcast %broadcast_in_dim3A_197 : vector<1024x1xi32> to vector<1024x20xi32>
      %select_n3A_199 = arith.select %eq3A_196, %broadcast_in_dim3A_198, %scan3A_176 : vector<1024x20xi1>, vector<1024x20xi32>
      scf.yield %select_n3A_199 : vector<1024x20xi32>
    }
    %scan3A_102 = arith.constant 20 : i32
    %add3A_103 = arith.constant 1024 : i32
    %add3A_104 = vector.broadcast %add3A_103 : i32 to vector<1024x20xi32>
    %add3A_105 = arith.addi %scan3A_101, %add3A_104 : vector<1024x20xi32>
    %swap3A_106 = arith.constant 1024 : index
    %swap3A_107 = arith.constant 0 : index
    %swap3A_108 = vector.load %arg7[%swap3A_106, %swap3A_107] : memref<4096x20xi32, #tpu.memory_space<vmem>>, vector<1024x20xi32>
    tpu.vector_store %arg7[%swap3A_106, %swap3A_107], %add3A_105 {strides = array<i32>} : memref<4096x20xi32, #tpu.memory_space<vmem>>, vector<1024x20xi32>,
    %slice3A_109 = vector.extract_strided_slice %select_n3A_44 {offsets = [2048, 0], sizes = [1024, 128], strides = [1, 1]} : vector<4096x128xf32> to vector<1024x128xf32>
    %mul3A_110 = arith.mulf %slice3A_109, %slice3A_109 : vector<1024x128xf32>
    %reduce_sum3A_111 = arith.constant dense<0.000000e+00> : vector<1024xf32>
    %reduce_sum3A_112 = vector.multi_reduction <add>, %mul3A_110, %reduce_sum3A_111 [1] : vector<1024x128xf32> to vector<1024xf32>
    %broadcast_in_dim3A_113 = vector.shape_cast %reduce_sum3A_112 : vector<1024xf32> to vector<1024x1xf32>
    %convert_element_type3A_114 = arith.truncf %slice3A_109 : vector<1024x128xf32> to vector<1024x128xbf16>
    %dot_general3A_115 = arith.constant dense<0.000000e+00> : vector<1024x1024xf32>
    %dot_general3A_116 = tpu.matmul %convert_element_type3A_114, %convert_element_type3A_114, %dot_general3A_115 {dimension_numbers = #tpu.dot_dimension_numbers<[1], [1], [0], [0], [0, 0, 1, 0], [], []>, transpose_lhs_hint = false} : vector<1024x128xbf16>, vector<1024x128xbf16>, vector<1024x1024xf32> -> vector<1024x1024xf32>
    %mul3A_117 = arith.constant 2.000000e+00 : f32
    %mul3A_118 = vector.broadcast %mul3A_117 : f32 to vector<1024x1024xf32>
    %mul3A_119 = arith.mulf %mul3A_118, %dot_general3A_116 : vector<1024x1024xf32>
    %sub3A_120 = vector.broadcast %broadcast_in_dim3A_113 : vector<1024x1xf32> to vector<1024x1024xf32>
    %sub3A_121 = arith.subf %mul3A_119, %sub3A_120 : vector<1024x1024xf32>
    %transpose3A_122 = tpu.transpose %broadcast_in_dim3A_113, [1, 0] : vector<1024x1xf32> -> vector<1x1024xf32>
    %sub3A_123 = vector.broadcast %transpose3A_122 : vector<1x1024xf32> to vector<1024x1024xf32>
    %sub3A_124 = arith.subf %sub3A_121, %sub3A_123 : vector<1024x1024xf32>
    %swap3A_125 = arith.constant 0 : index
    %swap3A_126 = arith.constant 0 : index
    %swap3A_127 = vector.load %arg8[%swap3A_125, %swap3A_126] : memref<1024x1024xf32, #tpu.memory_space<vmem>>, vector<1024x1024xf32>
    tpu.vector_store %arg8[%swap3A_125, %swap3A_126], %sub3A_124 {strides = array<i32>} : memref<1024x1024xf32, #tpu.memory_space<vmem>>, vector<1024x1024xf32>,
    %broadcast_in_dim3A_128 = arith.constant 0 : i32
    %broadcast_in_dim3A_129 = vector.broadcast %broadcast_in_dim3A_128 : i32 to vector<1024x20xi32>
    %scan3A_130 = arith.constant 0 : i32
    %scan3A_131 = arith.constant 20 : i32
    %scan3A_132 = arith.addi %scan3A_130, %scan3A_131 : i32
    %scan3A_133 = arith.constant 1 : i32
    %scan3A_134 = scf.for %scan3A_175 = %scan3A_130 to %scan3A_132 step %scan3A_133 iter_args(%scan3A_176 = %broadcast_in_dim3A_129) -> (vector<1024x20xi32>)  : i32 {
      %get3A_177 = arith.constant 0 : index
      %get3A_178 = arith.constant 0 : index
      %get3A_179 = vector.load %arg8[%get3A_177, %get3A_178] : memref<1024x1024xf32, #tpu.memory_space<vmem>>, vector<1024x1024xf32>
      %reduce_max3A = arith.constant dense<0xFF800000> : vector<1024xf32>
      %reduce_max3A_180 = vector.multi_reduction <maximumf>, %get3A_179, %reduce_max3A [1] : vector<1024x1024xf32> to vector<1024xf32>
      %broadcast_in_dim3A_181 = vector.shape_cast %reduce_max3A_180 : vector<1024xf32> to vector<1024x1xf32>
      %eq3A = vector.broadcast %broadcast_in_dim3A_181 : vector<1024x1xf32> to vector<1024x1024xf32>
      %eq3A_182 = arith.cmpf oeq, %get3A_179, %eq3A : vector<1024x1024xf32>
      %jit3A = arith.constant 1024 : i32
      %broadcast_in_dim3A_183 = vector.broadcast %jit3A : i32 to vector<1024x1024xi32>
      %select_n3A_184 = arith.select %eq3A_182, %iota3A, %broadcast_in_dim3A_183 : vector<1024x1024xi1>, vector<1024x1024xi32>
      %reduce_min3A = arith.constant dense<2147483647> : vector<1024xi32>
      %reduce_min3A_185 = vector.multi_reduction <minsi>, %select_n3A_184, %reduce_min3A [1] : vector<1024x1024xi32> to vector<1024xi32>
      %broadcast_in_dim3A_186 = vector.shape_cast %reduce_min3A_185 : vector<1024xi32> to vector<1024x1xi32>
      %eq3A_187 = vector.broadcast %broadcast_in_dim3A_186 : vector<1024x1xi32> to vector<1024x1024xi32>
      %eq3A_188 = arith.cmpi eq, %iota3A, %eq3A_187 : vector<1024x1024xi32>
      %jit3A_189 = arith.constant 0xFF800000 : f32
      %broadcast_in_dim3A_190 = vector.broadcast %jit3A_189 : f32 to vector<1024x1024xf32>
      %select_n3A_191 = arith.select %eq3A_188, %broadcast_in_dim3A_190, %get3A_179 : vector<1024x1024xi1>, vector<1024x1024xf32>
      %swap3A_192 = arith.constant 0 : index
      %swap3A_193 = arith.constant 0 : index
      %swap3A_194 = vector.load %arg8[%swap3A_192, %swap3A_193] : memref<1024x1024xf32, #tpu.memory_space<vmem>>, vector<1024x1024xf32>
      tpu.vector_store %arg8[%swap3A_192, %swap3A_193], %select_n3A_191 {strides = array<i32>} : memref<1024x1024xf32, #tpu.memory_space<vmem>>, vector<1024x1024xf32>,
      %eq3A_195 = vector.broadcast %scan3A_175 : i32 to vector<1024x20xi32>
      %eq3A_196 = arith.cmpi eq, %iota3A_47, %eq3A_195 : vector<1024x20xi32>
      %broadcast_in_dim3A_197 = vector.shape_cast %broadcast_in_dim3A_186 : vector<1024x1xi32> to vector<1024x1xi32>
      %broadcast_in_dim3A_198 = vector.broadcast %broadcast_in_dim3A_197 : vector<1024x1xi32> to vector<1024x20xi32>
      %select_n3A_199 = arith.select %eq3A_196, %broadcast_in_dim3A_198, %scan3A_176 : vector<1024x20xi1>, vector<1024x20xi32>
      scf.yield %select_n3A_199 : vector<1024x20xi32>
    }
    %scan3A_135 = arith.constant 20 : i32
    %add3A_136 = arith.constant 2048 : i32
    %add3A_137 = vector.broadcast %add3A_136 : i32 to vector<1024x20xi32>
    %add3A_138 = arith.addi %scan3A_134, %add3A_137 : vector<1024x20xi32>
    %swap3A_139 = arith.constant 2048 : index
    %swap3A_140 = arith.constant 0 : index
    %swap3A_141 = vector.load %arg7[%swap3A_139, %swap3A_140] : memref<4096x20xi32, #tpu.memory_space<vmem>>, vector<1024x20xi32>
    tpu.vector_store %arg7[%swap3A_139, %swap3A_140], %add3A_138 {strides = array<i32>} : memref<4096x20xi32, #tpu.memory_space<vmem>>, vector<1024x20xi32>,
    %slice3A_142 = vector.extract_strided_slice %select_n3A_44 {offsets = [3072, 0], sizes = [1024, 128], strides = [1, 1]} : vector<4096x128xf32> to vector<1024x128xf32>
    %mul3A_143 = arith.mulf %slice3A_142, %slice3A_142 : vector<1024x128xf32>
    %reduce_sum3A_144 = arith.constant dense<0.000000e+00> : vector<1024xf32>
    %reduce_sum3A_145 = vector.multi_reduction <add>, %mul3A_143, %reduce_sum3A_144 [1] : vector<1024x128xf32> to vector<1024xf32>
    %broadcast_in_dim3A_146 = vector.shape_cast %reduce_sum3A_145 : vector<1024xf32> to vector<1024x1xf32>
    %convert_element_type3A_147 = arith.truncf %slice3A_142 : vector<1024x128xf32> to vector<1024x128xbf16>
    %dot_general3A_148 = arith.constant dense<0.000000e+00> : vector<1024x1024xf32>
    %dot_general3A_149 = tpu.matmul %convert_element_type3A_147, %convert_element_type3A_147, %dot_general3A_148 {dimension_numbers = #tpu.dot_dimension_numbers<[1], [1], [0], [0], [0, 0, 1, 0], [], []>, transpose_lhs_hint = false} : vector<1024x128xbf16>, vector<1024x128xbf16>, vector<1024x1024xf32> -> vector<1024x1024xf32>
    %mul3A_150 = arith.constant 2.000000e+00 : f32
    %mul3A_151 = vector.broadcast %mul3A_150 : f32 to vector<1024x1024xf32>
    %mul3A_152 = arith.mulf %mul3A_151, %dot_general3A_149 : vector<1024x1024xf32>
    %sub3A_153 = vector.broadcast %broadcast_in_dim3A_146 : vector<1024x1xf32> to vector<1024x1024xf32>
    %sub3A_154 = arith.subf %mul3A_152, %sub3A_153 : vector<1024x1024xf32>
    %transpose3A_155 = tpu.transpose %broadcast_in_dim3A_146, [1, 0] : vector<1024x1xf32> -> vector<1x1024xf32>
    %sub3A_156 = vector.broadcast %transpose3A_155 : vector<1x1024xf32> to vector<1024x1024xf32>
    %sub3A_157 = arith.subf %sub3A_154, %sub3A_156 : vector<1024x1024xf32>
    %swap3A_158 = arith.constant 0 : index
    %swap3A_159 = arith.constant 0 : index
    %swap3A_160 = vector.load %arg8[%swap3A_158, %swap3A_159] : memref<1024x1024xf32, #tpu.memory_space<vmem>>, vector<1024x1024xf32>
    tpu.vector_store %arg8[%swap3A_158, %swap3A_159], %sub3A_157 {strides = array<i32>} : memref<1024x1024xf32, #tpu.memory_space<vmem>>, vector<1024x1024xf32>,
    %broadcast_in_dim3A_161 = arith.constant 0 : i32
    %broadcast_in_dim3A_162 = vector.broadcast %broadcast_in_dim3A_161 : i32 to vector<1024x20xi32>
    %scan3A_163 = arith.constant 0 : i32
    %scan3A_164 = arith.constant 20 : i32
    %scan3A_165 = arith.addi %scan3A_163, %scan3A_164 : i32
    %scan3A_166 = arith.constant 1 : i32
    %scan3A_167 = scf.for %scan3A_175 = %scan3A_163 to %scan3A_165 step %scan3A_166 iter_args(%scan3A_176 = %broadcast_in_dim3A_162) -> (vector<1024x20xi32>)  : i32 {
      %get3A_177 = arith.constant 0 : index
      %get3A_178 = arith.constant 0 : index
      %get3A_179 = vector.load %arg8[%get3A_177, %get3A_178] : memref<1024x1024xf32, #tpu.memory_space<vmem>>, vector<1024x1024xf32>
      %reduce_max3A = arith.constant dense<0xFF800000> : vector<1024xf32>
      %reduce_max3A_180 = vector.multi_reduction <maximumf>, %get3A_179, %reduce_max3A [1] : vector<1024x1024xf32> to vector<1024xf32>
      %broadcast_in_dim3A_181 = vector.shape_cast %reduce_max3A_180 : vector<1024xf32> to vector<1024x1xf32>
      %eq3A = vector.broadcast %broadcast_in_dim3A_181 : vector<1024x1xf32> to vector<1024x1024xf32>
      %eq3A_182 = arith.cmpf oeq, %get3A_179, %eq3A : vector<1024x1024xf32>
      %jit3A = arith.constant 1024 : i32
      %broadcast_in_dim3A_183 = vector.broadcast %jit3A : i32 to vector<1024x1024xi32>
      %select_n3A_184 = arith.select %eq3A_182, %iota3A, %broadcast_in_dim3A_183 : vector<1024x1024xi1>, vector<1024x1024xi32>
      %reduce_min3A = arith.constant dense<2147483647> : vector<1024xi32>
      %reduce_min3A_185 = vector.multi_reduction <minsi>, %select_n3A_184, %reduce_min3A [1] : vector<1024x1024xi32> to vector<1024xi32>
      %broadcast_in_dim3A_186 = vector.shape_cast %reduce_min3A_185 : vector<1024xi32> to vector<1024x1xi32>
      %eq3A_187 = vector.broadcast %broadcast_in_dim3A_186 : vector<1024x1xi32> to vector<1024x1024xi32>
      %eq3A_188 = arith.cmpi eq, %iota3A, %eq3A_187 : vector<1024x1024xi32>
      %jit3A_189 = arith.constant 0xFF800000 : f32
      %broadcast_in_dim3A_190 = vector.broadcast %jit3A_189 : f32 to vector<1024x1024xf32>
      %select_n3A_191 = arith.select %eq3A_188, %broadcast_in_dim3A_190, %get3A_179 : vector<1024x1024xi1>, vector<1024x1024xf32>
      %swap3A_192 = arith.constant 0 : index
      %swap3A_193 = arith.constant 0 : index
      %swap3A_194 = vector.load %arg8[%swap3A_192, %swap3A_193] : memref<1024x1024xf32, #tpu.memory_space<vmem>>, vector<1024x1024xf32>
      tpu.vector_store %arg8[%swap3A_192, %swap3A_193], %select_n3A_191 {strides = array<i32>} : memref<1024x1024xf32, #tpu.memory_space<vmem>>, vector<1024x1024xf32>,
      %eq3A_195 = vector.broadcast %scan3A_175 : i32 to vector<1024x20xi32>
      %eq3A_196 = arith.cmpi eq, %iota3A_47, %eq3A_195 : vector<1024x20xi32>
      %broadcast_in_dim3A_197 = vector.shape_cast %broadcast_in_dim3A_186 : vector<1024x1xi32> to vector<1024x1xi32>
      %broadcast_in_dim3A_198 = vector.broadcast %broadcast_in_dim3A_197 : vector<1024x1xi32> to vector<1024x20xi32>
      %select_n3A_199 = arith.select %eq3A_196, %broadcast_in_dim3A_198, %scan3A_176 : vector<1024x20xi1>, vector<1024x20xi32>
      scf.yield %select_n3A_199 : vector<1024x20xi32>
    }
    %scan3A_168 = arith.constant 20 : i32
    %add3A_169 = arith.constant 3072 : i32
    %add3A_170 = vector.broadcast %add3A_169 : i32 to vector<1024x20xi32>
    %add3A_171 = arith.addi %scan3A_167, %add3A_170 : vector<1024x20xi32>
    %swap3A_172 = arith.constant 3072 : index
    %swap3A_173 = arith.constant 0 : index
    %swap3A_174 = vector.load %arg7[%swap3A_172, %swap3A_173] : memref<4096x20xi32, #tpu.memory_space<vmem>>, vector<1024x20xi32>
    tpu.vector_store %arg7[%swap3A_172, %swap3A_173], %add3A_171 {strides = array<i32>} : memref<4096x20xi32, #tpu.memory_space<vmem>>, vector<1024x20xi32>,
    return
  }
}

module attributes {stable_mosaic.version = 14 : i64} {
  func.func @_edge_body(%arg0: i32, %arg1: i32, %arg2: memref<4096x128xf32, #tpu.memory_space<vmem>>, %arg3: memref<4096x128xf32, #tpu.memory_space<vmem>>, %arg4: memref<256x384xbf16, #tpu.memory_space<vmem>>, %arg5: memref<4096x384xf32, #tpu.memory_space<vmem>>, %arg6: memref<4096x384xf32, #tpu.memory_space<vmem>>, %arg7: memref<4096x384xf32, #tpu.memory_space<vmem>>, %arg8: memref<4096x384xf32, #tpu.memory_space<vmem>>) attributes {dimension_semantics = [#tpu.dimension_semantics<arbitrary>, #tpu.dimension_semantics<arbitrary>], iteration_bounds = array<i64: 1, 20>, scalar_prefetch = 0 : i64, scratch_operands = 0 : i64, tpu.core_type = #tpu.core_type<tc>, window_params = [{transform_indices = @transform_0, window_bounds = array<i64: 4096, 128>}, {transform_indices = @transform_1, window_bounds = array<i64: 4096, 128>}, {pipeline_mode = #tpu.pipeline_mode<synchronous>, transform_indices = @transform_2, window_bounds = array<i64: 256, 384>}, {transform_indices = @transform_3, window_bounds = array<i64: 4096, 384>}, {transform_indices = @transform_4, window_bounds = array<i64: 4096, 384>}, {transform_indices = @transform_5, window_bounds = array<i64: 4096, 384>}, {transform_indices = @transform_6, window_bounds = array<i64: 4096, 384>}]} {
    %get3A = arith.constant 0 : index
    %get3A_0 = arith.constant 0 : index
    %get3A_1 = vector.load %arg3[%get3A, %get3A_0] : memref<4096x128xf32, #tpu.memory_space<vmem>>, vector<4096x128xf32>
    %get3A_2 = arith.constant 0 : index
    %get3A_3 = arith.constant 0 : index
    %get3A_4 = vector.load %arg2[%get3A_2, %get3A_3] : memref<4096x128xf32, #tpu.memory_space<vmem>>, vector<4096x128xf32>
    %sub3A = arith.subf %get3A_4, %get3A_1 : vector<4096x128xf32>
    %concatenate3A = tpu.concatenate %sub3A, %get3A_1 in 1 : vector<4096x128xf32>, vector<4096x128xf32> -> vector<4096x256xf32>
    %convert_element_type3A = arith.truncf %concatenate3A : vector<4096x256xf32> to vector<4096x256xbf16>
    %get3A_5 = arith.constant 0 : index
    %get3A_6 = arith.constant 0 : index
    %get3A_7 = vector.load %arg4[%get3A_5, %get3A_6] : memref<256x384xbf16, #tpu.memory_space<vmem>>, vector<256x384xbf16>
    %dot_general3A = arith.constant dense<0.000000e+00> : vector<4096x384xf32>
    %dot_general3A_8 = tpu.matmul %convert_element_type3A, %get3A_7, %dot_general3A {dimension_numbers = #tpu.dot_dimension_numbers<[1], [0], [0], [1], [0, 0, 1, 1], [], []>, transpose_lhs_hint = false} : vector<4096x256xbf16>, vector<256x384xbf16>, vector<4096x384xf32> -> vector<4096x384xf32>
    %mul3A = arith.mulf %dot_general3A_8, %dot_general3A_8 : vector<4096x384xf32>
    %eq3A = arith.constant 0 : i32
    %eq3A_9 = arith.cmpi eq, %arg1, %eq3A : i32
    %convert_element_type3A_10 = arith.extui %eq3A_9 : i1 to i32
    %cond3A = arith.constant 0 : i32
    %cond3A_11 = arith.cmpi ne, %convert_element_type3A_10, %cond3A : i32
    scf.if %cond3A_11 {
      %swap3A = arith.constant 0 : index
      %swap3A_16 = arith.constant 0 : index
      %swap3A_17 = vector.load %arg5[%swap3A, %swap3A_16] : memref<4096x384xf32, #tpu.memory_space<vmem>>, vector<4096x384xf32>
      tpu.vector_store %arg5[%swap3A, %swap3A_16], %dot_general3A_8 {strides = array<i32>} : memref<4096x384xf32, #tpu.memory_space<vmem>>, vector<4096x384xf32>,
      %swap3A_18 = arith.constant 0 : index
      %swap3A_19 = arith.constant 0 : index
      %swap3A_20 = vector.load %arg6[%swap3A_18, %swap3A_19] : memref<4096x384xf32, #tpu.memory_space<vmem>>, vector<4096x384xf32>
      tpu.vector_store %arg6[%swap3A_18, %swap3A_19], %mul3A {strides = array<i32>} : memref<4096x384xf32, #tpu.memory_space<vmem>>, vector<4096x384xf32>,
      %swap3A_21 = arith.constant 0 : index
      %swap3A_22 = arith.constant 0 : index
      %swap3A_23 = vector.load %arg7[%swap3A_21, %swap3A_22] : memref<4096x384xf32, #tpu.memory_space<vmem>>, vector<4096x384xf32>
      tpu.vector_store %arg7[%swap3A_21, %swap3A_22], %dot_general3A_8 {strides = array<i32>} : memref<4096x384xf32, #tpu.memory_space<vmem>>, vector<4096x384xf32>,
      %swap3A_24 = arith.constant 0 : index
      %swap3A_25 = arith.constant 0 : index
      %swap3A_26 = vector.load %arg8[%swap3A_24, %swap3A_25] : memref<4096x384xf32, #tpu.memory_space<vmem>>, vector<4096x384xf32>
      tpu.vector_store %arg8[%swap3A_24, %swap3A_25], %dot_general3A_8 {strides = array<i32>} : memref<4096x384xf32, #tpu.memory_space<vmem>>, vector<4096x384xf32>,
    } else {
    }
    %ne3A = arith.constant 0 : i32
    %ne3A_12 = arith.cmpi ne, %arg1, %ne3A : i32
    %convert_element_type3A_13 = arith.extui %ne3A_12 : i1 to i32
    %cond3A_14 = arith.constant 0 : i32
    %cond3A_15 = arith.cmpi ne, %convert_element_type3A_13, %cond3A_14 : i32
    scf.if %cond3A_15 {
      %get3A_16 = arith.constant 0 : index
      %get3A_17 = arith.constant 0 : index
      %get3A_18 = vector.load %arg5[%get3A_16, %get3A_17] : memref<4096x384xf32, #tpu.memory_space<vmem>>, vector<4096x384xf32>
      %add3A = arith.addf %get3A_18, %dot_general3A_8 : vector<4096x384xf32>
      %swap3A = arith.constant 0 : index
      %swap3A_19 = arith.constant 0 : index
      %swap3A_20 = vector.load %arg5[%swap3A, %swap3A_19] : memref<4096x384xf32, #tpu.memory_space<vmem>>, vector<4096x384xf32>
      tpu.vector_store %arg5[%swap3A, %swap3A_19], %add3A {strides = array<i32>} : memref<4096x384xf32, #tpu.memory_space<vmem>>, vector<4096x384xf32>,
      %get3A_21 = arith.constant 0 : index
      %get3A_22 = arith.constant 0 : index
      %get3A_23 = vector.load %arg6[%get3A_21, %get3A_22] : memref<4096x384xf32, #tpu.memory_space<vmem>>, vector<4096x384xf32>
      %add3A_24 = arith.addf %get3A_23, %mul3A : vector<4096x384xf32>
      %swap3A_25 = arith.constant 0 : index
      %swap3A_26 = arith.constant 0 : index
      %swap3A_27 = vector.load %arg6[%swap3A_25, %swap3A_26] : memref<4096x384xf32, #tpu.memory_space<vmem>>, vector<4096x384xf32>
      tpu.vector_store %arg6[%swap3A_25, %swap3A_26], %add3A_24 {strides = array<i32>} : memref<4096x384xf32, #tpu.memory_space<vmem>>, vector<4096x384xf32>,
      %get3A_28 = arith.constant 0 : index
      %get3A_29 = arith.constant 0 : index
      %get3A_30 = vector.load %arg7[%get3A_28, %get3A_29] : memref<4096x384xf32, #tpu.memory_space<vmem>>, vector<4096x384xf32>
      %max3A = arith.maximumf %get3A_30, %dot_general3A_8 : vector<4096x384xf32>
      %swap3A_31 = arith.constant 0 : index
      %swap3A_32 = arith.constant 0 : index
      %swap3A_33 = vector.load %arg7[%swap3A_31, %swap3A_32] : memref<4096x384xf32, #tpu.memory_space<vmem>>, vector<4096x384xf32>
      tpu.vector_store %arg7[%swap3A_31, %swap3A_32], %max3A {strides = array<i32>} : memref<4096x384xf32, #tpu.memory_space<vmem>>, vector<4096x384xf32>,
      %get3A_34 = arith.constant 0 : index
      %get3A_35 = arith.constant 0 : index
      %get3A_36 = vector.load %arg8[%get3A_34, %get3A_35] : memref<4096x384xf32, #tpu.memory_space<vmem>>, vector<4096x384xf32>
      %min3A = arith.minimumf %get3A_36, %dot_general3A_8 : vector<4096x384xf32>
      %swap3A_37 = arith.constant 0 : index
      %swap3A_38 = arith.constant 0 : index
      %swap3A_39 = vector.load %arg8[%swap3A_37, %swap3A_38] : memref<4096x384xf32, #tpu.memory_space<vmem>>, vector<4096x384xf32>
      tpu.vector_store %arg8[%swap3A_37, %swap3A_38], %min3A {strides = array<i32>} : memref<4096x384xf32, #tpu.memory_space<vmem>>, vector<4096x384xf32>,
    } else {
    }
    return
  }
  func.func @transform_0(%arg0: i32, %arg1: i32) -> (i32, i32) {
    %mul3A = arith.constant 1 : i32
    %mul3A_0 = arith.muli %arg1, %mul3A : i32
    %add3A = arith.addi %mul3A_0, %arg0 : i32
    %c0_i32 = arith.constant 0 : i32
    %c0_i32_1 = arith.constant 0 : i32
    return %add3A, %c0_i32 : i32, i32
  }
  func.func @transform_1(%arg0: i32, %arg1: i32) -> (i32, i32) {
    %c0_i32 = arith.constant 0 : i32
    %c0_i32_0 = arith.constant 0 : i32
    return %arg0, %c0_i32 : i32, i32
  }
  func.func @transform_2(%arg0: i32, %arg1: i32) -> (i32, i32) {
    %c0_i32 = arith.constant 0 : i32
    %c0_i32_0 = arith.constant 0 : i32
    %c0_i32_1 = arith.constant 0 : i32
    return %c0_i32, %c0_i32_0 : i32, i32
  }
  func.func @transform_3(%arg0: i32, %arg1: i32) -> (i32, i32) {
    %c0_i32 = arith.constant 0 : i32
    %c0_i32_0 = arith.constant 0 : i32
    return %arg0, %c0_i32 : i32, i32
  }
  func.func @transform_4(%arg0: i32, %arg1: i32) -> (i32, i32) {
    %c0_i32 = arith.constant 0 : i32
    %c0_i32_0 = arith.constant 0 : i32
    return %arg0, %c0_i32 : i32, i32
  }
  func.func @transform_5(%arg0: i32, %arg1: i32) -> (i32, i32) {
    %c0_i32 = arith.constant 0 : i32
    %c0_i32_0 = arith.constant 0 : i32
    return %arg0, %c0_i32 : i32, i32
  }
  func.func @transform_6(%arg0: i32, %arg1: i32) -> (i32, i32) {
    %c0_i32 = arith.constant 0 : i32
    %c0_i32_0 = arith.constant 0 : i32
    return %arg0, %c0_i32 : i32, i32
  }
}

module attributes {stable_mosaic.version = 14 : i64} {
  func.func @_epi_body(%arg0: memref<4096x384xf32, #tpu.memory_space<vmem>>, %arg1: memref<4096x384xf32, #tpu.memory_space<vmem>>, %arg2: memref<4096x384xf32, #tpu.memory_space<vmem>>, %arg3: memref<4096x384xf32, #tpu.memory_space<vmem>>, %arg4: memref<1x384xf32, #tpu.memory_space<vmem>>, %arg5: memref<1x384xf32, #tpu.memory_space<vmem>>, %arg6: memref<4096x384xf32, #tpu.memory_space<vmem>>) attributes {dimension_semantics = [], scalar_prefetch = 0 : i64, scratch_operands = 0 : i64, tpu.core_type = #tpu.core_type<tc>} {
    %get3A = arith.constant 0 : index
    %get3A_0 = arith.constant 0 : index
    %get3A_1 = vector.load %arg0[%get3A, %get3A_0] : memref<4096x384xf32, #tpu.memory_space<vmem>>, vector<4096x384xf32>
    %get3A_2 = arith.constant 0 : index
    %get3A_3 = arith.constant 0 : index
    %get3A_4 = vector.load %arg1[%get3A_2, %get3A_3] : memref<4096x384xf32, #tpu.memory_space<vmem>>, vector<4096x384xf32>
    %get3A_5 = arith.constant 0 : index
    %get3A_6 = arith.constant 0 : index
    %get3A_7 = vector.load %arg2[%get3A_5, %get3A_6] : memref<4096x384xf32, #tpu.memory_space<vmem>>, vector<4096x384xf32>
    %get3A_8 = arith.constant 0 : index
    %get3A_9 = arith.constant 0 : index
    %get3A_10 = vector.load %arg3[%get3A_8, %get3A_9] : memref<4096x384xf32, #tpu.memory_space<vmem>>, vector<4096x384xf32>
    %get3A_11 = arith.constant 0 : index
    %get3A_12 = arith.constant 0 : index
    %get3A_13 = vector.load %arg4[%get3A_11, %get3A_12] : memref<1x384xf32, #tpu.memory_space<vmem>>, vector<1x384xf32>
    %get3A_14 = arith.constant 0 : index
    %get3A_15 = arith.constant 0 : index
    %get3A_16 = vector.load %arg5[%get3A_14, %get3A_15] : memref<1x384xf32, #tpu.memory_space<vmem>>, vector<1x384xf32>
    %reduce_sum3A = arith.constant dense<0.000000e+00> : vector<384xf32>
    %reduce_sum3A_17 = vector.multi_reduction <add>, %get3A_1, %reduce_sum3A [0] : vector<4096x384xf32> to vector<384xf32>
    %broadcast_in_dim3A = vector.shape_cast %reduce_sum3A_17 : vector<384xf32> to vector<1x384xf32>
    %mul3A = arith.constant 1.22070314E-5 : f32
    %mul3A_18 = vector.broadcast %mul3A : f32 to vector<1x384xf32>
    %mul3A_19 = arith.mulf %broadcast_in_dim3A, %mul3A_18 : vector<1x384xf32>
    %reduce_sum3A_20 = arith.constant dense<0.000000e+00> : vector<384xf32>
    %reduce_sum3A_21 = vector.multi_reduction <add>, %get3A_4, %reduce_sum3A_20 [0] : vector<4096x384xf32> to vector<384xf32>
    %broadcast_in_dim3A_22 = vector.shape_cast %reduce_sum3A_21 : vector<384xf32> to vector<1x384xf32>
    %mul3A_23 = arith.constant 1.22070314E-5 : f32
    %mul3A_24 = vector.broadcast %mul3A_23 : f32 to vector<1x384xf32>
    %mul3A_25 = arith.mulf %broadcast_in_dim3A_22, %mul3A_24 : vector<1x384xf32>
    %mul3A_26 = arith.mulf %mul3A_19, %mul3A_19 : vector<1x384xf32>
    %sub3A = arith.subf %mul3A_25, %mul3A_26 : vector<1x384xf32>
    %add3A = arith.constant 9.99999974E-6 : f32
    %add3A_27 = vector.broadcast %add3A : f32 to vector<1x384xf32>
    %add3A_28 = arith.addf %sub3A, %add3A_27 : vector<1x384xf32>
    %sqrt3A = math.sqrt %add3A_28 : vector<1x384xf32>
    %div3A = arith.divf %get3A_13, %sqrt3A : vector<1x384xf32>
    %ge3A = arith.constant 0.000000e+00 : f32
    %ge3A_29 = vector.broadcast %ge3A : f32 to vector<1x384xf32>
    %ge3A_30 = arith.cmpf oge, %get3A_13, %ge3A_29 : vector<1x384xf32>
    %broadcast_in_dim3A_31 = vector.shape_cast %ge3A_30 : vector<1x384xi1> to vector<1x384xi1>
    %broadcast_in_dim3A_32 = vector.broadcast %broadcast_in_dim3A_31 : vector<1x384xi1> to vector<4096x384xi1>
    %select_n3A = arith.select %broadcast_in_dim3A_32, %get3A_7, %get3A_10 : vector<4096x384xi1>, vector<4096x384xf32>
    %sub3A_33 = vector.broadcast %mul3A_19 : vector<1x384xf32> to vector<4096x384xf32>
    %sub3A_34 = arith.subf %select_n3A, %sub3A_33 : vector<4096x384xf32>
    %mul3A_35 = vector.broadcast %div3A : vector<1x384xf32> to vector<4096x384xf32>
    %mul3A_36 = arith.mulf %sub3A_34, %mul3A_35 : vector<4096x384xf32>
    %add3A_37 = vector.broadcast %get3A_16 : vector<1x384xf32> to vector<4096x384xf32>
    %add3A_38 = arith.addf %mul3A_36, %add3A_37 : vector<4096x384xf32>
    %gt3A = arith.constant 0.000000e+00 : f32
    %gt3A_39 = vector.broadcast %gt3A : f32 to vector<4096x384xf32>
    %gt3A_40 = arith.cmpf ogt, %add3A_38, %gt3A_39 : vector<4096x384xf32>
    %mul3A_41 = arith.constant 2.000000e-01 : f32
    %mul3A_42 = vector.broadcast %mul3A_41 : f32 to vector<4096x384xf32>
    %mul3A_43 = arith.mulf %mul3A_42, %add3A_38 : vector<4096x384xf32>
    %select_n3A_44 = arith.select %gt3A_40, %add3A_38, %mul3A_43 : vector<4096x384xi1>, vector<4096x384xf32>
    %swap3A = arith.constant 0 : index
    %swap3A_45 = arith.constant 0 : index
    %swap3A_46 = vector.load %arg6[%swap3A, %swap3A_45] : memref<4096x384xf32, #tpu.memory_space<vmem>>, vector<4096x384xf32>
    tpu.vector_store %arg6[%swap3A, %swap3A_45], %select_n3A_44 {strides = array<i32>} : memref<4096x384xf32, #tpu.memory_space<vmem>>, vector<4096x384xf32>,
    return
  }
}

module attributes {stable_mosaic.version = 14 : i64} {
  func.func @_final_body(%arg0: memref<4096x128xf32, #tpu.memory_space<vmem>>, %arg1: memref<4096x128xf32, #tpu.memory_space<vmem>>, %arg2: memref<4096x128xf32, #tpu.memory_space<vmem>>, %arg3: memref<4096x384xf32, #tpu.memory_space<vmem>>, %arg4: memref<128x1024xbf16, #tpu.memory_space<vmem>>, %arg5: memref<128x1024xbf16, #tpu.memory_space<vmem>>, %arg6: memref<128x1024xbf16, #tpu.memory_space<vmem>>, %arg7: memref<384x1024xbf16, #tpu.memory_space<vmem>>, %arg8: memref<1x1024xf32, #tpu.memory_space<vmem>>, %arg9: memref<1x1024xf32, #tpu.memory_space<vmem>>, %arg10: memref<4x2048xf32, #tpu.memory_space<vmem>>, %arg11: memref<4096x1024xf32, #tpu.memory_space<vmem>>) attributes {dimension_semantics = [], scalar_prefetch = 0 : i64, scratch_operands = 1 : i64, tpu.core_type = #tpu.core_type<tc>} {
    %get3A = arith.constant 0 : index
    %get3A_0 = arith.constant 0 : index
    %get3A_1 = vector.load %arg0[%get3A, %get3A_0] : memref<4096x128xf32, #tpu.memory_space<vmem>>, vector<1024x128xf32>
    %convert_element_type3A = arith.truncf %get3A_1 : vector<1024x128xf32> to vector<1024x128xbf16>
    %get3A_2 = arith.constant 0 : index
    %get3A_3 = arith.constant 0 : index
    %get3A_4 = vector.load %arg4[%get3A_2, %get3A_3] : memref<128x1024xbf16, #tpu.memory_space<vmem>>, vector<128x1024xbf16>
    %dot_general3A = arith.constant dense<0.000000e+00> : vector<1024x1024xf32>
    %dot_general3A_5 = tpu.matmul %convert_element_type3A, %get3A_4, %dot_general3A {dimension_numbers = #tpu.dot_dimension_numbers<[1], [0], [0], [1], [0, 0, 1, 1], [], []>, transpose_lhs_hint = false} : vector<1024x128xbf16>, vector<128x1024xbf16>, vector<1024x1024xf32> -> vector<1024x1024xf32>
    %get3A_6 = arith.constant 0 : index
    %get3A_7 = arith.constant 0 : index
    %get3A_8 = vector.load %arg1[%get3A_6, %get3A_7] : memref<4096x128xf32, #tpu.memory_space<vmem>>, vector<1024x128xf32>
    %convert_element_type3A_9 = arith.truncf %get3A_8 : vector<1024x128xf32> to vector<1024x128xbf16>
    %get3A_10 = arith.constant 0 : index
    %get3A_11 = arith.constant 0 : index
    %get3A_12 = vector.load %arg5[%get3A_10, %get3A_11] : memref<128x1024xbf16, #tpu.memory_space<vmem>>, vector<128x1024xbf16>
    %dot_general3A_13 = arith.constant dense<0.000000e+00> : vector<1024x1024xf32>
    %dot_general3A_14 = tpu.matmul %convert_element_type3A_9, %get3A_12, %dot_general3A_13 {dimension_numbers = #tpu.dot_dimension_numbers<[1], [0], [0], [1], [0, 0, 1, 1], [], []>, transpose_lhs_hint = false} : vector<1024x128xbf16>, vector<128x1024xbf16>, vector<1024x1024xf32> -> vector<1024x1024xf32>
    %add3A = arith.addf %dot_general3A_5, %dot_general3A_14 : vector<1024x1024xf32>
    %get3A_15 = arith.constant 0 : index
    %get3A_16 = arith.constant 0 : index
    %get3A_17 = vector.load %arg2[%get3A_15, %get3A_16] : memref<4096x128xf32, #tpu.memory_space<vmem>>, vector<1024x128xf32>
    %convert_element_type3A_18 = arith.truncf %get3A_17 : vector<1024x128xf32> to vector<1024x128xbf16>
    %get3A_19 = arith.constant 0 : index
    %get3A_20 = arith.constant 0 : index
    %get3A_21 = vector.load %arg6[%get3A_19, %get3A_20] : memref<128x1024xbf16, #tpu.memory_space<vmem>>, vector<128x1024xbf16>
    %dot_general3A_22 = arith.constant dense<0.000000e+00> : vector<1024x1024xf32>
    %dot_general3A_23 = tpu.matmul %convert_element_type3A_18, %get3A_21, %dot_general3A_22 {dimension_numbers = #tpu.dot_dimension_numbers<[1], [0], [0], [1], [0, 0, 1, 1], [], []>, transpose_lhs_hint = false} : vector<1024x128xbf16>, vector<128x1024xbf16>, vector<1024x1024xf32> -> vector<1024x1024xf32>
    %add3A_24 = arith.addf %add3A, %dot_general3A_23 : vector<1024x1024xf32>
    %get3A_25 = arith.constant 0 : index
    %get3A_26 = arith.constant 0 : index
    %get3A_27 = vector.load %arg3[%get3A_25, %get3A_26] : memref<4096x384xf32, #tpu.memory_space<vmem>>, vector<1024x384xf32>
    %convert_element_type3A_28 = arith.truncf %get3A_27 : vector<1024x384xf32> to vector<1024x384xbf16>
    %get3A_29 = arith.constant 0 : index
    %get3A_30 = arith.constant 0 : index
    %get3A_31 = vector.load %arg7[%get3A_29, %get3A_30] : memref<384x1024xbf16, #tpu.memory_space<vmem>>, vector<384x1024xbf16>
    %dot_general3A_32 = arith.constant dense<0.000000e+00> : vector<1024x1024xf32>
    %dot_general3A_33 = tpu.matmul %convert_element_type3A_28, %get3A_31, %dot_general3A_32 {dimension_numbers = #tpu.dot_dimension_numbers<[1], [0], [0], [1], [0, 0, 1, 1], [], []>, transpose_lhs_hint = false} : vector<1024x384xbf16>, vector<384x1024xbf16>, vector<1024x1024xf32> -> vector<1024x1024xf32>
    %add3A_34 = arith.addf %add3A_24, %dot_general3A_33 : vector<1024x1024xf32>
    %swap3A = arith.constant 0 : index
    %swap3A_35 = arith.constant 0 : index
    %swap3A_36 = vector.load %arg11[%swap3A, %swap3A_35] : memref<4096x1024xf32, #tpu.memory_space<vmem>>, vector<1024x1024xf32>
    tpu.vector_store %arg11[%swap3A, %swap3A_35], %add3A_34 {strides = array<i32>} : memref<4096x1024xf32, #tpu.memory_space<vmem>>, vector<1024x1024xf32>,
    %get3A_37 = arith.constant 1024 : index
    %get3A_38 = arith.constant 0 : index
    %get3A_39 = vector.load %arg0[%get3A_37, %get3A_38] : memref<4096x128xf32, #tpu.memory_space<vmem>>, vector<1024x128xf32>
    %convert_element_type3A_40 = arith.truncf %get3A_39 : vector<1024x128xf32> to vector<1024x128xbf16>
    %get3A_41 = arith.constant 0 : index
    %get3A_42 = arith.constant 0 : index
    %get3A_43 = vector.load %arg4[%get3A_41, %get3A_42] : memref<128x1024xbf16, #tpu.memory_space<vmem>>, vector<128x1024xbf16>
    %dot_general3A_44 = arith.constant dense<0.000000e+00> : vector<1024x1024xf32>
    %dot_general3A_45 = tpu.matmul %convert_element_type3A_40, %get3A_43, %dot_general3A_44 {dimension_numbers = #tpu.dot_dimension_numbers<[1], [0], [0], [1], [0, 0, 1, 1], [], []>, transpose_lhs_hint = false} : vector<1024x128xbf16>, vector<128x1024xbf16>, vector<1024x1024xf32> -> vector<1024x1024xf32>
    %get3A_46 = arith.constant 1024 : index
    %get3A_47 = arith.constant 0 : index
    %get3A_48 = vector.load %arg1[%get3A_46, %get3A_47] : memref<4096x128xf32, #tpu.memory_space<vmem>>, vector<1024x128xf32>
    %convert_element_type3A_49 = arith.truncf %get3A_48 : vector<1024x128xf32> to vector<1024x128xbf16>
    %get3A_50 = arith.constant 0 : index
    %get3A_51 = arith.constant 0 : index
    %get3A_52 = vector.load %arg5[%get3A_50, %get3A_51] : memref<128x1024xbf16, #tpu.memory_space<vmem>>, vector<128x1024xbf16>
    %dot_general3A_53 = arith.constant dense<0.000000e+00> : vector<1024x1024xf32>
    %dot_general3A_54 = tpu.matmul %convert_element_type3A_49, %get3A_52, %dot_general3A_53 {dimension_numbers = #tpu.dot_dimension_numbers<[1], [0], [0], [1], [0, 0, 1, 1], [], []>, transpose_lhs_hint = false} : vector<1024x128xbf16>, vector<128x1024xbf16>, vector<1024x1024xf32> -> vector<1024x1024xf32>
    %add3A_55 = arith.addf %dot_general3A_45, %dot_general3A_54 : vector<1024x1024xf32>
    %get3A_56 = arith.constant 1024 : index
    %get3A_57 = arith.constant 0 : index
    %get3A_58 = vector.load %arg2[%get3A_56, %get3A_57] : memref<4096x128xf32, #tpu.memory_space<vmem>>, vector<1024x128xf32>
    %convert_element_type3A_59 = arith.truncf %get3A_58 : vector<1024x128xf32> to vector<1024x128xbf16>
    %get3A_60 = arith.constant 0 : index
    %get3A_61 = arith.constant 0 : index
    %get3A_62 = vector.load %arg6[%get3A_60, %get3A_61] : memref<128x1024xbf16, #tpu.memory_space<vmem>>, vector<128x1024xbf16>
    %dot_general3A_63 = arith.constant dense<0.000000e+00> : vector<1024x1024xf32>
    %dot_general3A_64 = tpu.matmul %convert_element_type3A_59, %get3A_62, %dot_general3A_63 {dimension_numbers = #tpu.dot_dimension_numbers<[1], [0], [0], [1], [0, 0, 1, 1], [], []>, transpose_lhs_hint = false} : vector<1024x128xbf16>, vector<128x1024xbf16>, vector<1024x1024xf32> -> vector<1024x1024xf32>
    %add3A_65 = arith.addf %add3A_55, %dot_general3A_64 : vector<1024x1024xf32>
    %get3A_66 = arith.constant 1024 : index
    %get3A_67 = arith.constant 0 : index
    %get3A_68 = vector.load %arg3[%get3A_66, %get3A_67] : memref<4096x384xf32, #tpu.memory_space<vmem>>, vector<1024x384xf32>
    %convert_element_type3A_69 = arith.truncf %get3A_68 : vector<1024x384xf32> to vector<1024x384xbf16>
    %get3A_70 = arith.constant 0 : index
    %get3A_71 = arith.constant 0 : index
    %get3A_72 = vector.load %arg7[%get3A_70, %get3A_71] : memref<384x1024xbf16, #tpu.memory_space<vmem>>, vector<384x1024xbf16>
    %dot_general3A_73 = arith.constant dense<0.000000e+00> : vector<1024x1024xf32>
    %dot_general3A_74 = tpu.matmul %convert_element_type3A_69, %get3A_72, %dot_general3A_73 {dimension_numbers = #tpu.dot_dimension_numbers<[1], [0], [0], [1], [0, 0, 1, 1], [], []>, transpose_lhs_hint = false} : vector<1024x384xbf16>, vector<384x1024xbf16>, vector<1024x1024xf32> -> vector<1024x1024xf32>
    %add3A_75 = arith.addf %add3A_65, %dot_general3A_74 : vector<1024x1024xf32>
    %swap3A_76 = arith.constant 1024 : index
    %swap3A_77 = arith.constant 0 : index
    %swap3A_78 = vector.load %arg11[%swap3A_76, %swap3A_77] : memref<4096x1024xf32, #tpu.memory_space<vmem>>, vector<1024x1024xf32>
    tpu.vector_store %arg11[%swap3A_76, %swap3A_77], %add3A_75 {strides = array<i32>} : memref<4096x1024xf32, #tpu.memory_space<vmem>>, vector<1024x1024xf32>,
    %get3A_79 = arith.constant 2048 : index
    %get3A_80 = arith.constant 0 : index
    %get3A_81 = vector.load %arg0[%get3A_79, %get3A_80] : memref<4096x128xf32, #tpu.memory_space<vmem>>, vector<1024x128xf32>
    %convert_element_type3A_82 = arith.truncf %get3A_81 : vector<1024x128xf32> to vector<1024x128xbf16>
    %get3A_83 = arith.constant 0 : index
    %get3A_84 = arith.constant 0 : index
    %get3A_85 = vector.load %arg4[%get3A_83, %get3A_84] : memref<128x1024xbf16, #tpu.memory_space<vmem>>, vector<128x1024xbf16>
    %dot_general3A_86 = arith.constant dense<0.000000e+00> : vector<1024x1024xf32>
    %dot_general3A_87 = tpu.matmul %convert_element_type3A_82, %get3A_85, %dot_general3A_86 {dimension_numbers = #tpu.dot_dimension_numbers<[1], [0], [0], [1], [0, 0, 1, 1], [], []>, transpose_lhs_hint = false} : vector<1024x128xbf16>, vector<128x1024xbf16>, vector<1024x1024xf32> -> vector<1024x1024xf32>
    %get3A_88 = arith.constant 2048 : index
    %get3A_89 = arith.constant 0 : index
    %get3A_90 = vector.load %arg1[%get3A_88, %get3A_89] : memref<4096x128xf32, #tpu.memory_space<vmem>>, vector<1024x128xf32>
    %convert_element_type3A_91 = arith.truncf %get3A_90 : vector<1024x128xf32> to vector<1024x128xbf16>
    %get3A_92 = arith.constant 0 : index
    %get3A_93 = arith.constant 0 : index
    %get3A_94 = vector.load %arg5[%get3A_92, %get3A_93] : memref<128x1024xbf16, #tpu.memory_space<vmem>>, vector<128x1024xbf16>
    %dot_general3A_95 = arith.constant dense<0.000000e+00> : vector<1024x1024xf32>
    %dot_general3A_96 = tpu.matmul %convert_element_type3A_91, %get3A_94, %dot_general3A_95 {dimension_numbers = #tpu.dot_dimension_numbers<[1], [0], [0], [1], [0, 0, 1, 1], [], []>, transpose_lhs_hint = false} : vector<1024x128xbf16>, vector<128x1024xbf16>, vector<1024x1024xf32> -> vector<1024x1024xf32>
    %add3A_97 = arith.addf %dot_general3A_87, %dot_general3A_96 : vector<1024x1024xf32>
    %get3A_98 = arith.constant 2048 : index
    %get3A_99 = arith.constant 0 : index
    %get3A_100 = vector.load %arg2[%get3A_98, %get3A_99] : memref<4096x128xf32, #tpu.memory_space<vmem>>, vector<1024x128xf32>
    %convert_element_type3A_101 = arith.truncf %get3A_100 : vector<1024x128xf32> to vector<1024x128xbf16>
    %get3A_102 = arith.constant 0 : index
    %get3A_103 = arith.constant 0 : index
    %get3A_104 = vector.load %arg6[%get3A_102, %get3A_103] : memref<128x1024xbf16, #tpu.memory_space<vmem>>, vector<128x1024xbf16>
    %dot_general3A_105 = arith.constant dense<0.000000e+00> : vector<1024x1024xf32>
    %dot_general3A_106 = tpu.matmul %convert_element_type3A_101, %get3A_104, %dot_general3A_105 {dimension_numbers = #tpu.dot_dimension_numbers<[1], [0], [0], [1], [0, 0, 1, 1], [], []>, transpose_lhs_hint = false} : vector<1024x128xbf16>, vector<128x1024xbf16>, vector<1024x1024xf32> -> vector<1024x1024xf32>
    %add3A_107 = arith.addf %add3A_97, %dot_general3A_106 : vector<1024x1024xf32>
    %get3A_108 = arith.constant 2048 : index
    %get3A_109 = arith.constant 0 : index
    %get3A_110 = vector.load %arg3[%get3A_108, %get3A_109] : memref<4096x384xf32, #tpu.memory_space<vmem>>, vector<1024x384xf32>
    %convert_element_type3A_111 = arith.truncf %get3A_110 : vector<1024x384xf32> to vector<1024x384xbf16>
    %get3A_112 = arith.constant 0 : index
    %get3A_113 = arith.constant 0 : index
    %get3A_114 = vector.load %arg7[%get3A_112, %get3A_113] : memref<384x1024xbf16, #tpu.memory_space<vmem>>, vector<384x1024xbf16>
    %dot_general3A_115 = arith.constant dense<0.000000e+00> : vector<1024x1024xf32>
    %dot_general3A_116 = tpu.matmul %convert_element_type3A_111, %get3A_114, %dot_general3A_115 {dimension_numbers = #tpu.dot_dimension_numbers<[1], [0], [0], [1], [0, 0, 1, 1], [], []>, transpose_lhs_hint = false} : vector<1024x384xbf16>, vector<384x1024xbf16>, vector<1024x1024xf32> -> vector<1024x1024xf32>
    %add3A_117 = arith.addf %add3A_107, %dot_general3A_116 : vector<1024x1024xf32>
    %swap3A_118 = arith.constant 2048 : index
    %swap3A_119 = arith.constant 0 : index
    %swap3A_120 = vector.load %arg11[%swap3A_118, %swap3A_119] : memref<4096x1024xf32, #tpu.memory_space<vmem>>, vector<1024x1024xf32>
    tpu.vector_store %arg11[%swap3A_118, %swap3A_119], %add3A_117 {strides = array<i32>} : memref<4096x1024xf32, #tpu.memory_space<vmem>>, vector<1024x1024xf32>,
    %get3A_121 = arith.constant 3072 : index
    %get3A_122 = arith.constant 0 : index
    %get3A_123 = vector.load %arg0[%get3A_121, %get3A_122] : memref<4096x128xf32, #tpu.memory_space<vmem>>, vector<1024x128xf32>
    %convert_element_type3A_124 = arith.truncf %get3A_123 : vector<1024x128xf32> to vector<1024x128xbf16>
    %get3A_125 = arith.constant 0 : index
    %get3A_126 = arith.constant 0 : index
    %get3A_127 = vector.load %arg4[%get3A_125, %get3A_126] : memref<128x1024xbf16, #tpu.memory_space<vmem>>, vector<128x1024xbf16>
    %dot_general3A_128 = arith.constant dense<0.000000e+00> : vector<1024x1024xf32>
    %dot_general3A_129 = tpu.matmul %convert_element_type3A_124, %get3A_127, %dot_general3A_128 {dimension_numbers = #tpu.dot_dimension_numbers<[1], [0], [0], [1], [0, 0, 1, 1], [], []>, transpose_lhs_hint = false} : vector<1024x128xbf16>, vector<128x1024xbf16>, vector<1024x1024xf32> -> vector<1024x1024xf32>
    %get3A_130 = arith.constant 3072 : index
    %get3A_131 = arith.constant 0 : index
    %get3A_132 = vector.load %arg1[%get3A_130, %get3A_131] : memref<4096x128xf32, #tpu.memory_space<vmem>>, vector<1024x128xf32>
    %convert_element_type3A_133 = arith.truncf %get3A_132 : vector<1024x128xf32> to vector<1024x128xbf16>
    %get3A_134 = arith.constant 0 : index
    %get3A_135 = arith.constant 0 : index
    %get3A_136 = vector.load %arg5[%get3A_134, %get3A_135] : memref<128x1024xbf16, #tpu.memory_space<vmem>>, vector<128x1024xbf16>
    %dot_general3A_137 = arith.constant dense<0.000000e+00> : vector<1024x1024xf32>
    %dot_general3A_138 = tpu.matmul %convert_element_type3A_133, %get3A_136, %dot_general3A_137 {dimension_numbers = #tpu.dot_dimension_numbers<[1], [0], [0], [1], [0, 0, 1, 1], [], []>, transpose_lhs_hint = false} : vector<1024x128xbf16>, vector<128x1024xbf16>, vector<1024x1024xf32> -> vector<1024x1024xf32>
    %add3A_139 = arith.addf %dot_general3A_129, %dot_general3A_138 : vector<1024x1024xf32>
    %get3A_140 = arith.constant 3072 : index
    %get3A_141 = arith.constant 0 : index
    %get3A_142 = vector.load %arg2[%get3A_140, %get3A_141] : memref<4096x128xf32, #tpu.memory_space<vmem>>, vector<1024x128xf32>
    %convert_element_type3A_143 = arith.truncf %get3A_142 : vector<1024x128xf32> to vector<1024x128xbf16>
    %get3A_144 = arith.constant 0 : index
    %get3A_145 = arith.constant 0 : index
    %get3A_146 = vector.load %arg6[%get3A_144, %get3A_145] : memref<128x1024xbf16, #tpu.memory_space<vmem>>, vector<128x1024xbf16>
    %dot_general3A_147 = arith.constant dense<0.000000e+00> : vector<1024x1024xf32>
    %dot_general3A_148 = tpu.matmul %convert_element_type3A_143, %get3A_146, %dot_general3A_147 {dimension_numbers = #tpu.dot_dimension_numbers<[1], [0], [0], [1], [0, 0, 1, 1], [], []>, transpose_lhs_hint = false} : vector<1024x128xbf16>, vector<128x1024xbf16>, vector<1024x1024xf32> -> vector<1024x1024xf32>
    %add3A_149 = arith.addf %add3A_139, %dot_general3A_148 : vector<1024x1024xf32>
    %get3A_150 = arith.constant 3072 : index
    %get3A_151 = arith.constant 0 : index
    %get3A_152 = vector.load %arg3[%get3A_150, %get3A_151] : memref<4096x384xf32, #tpu.memory_space<vmem>>, vector<1024x384xf32>
    %convert_element_type3A_153 = arith.truncf %get3A_152 : vector<1024x384xf32> to vector<1024x384xbf16>
    %get3A_154 = arith.constant 0 : index
    %get3A_155 = arith.constant 0 : index
    %get3A_156 = vector.load %arg7[%get3A_154, %get3A_155] : memref<384x1024xbf16, #tpu.memory_space<vmem>>, vector<384x1024xbf16>
    %dot_general3A_157 = arith.constant dense<0.000000e+00> : vector<1024x1024xf32>
    %dot_general3A_158 = tpu.matmul %convert_element_type3A_153, %get3A_156, %dot_general3A_157 {dimension_numbers = #tpu.dot_dimension_numbers<[1], [0], [0], [1], [0, 0, 1, 1], [], []>, transpose_lhs_hint = false} : vector<1024x384xbf16>, vector<384x1024xbf16>, vector<1024x1024xf32> -> vector<1024x1024xf32>
    %add3A_159 = arith.addf %add3A_149, %dot_general3A_158 : vector<1024x1024xf32>
    %swap3A_160 = arith.constant 3072 : index
    %swap3A_161 = arith.constant 0 : index
    %swap3A_162 = vector.load %arg11[%swap3A_160, %swap3A_161] : memref<4096x1024xf32, #tpu.memory_space<vmem>>, vector<1024x1024xf32>
    tpu.vector_store %arg11[%swap3A_160, %swap3A_161], %add3A_159 {strides = array<i32>} : memref<4096x1024xf32, #tpu.memory_space<vmem>>, vector<1024x1024xf32>,
    %broadcast_in_dim3A = arith.constant 0.000000e+00 : f32
    %broadcast_in_dim3A_163 = vector.broadcast %broadcast_in_dim3A : f32 to vector<1x1024xf32>
    %get3A_164 = arith.constant 0 : index
    %get3A_165 = arith.constant 0 : index
    %get3A_166 = vector.load %arg11[%get3A_164, %get3A_165] : memref<4096x1024xf32, #tpu.memory_space<vmem>>, vector<1024x1024xf32>
    %reduce_sum3A = arith.constant dense<0.000000e+00> : vector<1024xf32>
    %reduce_sum3A_167 = vector.multi_reduction <add>, %get3A_166, %reduce_sum3A [0] : vector<1024x1024xf32> to vector<1024xf32>
    %broadcast_in_dim3A_168 = vector.shape_cast %reduce_sum3A_167 : vector<1024xf32> to vector<1x1024xf32>
    %add3A_169 = arith.addf %broadcast_in_dim3A_163, %broadcast_in_dim3A_168 : vector<1x1024xf32>
    %get3A_170 = arith.constant 1024 : index
    %get3A_171 = arith.constant 0 : index
    %get3A_172 = vector.load %arg11[%get3A_170, %get3A_171] : memref<4096x1024xf32, #tpu.memory_space<vmem>>, vector<1024x1024xf32>
    %reduce_sum3A_173 = arith.constant dense<0.000000e+00> : vector<1024xf32>
    %reduce_sum3A_174 = vector.multi_reduction <add>, %get3A_172, %reduce_sum3A_173 [0] : vector<1024x1024xf32> to vector<1024xf32>
    %broadcast_in_dim3A_175 = vector.shape_cast %reduce_sum3A_174 : vector<1024xf32> to vector<1x1024xf32>
    %add3A_176 = arith.addf %add3A_169, %broadcast_in_dim3A_175 : vector<1x1024xf32>
    %get3A_177 = arith.constant 2048 : index
    %get3A_178 = arith.constant 0 : index
    %get3A_179 = vector.load %arg11[%get3A_177, %get3A_178] : memref<4096x1024xf32, #tpu.memory_space<vmem>>, vector<1024x1024xf32>
    %reduce_sum3A_180 = arith.constant dense<0.000000e+00> : vector<1024xf32>
    %reduce_sum3A_181 = vector.multi_reduction <add>, %get3A_179, %reduce_sum3A_180 [0] : vector<1024x1024xf32> to vector<1024xf32>
    %broadcast_in_dim3A_182 = vector.shape_cast %reduce_sum3A_181 : vector<1024xf32> to vector<1x1024xf32>
    %add3A_183 = arith.addf %add3A_176, %broadcast_in_dim3A_182 : vector<1x1024xf32>
    %get3A_184 = arith.constant 3072 : index
    %get3A_185 = arith.constant 0 : index
    %get3A_186 = vector.load %arg11[%get3A_184, %get3A_185] : memref<4096x1024xf32, #tpu.memory_space<vmem>>, vector<1024x1024xf32>
    %reduce_sum3A_187 = arith.constant dense<0.000000e+00> : vector<1024xf32>
    %reduce_sum3A_188 = vector.multi_reduction <add>, %get3A_186, %reduce_sum3A_187 [0] : vector<1024x1024xf32> to vector<1024xf32>
    %broadcast_in_dim3A_189 = vector.shape_cast %reduce_sum3A_188 : vector<1024xf32> to vector<1x1024xf32>
    %add3A_190 = arith.addf %add3A_183, %broadcast_in_dim3A_189 : vector<1x1024xf32>
    %mul3A = arith.constant 2.44140625E-4 : f32
    %mul3A_191 = vector.broadcast %mul3A : f32 to vector<1x1024xf32>
    %mul3A_192 = arith.mulf %add3A_190, %mul3A_191 : vector<1x1024xf32>
    %broadcast_in_dim3A_193 = arith.constant 0.000000e+00 : f32
    %broadcast_in_dim3A_194 = vector.broadcast %broadcast_in_dim3A_193 : f32 to vector<1x1024xf32>
    %get3A_195 = arith.constant 0 : index
    %get3A_196 = arith.constant 0 : index
    %get3A_197 = vector.load %arg11[%get3A_195, %get3A_196] : memref<4096x1024xf32, #tpu.memory_space<vmem>>, vector<1024x1024xf32>
    %sub3A = vector.broadcast %mul3A_192 : vector<1x1024xf32> to vector<1024x1024xf32>
    %sub3A_198 = arith.subf %get3A_197, %sub3A : vector<1024x1024xf32>
    %mul3A_199 = arith.mulf %sub3A_198, %sub3A_198 : vector<1024x1024xf32>
    %reduce_sum3A_200 = arith.constant dense<0.000000e+00> : vector<1024xf32>
    %reduce_sum3A_201 = vector.multi_reduction <add>, %mul3A_199, %reduce_sum3A_200 [0] : vector<1024x1024xf32> to vector<1024xf32>
    %broadcast_in_dim3A_202 = vector.shape_cast %reduce_sum3A_201 : vector<1024xf32> to vector<1x1024xf32>
    %add3A_203 = arith.addf %broadcast_in_dim3A_194, %broadcast_in_dim3A_202 : vector<1x1024xf32>
    %get3A_204 = arith.constant 1024 : index
    %get3A_205 = arith.constant 0 : index
    %get3A_206 = vector.load %arg11[%get3A_204, %get3A_205] : memref<4096x1024xf32, #tpu.memory_space<vmem>>, vector<1024x1024xf32>
    %sub3A_207 = vector.broadcast %mul3A_192 : vector<1x1024xf32> to vector<1024x1024xf32>
    %sub3A_208 = arith.subf %get3A_206, %sub3A_207 : vector<1024x1024xf32>
    %mul3A_209 = arith.mulf %sub3A_208, %sub3A_208 : vector<1024x1024xf32>
    %reduce_sum3A_210 = arith.constant dense<0.000000e+00> : vector<1024xf32>
    %reduce_sum3A_211 = vector.multi_reduction <add>, %mul3A_209, %reduce_sum3A_210 [0] : vector<1024x1024xf32> to vector<1024xf32>
    %broadcast_in_dim3A_212 = vector.shape_cast %reduce_sum3A_211 : vector<1024xf32> to vector<1x1024xf32>
    %add3A_213 = arith.addf %add3A_203, %broadcast_in_dim3A_212 : vector<1x1024xf32>
    %get3A_214 = arith.constant 2048 : index
    %get3A_215 = arith.constant 0 : index
    %get3A_216 = vector.load %arg11[%get3A_214, %get3A_215] : memref<4096x1024xf32, #tpu.memory_space<vmem>>, vector<1024x1024xf32>
    %sub3A_217 = vector.broadcast %mul3A_192 : vector<1x1024xf32> to vector<1024x1024xf32>
    %sub3A_218 = arith.subf %get3A_216, %sub3A_217 : vector<1024x1024xf32>
    %mul3A_219 = arith.mulf %sub3A_218, %sub3A_218 : vector<1024x1024xf32>
    %reduce_sum3A_220 = arith.constant dense<0.000000e+00> : vector<1024xf32>
    %reduce_sum3A_221 = vector.multi_reduction <add>, %mul3A_219, %reduce_sum3A_220 [0] : vector<1024x1024xf32> to vector<1024xf32>
    %broadcast_in_dim3A_222 = vector.shape_cast %reduce_sum3A_221 : vector<1024xf32> to vector<1x1024xf32>
    %add3A_223 = arith.addf %add3A_213, %broadcast_in_dim3A_222 : vector<1x1024xf32>
    %get3A_224 = arith.constant 3072 : index
    %get3A_225 = arith.constant 0 : index
    %get3A_226 = vector.load %arg11[%get3A_224, %get3A_225] : memref<4096x1024xf32, #tpu.memory_space<vmem>>, vector<1024x1024xf32>
    %sub3A_227 = vector.broadcast %mul3A_192 : vector<1x1024xf32> to vector<1024x1024xf32>
    %sub3A_228 = arith.subf %get3A_226, %sub3A_227 : vector<1024x1024xf32>
    %mul3A_229 = arith.mulf %sub3A_228, %sub3A_228 : vector<1024x1024xf32>
    %reduce_sum3A_230 = arith.constant dense<0.000000e+00> : vector<1024xf32>
    %reduce_sum3A_231 = vector.multi_reduction <add>, %mul3A_229, %reduce_sum3A_230 [0] : vector<1024x1024xf32> to vector<1024xf32>
    %broadcast_in_dim3A_232 = vector.shape_cast %reduce_sum3A_231 : vector<1024xf32> to vector<1x1024xf32>
    %add3A_233 = arith.addf %add3A_223, %broadcast_in_dim3A_232 : vector<1x1024xf32>
    %mul3A_234 = arith.constant 2.44140625E-4 : f32
    %mul3A_235 = vector.broadcast %mul3A_234 : f32 to vector<1x1024xf32>
    %mul3A_236 = arith.mulf %add3A_233, %mul3A_235 : vector<1x1024xf32>
    %get3A_237 = arith.constant 0 : index
    %get3A_238 = arith.constant 0 : index
    %get3A_239 = vector.load %arg8[%get3A_237, %get3A_238] : memref<1x1024xf32, #tpu.memory_space<vmem>>, vector<1x1024xf32>
    %get3A_240 = arith.constant 0 : index
    %get3A_241 = arith.constant 0 : index
    %get3A_242 = vector.load %arg9[%get3A_240, %get3A_241] : memref<1x1024xf32, #tpu.memory_space<vmem>>, vector<1x1024xf32>
    %add3A_243 = arith.constant 9.99999974E-6 : f32
    %add3A_244 = vector.broadcast %add3A_243 : f32 to vector<1x1024xf32>
    %add3A_245 = arith.addf %mul3A_236, %add3A_244 : vector<1x1024xf32>
    %sqrt3A = math.sqrt %add3A_245 : vector<1x1024xf32>
    %div3A = arith.divf %get3A_239, %sqrt3A : vector<1x1024xf32>
    %get3A_246 = arith.constant 0 : index
    %get3A_247 = arith.constant 0 : index
    %get3A_248 = vector.load %arg11[%get3A_246, %get3A_247] : memref<4096x1024xf32, #tpu.memory_space<vmem>>, vector<1024x1024xf32>
    %ge3A = arith.constant 0.000000e+00 : f32
    %ge3A_249 = vector.broadcast %ge3A : f32 to vector<1x1024xf32>
    %ge3A_250 = arith.cmpf oge, %get3A_239, %ge3A_249 : vector<1x1024xf32>
    %reduce_max3A = arith.constant dense<0xFF800000> : vector<1024xf32>
    %reduce_max3A_251 = vector.multi_reduction <maximumf>, %get3A_248, %reduce_max3A [0] : vector<1024x1024xf32> to vector<1024xf32>
    %broadcast_in_dim3A_252 = vector.shape_cast %reduce_max3A_251 : vector<1024xf32> to vector<1x1024xf32>
    %reduce_min3A = arith.constant dense<0x7F800000> : vector<1024xf32>
    %reduce_min3A_253 = vector.multi_reduction <minimumf>, %get3A_248, %reduce_min3A [0] : vector<1024x1024xf32> to vector<1024xf32>
    %broadcast_in_dim3A_254 = vector.shape_cast %reduce_min3A_253 : vector<1024xf32> to vector<1x1024xf32>
    %select_n3A = arith.select %ge3A_250, %broadcast_in_dim3A_252, %broadcast_in_dim3A_254 : vector<1x1024xi1>, vector<1x1024xf32>
    %sub3A_255 = arith.subf %select_n3A, %mul3A_192 : vector<1x1024xf32>
    %mul3A_256 = arith.mulf %sub3A_255, %div3A : vector<1x1024xf32>
    %add3A_257 = arith.addf %mul3A_256, %get3A_242 : vector<1x1024xf32>
    %gt3A = arith.constant 0.000000e+00 : f32
    %gt3A_258 = vector.broadcast %gt3A : f32 to vector<1x1024xf32>
    %gt3A_259 = arith.cmpf ogt, %add3A_257, %gt3A_258 : vector<1x1024xf32>
    %mul3A_260 = arith.constant 2.000000e-01 : f32
    %mul3A_261 = vector.broadcast %mul3A_260 : f32 to vector<1x1024xf32>
    %mul3A_262 = arith.mulf %mul3A_261, %add3A_257 : vector<1x1024xf32>
    %select_n3A_263 = arith.select %gt3A_259, %add3A_257, %mul3A_262 : vector<1x1024xi1>, vector<1x1024xf32>
    %sub3A_264 = vector.broadcast %mul3A_192 : vector<1x1024xf32> to vector<1024x1024xf32>
    %sub3A_265 = arith.subf %get3A_248, %sub3A_264 : vector<1024x1024xf32>
    %mul3A_266 = vector.broadcast %div3A : vector<1x1024xf32> to vector<1024x1024xf32>
    %mul3A_267 = arith.mulf %sub3A_265, %mul3A_266 : vector<1024x1024xf32>
    %add3A_268 = vector.broadcast %get3A_242 : vector<1x1024xf32> to vector<1024x1024xf32>
    %add3A_269 = arith.addf %mul3A_267, %add3A_268 : vector<1024x1024xf32>
    %gt3A_270 = arith.constant 0.000000e+00 : f32
    %gt3A_271 = vector.broadcast %gt3A_270 : f32 to vector<1024x1024xf32>
    %gt3A_272 = arith.cmpf ogt, %add3A_269, %gt3A_271 : vector<1024x1024xf32>
    %mul3A_273 = arith.constant 2.000000e-01 : f32
    %mul3A_274 = vector.broadcast %mul3A_273 : f32 to vector<1024x1024xf32>
    %mul3A_275 = arith.mulf %mul3A_274, %add3A_269 : vector<1024x1024xf32>
    %select_n3A_276 = arith.select %gt3A_272, %add3A_269, %mul3A_275 : vector<1024x1024xi1>, vector<1024x1024xf32>
    %reduce_sum3A_277 = arith.constant dense<0.000000e+00> : vector<1024xf32>
    %reduce_sum3A_278 = vector.multi_reduction <add>, %select_n3A_276, %reduce_sum3A_277 [0] : vector<1024x1024xf32> to vector<1024xf32>
    %broadcast_in_dim3A_279 = vector.shape_cast %reduce_sum3A_278 : vector<1024xf32> to vector<1x1024xf32>
    %mul3A_280 = arith.constant 9.765625E-4 : f32
    %mul3A_281 = vector.broadcast %mul3A_280 : f32 to vector<1x1024xf32>
    %mul3A_282 = arith.mulf %broadcast_in_dim3A_279, %mul3A_281 : vector<1x1024xf32>
    %swap3A_283 = arith.constant 0 : index
    %swap3A_284 = arith.constant 0 : index
    %swap3A_285 = vector.load %arg10[%swap3A_283, %swap3A_284] : memref<4x2048xf32, #tpu.memory_space<vmem>>, vector<1x1024xf32>
    tpu.vector_store %arg10[%swap3A_283, %swap3A_284], %select_n3A_263 {strides = array<i32>} : memref<4x2048xf32, #tpu.memory_space<vmem>>, vector<1x1024xf32>,
    %swap3A_286 = arith.constant 0 : index
    %swap3A_287 = arith.constant 1024 : index
    %swap3A_288 = vector.load %arg10[%swap3A_286, %swap3A_287] : memref<4x2048xf32, #tpu.memory_space<vmem>>, vector<1x1024xf32>
    tpu.vector_store %arg10[%swap3A_286, %swap3A_287], %mul3A_282 {strides = array<i32>} : memref<4x2048xf32, #tpu.memory_space<vmem>>, vector<1x1024xf32>,
    %get3A_289 = arith.constant 1024 : index
    %get3A_290 = arith.constant 0 : index
    %get3A_291 = vector.load %arg11[%get3A_289, %get3A_290] : memref<4096x1024xf32, #tpu.memory_space<vmem>>, vector<1024x1024xf32>
    %ge3A_292 = arith.constant 0.000000e+00 : f32
    %ge3A_293 = vector.broadcast %ge3A_292 : f32 to vector<1x1024xf32>
    %ge3A_294 = arith.cmpf oge, %get3A_239, %ge3A_293 : vector<1x1024xf32>
    %reduce_max3A_295 = arith.constant dense<0xFF800000> : vector<1024xf32>
    %reduce_max3A_296 = vector.multi_reduction <maximumf>, %get3A_291, %reduce_max3A_295 [0] : vector<1024x1024xf32> to vector<1024xf32>
    %broadcast_in_dim3A_297 = vector.shape_cast %reduce_max3A_296 : vector<1024xf32> to vector<1x1024xf32>
    %reduce_min3A_298 = arith.constant dense<0x7F800000> : vector<1024xf32>
    %reduce_min3A_299 = vector.multi_reduction <minimumf>, %get3A_291, %reduce_min3A_298 [0] : vector<1024x1024xf32> to vector<1024xf32>
    %broadcast_in_dim3A_300 = vector.shape_cast %reduce_min3A_299 : vector<1024xf32> to vector<1x1024xf32>
    %select_n3A_301 = arith.select %ge3A_294, %broadcast_in_dim3A_297, %broadcast_in_dim3A_300 : vector<1x1024xi1>, vector<1x1024xf32>
    %sub3A_302 = arith.subf %select_n3A_301, %mul3A_192 : vector<1x1024xf32>
    %mul3A_303 = arith.mulf %sub3A_302, %div3A : vector<1x1024xf32>
    %add3A_304 = arith.addf %mul3A_303, %get3A_242 : vector<1x1024xf32>
    %gt3A_305 = arith.constant 0.000000e+00 : f32
    %gt3A_306 = vector.broadcast %gt3A_305 : f32 to vector<1x1024xf32>
    %gt3A_307 = arith.cmpf ogt, %add3A_304, %gt3A_306 : vector<1x1024xf32>
    %mul3A_308 = arith.constant 2.000000e-01 : f32
    %mul3A_309 = vector.broadcast %mul3A_308 : f32 to vector<1x1024xf32>
    %mul3A_310 = arith.mulf %mul3A_309, %add3A_304 : vector<1x1024xf32>
    %select_n3A_311 = arith.select %gt3A_307, %add3A_304, %mul3A_310 : vector<1x1024xi1>, vector<1x1024xf32>
    %sub3A_312 = vector.broadcast %mul3A_192 : vector<1x1024xf32> to vector<1024x1024xf32>
    %sub3A_313 = arith.subf %get3A_291, %sub3A_312 : vector<1024x1024xf32>
    %mul3A_314 = vector.broadcast %div3A : vector<1x1024xf32> to vector<1024x1024xf32>
    %mul3A_315 = arith.mulf %sub3A_313, %mul3A_314 : vector<1024x1024xf32>
    %add3A_316 = vector.broadcast %get3A_242 : vector<1x1024xf32> to vector<1024x1024xf32>
    %add3A_317 = arith.addf %mul3A_315, %add3A_316 : vector<1024x1024xf32>
    %gt3A_318 = arith.constant 0.000000e+00 : f32
    %gt3A_319 = vector.broadcast %gt3A_318 : f32 to vector<1024x1024xf32>
    %gt3A_320 = arith.cmpf ogt, %add3A_317, %gt3A_319 : vector<1024x1024xf32>
    %mul3A_321 = arith.constant 2.000000e-01 : f32
    %mul3A_322 = vector.broadcast %mul3A_321 : f32 to vector<1024x1024xf32>
    %mul3A_323 = arith.mulf %mul3A_322, %add3A_317 : vector<1024x1024xf32>
    %select_n3A_324 = arith.select %gt3A_320, %add3A_317, %mul3A_323 : vector<1024x1024xi1>, vector<1024x1024xf32>
    %reduce_sum3A_325 = arith.constant dense<0.000000e+00> : vector<1024xf32>
    %reduce_sum3A_326 = vector.multi_reduction <add>, %select_n3A_324, %reduce_sum3A_325 [0] : vector<1024x1024xf32> to vector<1024xf32>
    %broadcast_in_dim3A_327 = vector.shape_cast %reduce_sum3A_326 : vector<1024xf32> to vector<1x1024xf32>
    %mul3A_328 = arith.constant 9.765625E-4 : f32
    %mul3A_329 = vector.broadcast %mul3A_328 : f32 to vector<1x1024xf32>
    %mul3A_330 = arith.mulf %broadcast_in_dim3A_327, %mul3A_329 : vector<1x1024xf32>
    %swap3A_331 = arith.constant 1 : index
    %swap3A_332 = arith.constant 0 : index
    %swap3A_333 = vector.load %arg10[%swap3A_331, %swap3A_332] : memref<4x2048xf32, #tpu.memory_space<vmem>>, vector<1x1024xf32>
    tpu.vector_store %arg10[%swap3A_331, %swap3A_332], %select_n3A_311 {strides = array<i32>} : memref<4x2048xf32, #tpu.memory_space<vmem>>, vector<1x1024xf32>,
    %swap3A_334 = arith.constant 1 : index
    %swap3A_335 = arith.constant 1024 : index
    %swap3A_336 = vector.load %arg10[%swap3A_334, %swap3A_335] : memref<4x2048xf32, #tpu.memory_space<vmem>>, vector<1x1024xf32>
    tpu.vector_store %arg10[%swap3A_334, %swap3A_335], %mul3A_330 {strides = array<i32>} : memref<4x2048xf32, #tpu.memory_space<vmem>>, vector<1x1024xf32>,
    %get3A_337 = arith.constant 2048 : index
    %get3A_338 = arith.constant 0 : index
    %get3A_339 = vector.load %arg11[%get3A_337, %get3A_338] : memref<4096x1024xf32, #tpu.memory_space<vmem>>, vector<1024x1024xf32>
    %ge3A_340 = arith.constant 0.000000e+00 : f32
    %ge3A_341 = vector.broadcast %ge3A_340 : f32 to vector<1x1024xf32>
    %ge3A_342 = arith.cmpf oge, %get3A_239, %ge3A_341 : vector<1x1024xf32>
    %reduce_max3A_343 = arith.constant dense<0xFF800000> : vector<1024xf32>
    %reduce_max3A_344 = vector.multi_reduction <maximumf>, %get3A_339, %reduce_max3A_343 [0] : vector<1024x1024xf32> to vector<1024xf32>
    %broadcast_in_dim3A_345 = vector.shape_cast %reduce_max3A_344 : vector<1024xf32> to vector<1x1024xf32>
    %reduce_min3A_346 = arith.constant dense<0x7F800000> : vector<1024xf32>
    %reduce_min3A_347 = vector.multi_reduction <minimumf>, %get3A_339, %reduce_min3A_346 [0] : vector<1024x1024xf32> to vector<1024xf32>
    %broadcast_in_dim3A_348 = vector.shape_cast %reduce_min3A_347 : vector<1024xf32> to vector<1x1024xf32>
    %select_n3A_349 = arith.select %ge3A_342, %broadcast_in_dim3A_345, %broadcast_in_dim3A_348 : vector<1x1024xi1>, vector<1x1024xf32>
    %sub3A_350 = arith.subf %select_n3A_349, %mul3A_192 : vector<1x1024xf32>
    %mul3A_351 = arith.mulf %sub3A_350, %div3A : vector<1x1024xf32>
    %add3A_352 = arith.addf %mul3A_351, %get3A_242 : vector<1x1024xf32>
    %gt3A_353 = arith.constant 0.000000e+00 : f32
    %gt3A_354 = vector.broadcast %gt3A_353 : f32 to vector<1x1024xf32>
    %gt3A_355 = arith.cmpf ogt, %add3A_352, %gt3A_354 : vector<1x1024xf32>
    %mul3A_356 = arith.constant 2.000000e-01 : f32
    %mul3A_357 = vector.broadcast %mul3A_356 : f32 to vector<1x1024xf32>
    %mul3A_358 = arith.mulf %mul3A_357, %add3A_352 : vector<1x1024xf32>
    %select_n3A_359 = arith.select %gt3A_355, %add3A_352, %mul3A_358 : vector<1x1024xi1>, vector<1x1024xf32>
    %sub3A_360 = vector.broadcast %mul3A_192 : vector<1x1024xf32> to vector<1024x1024xf32>
    %sub3A_361 = arith.subf %get3A_339, %sub3A_360 : vector<1024x1024xf32>
    %mul3A_362 = vector.broadcast %div3A : vector<1x1024xf32> to vector<1024x1024xf32>
    %mul3A_363 = arith.mulf %sub3A_361, %mul3A_362 : vector<1024x1024xf32>
    %add3A_364 = vector.broadcast %get3A_242 : vector<1x1024xf32> to vector<1024x1024xf32>
    %add3A_365 = arith.addf %mul3A_363, %add3A_364 : vector<1024x1024xf32>
    %gt3A_366 = arith.constant 0.000000e+00 : f32
    %gt3A_367 = vector.broadcast %gt3A_366 : f32 to vector<1024x1024xf32>
    %gt3A_368 = arith.cmpf ogt, %add3A_365, %gt3A_367 : vector<1024x1024xf32>
    %mul3A_369 = arith.constant 2.000000e-01 : f32
    %mul3A_370 = vector.broadcast %mul3A_369 : f32 to vector<1024x1024xf32>
    %mul3A_371 = arith.mulf %mul3A_370, %add3A_365 : vector<1024x1024xf32>
    %select_n3A_372 = arith.select %gt3A_368, %add3A_365, %mul3A_371 : vector<1024x1024xi1>, vector<1024x1024xf32>
    %reduce_sum3A_373 = arith.constant dense<0.000000e+00> : vector<1024xf32>
    %reduce_sum3A_374 = vector.multi_reduction <add>, %select_n3A_372, %reduce_sum3A_373 [0] : vector<1024x1024xf32> to vector<1024xf32>
    %broadcast_in_dim3A_375 = vector.shape_cast %reduce_sum3A_374 : vector<1024xf32> to vector<1x1024xf32>
    %mul3A_376 = arith.constant 9.765625E-4 : f32
    %mul3A_377 = vector.broadcast %mul3A_376 : f32 to vector<1x1024xf32>
    %mul3A_378 = arith.mulf %broadcast_in_dim3A_375, %mul3A_377 : vector<1x1024xf32>
    %swap3A_379 = arith.constant 2 : index
    %swap3A_380 = arith.constant 0 : index
    %swap3A_381 = vector.load %arg10[%swap3A_379, %swap3A_380] : memref<4x2048xf32, #tpu.memory_space<vmem>>, vector<1x1024xf32>
    tpu.vector_store %arg10[%swap3A_379, %swap3A_380], %select_n3A_359 {strides = array<i32>} : memref<4x2048xf32, #tpu.memory_space<vmem>>, vector<1x1024xf32>,
    %swap3A_382 = arith.constant 2 : index
    %swap3A_383 = arith.constant 1024 : index
    %swap3A_384 = vector.load %arg10[%swap3A_382, %swap3A_383] : memref<4x2048xf32, #tpu.memory_space<vmem>>, vector<1x1024xf32>
    tpu.vector_store %arg10[%swap3A_382, %swap3A_383], %mul3A_378 {strides = array<i32>} : memref<4x2048xf32, #tpu.memory_space<vmem>>, vector<1x1024xf32>,
    %get3A_385 = arith.constant 3072 : index
    %get3A_386 = arith.constant 0 : index
    %get3A_387 = vector.load %arg11[%get3A_385, %get3A_386] : memref<4096x1024xf32, #tpu.memory_space<vmem>>, vector<1024x1024xf32>
    %ge3A_388 = arith.constant 0.000000e+00 : f32
    %ge3A_389 = vector.broadcast %ge3A_388 : f32 to vector<1x1024xf32>
    %ge3A_390 = arith.cmpf oge, %get3A_239, %ge3A_389 : vector<1x1024xf32>
    %reduce_max3A_391 = arith.constant dense<0xFF800000> : vector<1024xf32>
    %reduce_max3A_392 = vector.multi_reduction <maximumf>, %get3A_387, %reduce_max3A_391 [0] : vector<1024x1024xf32> to vector<1024xf32>
    %broadcast_in_dim3A_393 = vector.shape_cast %reduce_max3A_392 : vector<1024xf32> to vector<1x1024xf32>
    %reduce_min3A_394 = arith.constant dense<0x7F800000> : vector<1024xf32>
    %reduce_min3A_395 = vector.multi_reduction <minimumf>, %get3A_387, %reduce_min3A_394 [0] : vector<1024x1024xf32> to vector<1024xf32>
    %broadcast_in_dim3A_396 = vector.shape_cast %reduce_min3A_395 : vector<1024xf32> to vector<1x1024xf32>
    %select_n3A_397 = arith.select %ge3A_390, %broadcast_in_dim3A_393, %broadcast_in_dim3A_396 : vector<1x1024xi1>, vector<1x1024xf32>
    %sub3A_398 = arith.subf %select_n3A_397, %mul3A_192 : vector<1x1024xf32>
    %mul3A_399 = arith.mulf %sub3A_398, %div3A : vector<1x1024xf32>
    %add3A_400 = arith.addf %mul3A_399, %get3A_242 : vector<1x1024xf32>
    %gt3A_401 = arith.constant 0.000000e+00 : f32
    %gt3A_402 = vector.broadcast %gt3A_401 : f32 to vector<1x1024xf32>
    %gt3A_403 = arith.cmpf ogt, %add3A_400, %gt3A_402 : vector<1x1024xf32>
    %mul3A_404 = arith.constant 2.000000e-01 : f32
    %mul3A_405 = vector.broadcast %mul3A_404 : f32 to vector<1x1024xf32>
    %mul3A_406 = arith.mulf %mul3A_405, %add3A_400 : vector<1x1024xf32>
    %select_n3A_407 = arith.select %gt3A_403, %add3A_400, %mul3A_406 : vector<1x1024xi1>, vector<1x1024xf32>
    %sub3A_408 = vector.broadcast %mul3A_192 : vector<1x1024xf32> to vector<1024x1024xf32>
    %sub3A_409 = arith.subf %get3A_387, %sub3A_408 : vector<1024x1024xf32>
    %mul3A_410 = vector.broadcast %div3A : vector<1x1024xf32> to vector<1024x1024xf32>
    %mul3A_411 = arith.mulf %sub3A_409, %mul3A_410 : vector<1024x1024xf32>
    %add3A_412 = vector.broadcast %get3A_242 : vector<1x1024xf32> to vector<1024x1024xf32>
    %add3A_413 = arith.addf %mul3A_411, %add3A_412 : vector<1024x1024xf32>
    %gt3A_414 = arith.constant 0.000000e+00 : f32
    %gt3A_415 = vector.broadcast %gt3A_414 : f32 to vector<1024x1024xf32>
    %gt3A_416 = arith.cmpf ogt, %add3A_413, %gt3A_415 : vector<1024x1024xf32>
    %mul3A_417 = arith.constant 2.000000e-01 : f32
    %mul3A_418 = vector.broadcast %mul3A_417 : f32 to vector<1024x1024xf32>
    %mul3A_419 = arith.mulf %mul3A_418, %add3A_413 : vector<1024x1024xf32>
    %select_n3A_420 = arith.select %gt3A_416, %add3A_413, %mul3A_419 : vector<1024x1024xi1>, vector<1024x1024xf32>
    %reduce_sum3A_421 = arith.constant dense<0.000000e+00> : vector<1024xf32>
    %reduce_sum3A_422 = vector.multi_reduction <add>, %select_n3A_420, %reduce_sum3A_421 [0] : vector<1024x1024xf32> to vector<1024xf32>
    %broadcast_in_dim3A_423 = vector.shape_cast %reduce_sum3A_422 : vector<1024xf32> to vector<1x1024xf32>
    %mul3A_424 = arith.constant 9.765625E-4 : f32
    %mul3A_425 = vector.broadcast %mul3A_424 : f32 to vector<1x1024xf32>
    %mul3A_426 = arith.mulf %broadcast_in_dim3A_423, %mul3A_425 : vector<1x1024xf32>
    %swap3A_427 = arith.constant 3 : index
    %swap3A_428 = arith.constant 0 : index
    %swap3A_429 = vector.load %arg10[%swap3A_427, %swap3A_428] : memref<4x2048xf32, #tpu.memory_space<vmem>>, vector<1x1024xf32>
    tpu.vector_store %arg10[%swap3A_427, %swap3A_428], %select_n3A_407 {strides = array<i32>} : memref<4x2048xf32, #tpu.memory_space<vmem>>, vector<1x1024xf32>,
    %swap3A_430 = arith.constant 3 : index
    %swap3A_431 = arith.constant 1024 : index
    %swap3A_432 = vector.load %arg10[%swap3A_430, %swap3A_431] : memref<4x2048xf32, #tpu.memory_space<vmem>>, vector<1x1024xf32>
    tpu.vector_store %arg10[%swap3A_430, %swap3A_431], %mul3A_426 {strides = array<i32>} : memref<4x2048xf32, #tpu.memory_space<vmem>>, vector<1x1024xf32>,
    return
  }
}

</mosaic_0001>

<sc_bundles>
// kernel: kernel.16.cloned.1.call-start
scs
__scs_entry_jumppad:
0x0: {  	(pc) =	sbr.rel $0x88, $3  }
0x1: {  	(tag) =	ssettag $0x0;
	lr =	simm.s32 $0x1  }
0x2: {  	[smem:$0x3F91] =	sst lr;
	_ =	strace $0xD0000000  }
0x3: {  	_ = 	snop  }
0x4: {  	_ = 	snop  }
0x5: {  	_ = 	snop  }
0x6: {  	_ = 	snop  }
0x7: {  	_ = 	snop  }
__scs_overlays_trampoline_lowered:
0x8: {  	[smem:$0x3FA0] =	sst s0  }
0x9: {  	[smem:$0x3FA1] =	sst s1  }
0xa: {  	[smem:$0x3FA2] =	sst s2  }
0xb: {  	[smem:$0x3FA3] =	sst s3  }
0xc: {  	[smem:$0x3FA4] =	sst s4  }
0xd: {  	[smem:$0x3FA5] =	sst s5  }
0xe: {  	[smem:$0x3FA6] =	sst s6  }
0xf: {  	[smem:$0x3FA7] =	sst s7  }
0x10: {  	[smem:$0x3FA8] =	sst s8  }
0x11: {  	[smem:$0x3FA9] =	sst s9;
	s0 =	simm.s32 @!p0 $0x0  }
0x12: {  	s1 =	sld [smem:$0x3F8F];
	s0 =	simm.s32 @p0 $0x1  }
0x13: {  	[smem:$0x3FAA] =	sst s0;
	s0 =	simm.s32 @!p1 $0x0  }
0x14: {  	s2 =	sld [smem:$0x3F8E];
	s0 =	simm.s32 @p1 $0x1  }
0x15: {  	[smem:$0x3FAB] =	sst s0;
	s0 =	simm.s32 @!p2 $0x0  }
0x16: {  	s3 =	sld [smem:$0x3FDB];
	s0 =	simm.s32 @p2 $0x1  }
0x17: {  	s4 =	simm.s32 $0x1BF5;
	[smem:$0x3FAD] =	sst s0  }
0x18: {  	s0 =	sld [smem:$0x3F90];
	_ =	swait.ge [sflag:s4], $0x0  }
0x19: {  	s7 =	sld [smem:$0x3F91]  }
0x1a: {  	s8 =	sadd.s32 $0xFFFFE003, lr  }
0x1b: {  	s9 =	sadd.s32 $0xFFFFFEF7, lr;
	s5 =	simm.s32 $0xFFFFFFFF;
	p2 =	slt.u32 s8, $0xFFFFF086  }
0x1c: {  	p1 =	slt.u32 s9, $0xF7A;
	s5 =	simm.s32 @!p2 $0x0  }
0x1d: {  	s5 =	simm.s32 @p1 $0x1;
	p0 =	seq.s32 s7, s2  }
0x1e: {  	s7 =	smul.u32 @!p0 $0xF7A, s2;
	p2 =	seq.s32 @!p0 s5, $0x0  }
0x1f: {  	s9 =	smul.u32 $0xF7A, s1;
	s8 =	simm.s32 @!p0 $0x1BF5;
	p2 =	por !p2, p0  }
0x20: {  	[sflag:s8] =	ssyncset.s32 @!p0 $0xFFFFF086;
	s6 =	sadd.s32 @!p0 s3, s7;
	s7 =	simm.s32 @!p0 $0x108  }
0x21: {  	s3 =	sadd.s32 s3, s9;
	s6 =	sadd.s32 @!p0 $0x88, s6;
	s7 =	simm.s32 @p2 $0x1082  }
0x22: {  	[simem:s7], [sflag:s8] =	dma.local @!p0 [hbm:s6], $0xF7A  }
0x23: {  	s9 =	sor.u32 $0xD0000000, s2;
	s6 =	simm.s32 $0x108;
	_ =	swait.ge @!p0 [sflag:s8], $0x0  }
0x24: {  	s3 =	sadd.s32 $0x88, s3;
	s6 =	simm.s32 @!p1 $0x1082;
	[sflag:s4] =	ssyncset.s32 $0xFFFFF086  }
0x25: {  	[simem:s6], [sflag:s4] =	dma.local [hbm:s3], $0xF7A  }
0x26: {  	[smem:$0x3F91] =	sst s1;
	(tag) =	ssettag s2;
	_ =	strace s9  }
0x27: {  	s1 =	sld [smem:$0x3FA1]  }
0x28: {  	s2 =	sld [smem:$0x3FA2]  }
0x29: {  	s4 =	sld [smem:$0x3FA4]  }
0x2a: {  	p0 =	seq.s32 s5, $0x0;
	s5 =	sld [smem:$0x3FA5]  }
0x2b: {  	s6 =	sld [smem:$0x3FA6]  }
0x2c: {  	s7 =	sld [smem:$0x3FA7]  }
0x2d: {  	s3 =	simm.s32 $0x108;
	s8 =	sld [smem:$0x3FA8]  }
0x2e: {  	s3 =	simm.s32 @!p0 $0x1082;
	s9 =	sld [smem:$0x3FA9]  }
0x2f: {  	lr =	sadd.s32 s0, s3;
	s0 =	sld [smem:$0x3FA0]  }
0x30: {  	s3 =	sld [smem:$0x3FA3]  }
0x31: {  	[smem:$0x3FAC] =	sst s10  }
0x32: {  	s10 =	sld [smem:$0x3FAA];
	_ =	sdelay $0x3  }
0x33: {  	p0 =	seq.s32 s10, $0x1;
	s10 =	sld [smem:$0x3FAC];
	_ =	sdelay $0x3  }
0x34: {  	[smem:$0x3FAC] =	sst s10  }
0x35: {  	s10 =	sld [smem:$0x3FAB];
	_ =	sdelay $0x3  }
0x36: {  	p1 =	seq.s32 s10, $0x1;
	s10 =	sld [smem:$0x3FAC];
	_ =	sdelay $0x3  }
0x37: {  	[smem:$0x3FAC] =	sst s10  }
0x38: {  	s10 =	sld [smem:$0x3FAD]  }
0x39: {  	_ = 	snop;
	(pc) =	sbr.ind lr, $3  }
0x3a: {  	_ = 	snop  }
0x3b: {  	_ = 	snop  }
0x3c: {  	p2 =	seq.s32 s10, $0x1;
	s10 =	sld [smem:$0x3FAC]  }
0x3d: {  	_ =	shalt  }
0x3e: {  	_ =	shalt  }
0x3f: {  	_ =	shalt  }
0x40: {  	_ =	shalt  }
0x41: {  	_ =	shalt  }
0x42: {  	_ =	shalt  }
0x43: {  	_ =	shalt  }
0x44: {  	_ =	shalt  }
0x45: {  	_ =	shalt  }
0x46: {  	_ =	shalt  }
0x47: {  	_ =	shalt  }
0x48: {  	_ =	shalt  }
0x49: {  	_ =	shalt  }
0x4a: {  	_ =	shalt  }
0x4b: {  	_ =	shalt  }
0x4c: {  	_ =	shalt  }
0x4d: {  	_ =	shalt  }
0x4e: {  	_ =	shalt  }
0x4f: {  	_ =	shalt  }
0x50: {  	_ =	shalt  }
0x51: {  	_ =	shalt  }
0x52: {  	_ =	shalt  }
0x53: {  	_ =	shalt  }
0x54: {  	_ =	shalt  }
0x55: {  	_ =	shalt  }
0x56: {  	_ =	shalt  }
0x57: {  	_ =	shalt  }
0x58: {  	_ =	shalt  }
0x59: {  	_ =	shalt  }
0x5a: {  	_ =	shalt  }
0x5b: {  	_ =	shalt  }
0x5c: {  	_ =	shalt  }
0x5d: {  	_ =	shalt  }
0x5e: {  	_ =	shalt  }
0x5f: {  	_ =	shalt  }
0x60: {  	_ =	shalt  }
0x61: {  	_ =	shalt  }
0x62: {  	_ =	shalt  }
0x63: {  	_ =	shalt  }
0x64: {  	_ =	shalt  }
0x65: {  	_ =	shalt  }
0x66: {  	_ =	shalt  }
0x67: {  	_ =	shalt  }
0x68: {  	_ =	shalt  }
0x69: {  	_ =	shalt  }
0x6a: {  	_ =	shalt  }
0x6b: {  	_ =	shalt  }
0x6c: {  	_ =	shalt  }
0x6d: {  	_ =	shalt  }
0x6e: {  	_ =	shalt  }
0x6f: {  	_ =	shalt  }
0x70: {  	_ =	shalt  }
0x71: {  	_ =	shalt  }
0x72: {  	_ =	shalt  }
0x73: {  	_ =	shalt  }
0x74: {  	_ =	shalt  }
0x75: {  	_ =	shalt  }
0x76: {  	_ =	shalt  }
0x77: {  	_ =	shalt  }
0x78: {  	_ =	shalt  }
0x79: {  	_ =	shalt  }
0x7a: {  	_ =	shalt  }
0x7b: {  	_ =	shalt  }
0x7c: {  	_ =	shalt  }
0x7d: {  	_ =	shalt  }
0x7e: {  	_ =	shalt  }
0x7f: {  	_ =	shalt  }
0x80: {  	_ =	shalt  }
0x81: {  	_ =	shalt  }
0x82: {  	_ =	shalt  }
0x83: {  	_ =	shalt  }
0x84: {  	_ =	shalt  }
0x85: {  	_ =	shalt  }
0x86: {  	_ =	shalt  }
0x87: {  	_ =	shalt  }
.Lfunc_end0:
.L_simem_size_0:
called_computation_lowered:
.L_overlay_start_0:
0x88: {  	s2 =	sld [smem:$0x3FD9]  }
0x89: {  	s3 =	sld [smem:$0x3FFE];
	_ =	sdelay $0x1  }
0x8a: {  	s1 =	srdreg.scid  }
0x8b: {  	s0 =	sand.u32 $0x1, s1  }
0x8c: {  	s17 =	sshll.u32 s0, $0xA;
	s2 =	sadd.s32 s3, s2  }
0x8d: {  	s2 =	sadd.s32 s2, s17  }
0x8e: {  	[smem:$0x3FB8] =	sst s2  }
0x8f: {  	_ = 	snop  }
0x90: {  	s2 =	sld [smem:$0x3FD0];
	(tm) =	ssettm $0x1  }
0x91: {  	s18 =	sld [smem:$0x3FFB];
	_ =	sdelay $0x3  }
0x92: {  	_ =	strace s18  }
0x93: {  	s3 =	sld [smem:$0x3FFC];
	_ =	sdelay $0x3  }
0x94: {  	_ =	strace s3  }
0x95: {  	s3 =	sld [smem:$0x3FFD];
	_ =	sdelay $0x3  }
0x96: {  	_ =	strace s3  }
0x97: {  	_ =	strace $0x8FFFFFFF  }
0x98: {  	s19 =	sld [smem:$0x3FDB];
	_ =	sdelay $0x1  }
0x99: {  	s4 =	simm.s32 $_scs_section_size  }
0x9a: {  	s5 =	simm.s32 $_size__tile_overlayer_lowered;
	s6 =	simm.s32 $_tile_overlayer_lowered  }
0x9b: {  	s22 =	simm.s32 $0x1BFF;
	s21 =	sshll.u32 s6, $0x1;
	s3 =	sadd.s32 s4, s19  }
0x9c: {  	s7 =	simm.s32 $0x0;
	s20 =	sshll.u32 s5, $0x1;
	s5 =	sadd.s32 s21, s3  }
0x9d: {  	[timem:s7], [sflag:s22] =	dma.local [hbm:s5], s20  }
0x9e: {  	_ =	swait.ge [sflag:s22], s20  }
0x9f: {  	s4 =	ssub.s32 $0x0, s20;
	[sflag:s22] =	ssyncset.done $0x0  }
0xa0: {  	[sflag:s22] =	ssyncadd.s32 s4;
	_ =	sdelay $0x1  }
0xa1: {  	s23 =	simm.s32 $0x1B8B  }
0xa2: {  	_ =	swait.ge [sflag:s23], $0x1  }
0xa3: {  	[sflag:s23] =	ssyncset.done $0x0  }
0xa4: {  	s25 =	simm.s32 $0x1B8E;
	s24 =	sld [smem:$0x3FFE];
	[sflag:s23] =	ssyncadd.s32 $0xFFFFFFFF  }
0xa5: {  	s26 =	simm.s32 $execute0_lowered;
	[smem:$0x3FD2] =	sst s25  }
0xa6: {  	s5 =	sshll.u32 s26, $0x1;
	_ =	strace $0x80000046;
	[dreg:$0x1] =	wrdreg $0xFFFFFFFF  }
0xa7: {  	s28 =	simm.s32 $_size_execute0_lowered;
	s3 =	sadd.s32 s3, s5;
	[dreg:$0x0] =	wrdreg $0x0  }
0xa8: {  	s5 =	sshll.u32 s28, $0x1;
	[dreg:$0x2] =	wrdreg s3  }
0xa9: {  	[dreg:$0x3] =	wrdreg s5  }
0xaa: {  	[dreg:$0x4] =	wrdreg $0xC0  }
0xab: {  	_ =	task [dreg:s7], $0x5FFFF  }
0xac: {  	[dreg:$0x1] =	wrdreg $0xFFFFFFFF  }
0xad: {  	[dreg:$0x0] =	wrdreg $0x60  }
0xae: {  	[dreg:$0x2] =	wrdreg s24  }
0xaf: {  	[dreg:$0x3] =	wrdreg s2  }
0xb0: {  	[dreg:$0x4] =	wrdreg $0x9  }
0xb1: {  	_ =	task.clear_ibuf [dreg:s7], $0x5FFFF;
	_ =	strace $0x90000046  }
0xb2: {  	s29 =	simm.s32 $0x9;
	_ =	strace $0x80000048  }
0xb3: {  	_ =	swait.ge [sflag:s29], $0x1  }
0xb4: {  	[sflag:s29] =	ssyncadd.s32 $0xFFFFFFFF  }
0xb5: {  	_ =	strace $0x90000048  }
0xb6: {  	_ =	sfence  }
0xb7: {  	s30 =	sld [smem:$0x0];
	_ =	sdelay $0x2  }
0xb8: {  	s31 =	sshll.u32 s1, $0xD;
	s1 =	sshrl.u32 s1, $0x2  }
0xb9: {  	s3 =	sand.u32 $0x4000, s31;
	s1 =	sadd.s32 s1, s30  }
0xba: {  	s0 =	sor.u32 s3, s0;
	s1 =	sshll.u32 s1, $0x11  }
0xbb: {  	s0 =	sor.u32 s1, s0  }
0xbc: {  	s0 =	sadd.s32 $0x8F2B, s0  }
0xbd: {  	[sflag:s0] =	ssyncadd.remote.s32 $0x1  }
0xbe: {  	_ =	sfence.sel $0xFFFF  }
0xbf: {  	[dreg:$0x0] =	wrdreg $0xFFFFFFFF;
	(pc) =	sbr.abs _section_cstart, $3  }
0xc0: {  	[dreg:$0x1] =	wrdreg $0xFFFFFFFF  }
0xc1: {  	_ =	task.clear_ibuf [dreg:s7], $0x2FFFF;
	_ =	strace $0x9FFFFFFF  }
0xc2: {  	(tm) =	ssettm $0x7FFFFFFF  }
0xc3: {  	_ =	shalt  }
tec
execute0_lowered:
.L_overlay_start_1:
0x0: {  	(tag) =	ssettag $0x1  }
0x1: {  	s4 =	rddreg [dreg:$0x0];
	s1 =	srdreg.scid  }
0x2: {  	s0 =	stileid.u32;
	s5 =	rddreg [dreg:$0x1];
	s2 =	simm.s32 $0x0  }
0x3: {  	s10 =	simm.s32 $0x4A00;
	s11 =	simm.s32 $0x1;
	s12 =	simm.s32 $0x2  }
0x4: {  	s13 =	simm.s32 $0x0;
	s6 =	sand.u32 $0x1, s1;
	s1 =	rddreg [dreg:$0x2]  }
0x5: {  	s3 =	sshll.u32 s0, $0x1;
	[smem:$0x7FF] =	sst s2;
	s8 =	smul.u32 $0x14000, s0  }
0x6: {  	s3 =	sor.u32 s6, s3;
	s9 =	ssub.s32 $0x2, s6;
	s6 =	smul.u32 $0xA000, s6  }
0x7: {  	_ =	strace $0x80000047;
	s7 =	smul.u32 $0xA00, s3;
	s5 =	sadd.s32 s8, s5  }
0x8: {  	s3 =	sadd.s32 $0x5E00, s4;
	s31 =	sshrl.u32 s9, $0x1;
	s6 =	sadd.s32 s6, s5  }
0x9: {  	s8 =	simm.s32 $0x80;
	s7 =	sshrl.u32 s7, $0x3;
	s6 =	sadd.s32 $0x800, s6  }
0xa: {  	s4 =	sadd.s32 s7, s4;
	s7 =	ssub.s32 s9, s31;
	s9 =	simm.s32 $0xA00  }
0xb: {  	s4 =	sadd.s32 $0x15E00, s4;
	s5 =	smax.u32 s7, $0x1;
	s7 =	simm.s32 $0x3  }
.LBB2_1:
0xc: {  	[tilespmem:s2], [sflag:$0x3] =	stream.linear.gather [hbm4b:s4+s2], $0xA00, $0x38;
	[tilespmem:$0x8A00] =	vst v63  }
0xd: {  	_ =	swait.ge [sflag:s7], $0xA00  }
0xe: {  	[sflag:s7] =	ssyncset.done $0x0  }
0xf: {  	s14 =	simm.s32 $0x0;
	[sflag:s7] =	ssyncadd.s32 $0xFFFFF600  }
0x10: {  	[tilespmem:s9], [sflag:$0x1] =	stream.indirect.gather [hbm4b:s3+s8], $0x80, s14, s8, $0xb8;
	[tilespmem:$0x8A00] =	vst v63  }
0x11: {  	s30 =	simm.s32 $0x80  }
0x12: {  	[tilespmem:s10], [sflag:$0x2] =	stream.indirect.gather [hbm4b:s3+s8], $0x80, s30, s8, $0xb8;
	[tilespmem:$0x8A00] =	vst v63  }
0x13: {  	_ =	swait.ge [sflag:s11], $0x4000  }
0x14: {  	[sflag:s11] =	ssyncset.done $0x0  }
0x15: {  	s31 =	sadd.s32 $0xFFFFF800, s6;
	[sflag:s11] =	ssyncadd.s32 $0xFFFFC000  }
0x16: {  	[hbm4b:s31+s2] =	stream.linear.scatter [tilespmem:s9], [sflag:$0x3], $0x4000, $0x38;
	[tilespmem:$0x8A00] =	vst v63  }
0x17: {  	_ =	swait.ge [sflag:s7], $0x4000  }
0x18: {  	[sflag:s7] =	ssyncset.done $0x0  }
0x19: {  	[sflag:s7] =	ssyncadd.s32 $0xFFFFC000  }
0x1a: {  	_ =	swait.ge [sflag:s12], $0x4000  }
0x1b: {  	[sflag:s12] =	ssyncset.done $0x0  }
0x1c: {  	[sflag:s12] =	ssyncadd.s32 $0xFFFFC000  }
0x1d: {  	[hbm4b:s6+s2] =	stream.linear.scatter [tilespmem:s10], [sflag:$0x3], $0x4000, $0x38;
	[tilespmem:$0x8A00] =	vst v63  }
0x1e: {  	s15 =	simm.s32 $0x400;
	_ =	swait.ge [sflag:s7], $0x4000  }
0x1f: {  	s16 =	simm.s32 $0x800;
	s14 =	sadd.s32 $0x1000, s6;
	[sflag:s7] =	ssyncset.done $0x0  }
.LBB2_2:
0x20: {  	s17 =	sshra.s32 s15, $0x2  }
0x21: {  	[sflag:s7] =	ssyncadd.s32 $0xFFFFC000;
	s15 =	smov.u32 s16;
	s18 =	sadd.s32 $0x400, s16  }
0x22: {  	[tilespmem:s9], [sflag:$0x1] =	stream.indirect.gather [hbm4b:s3+s8], $0x80, s17, s8, $0xb8;
	[tilespmem:$0x8A00] =	vst v63  }
0x23: {  	p0 =	sne.s32 s16, $0x2400;
	s16 =	sadd.s32 $0x80, s17  }
0x24: {  	[tilespmem:s10], [sflag:$0x2] =	stream.indirect.gather [hbm4b:s3+s8], $0x80, s16, s8, $0xb8;
	[tilespmem:$0x8A00] =	vst v63  }
0x25: {  	_ =	swait.ge [sflag:s11], $0x4000  }
0x26: {  	[sflag:s11] =	ssyncset.done $0x0  }
0x27: {  	s16 =	sadd.s32 $0xFFFFF800, s14;
	[sflag:s11] =	ssyncadd.s32 $0xFFFFC000  }
0x28: {  	[hbm4b:s16+s2] =	stream.linear.scatter [tilespmem:s9], [sflag:$0x3], $0x4000, $0x38;
	[tilespmem:$0x8A00] =	vst v63  }
0x29: {  	_ =	swait.ge [sflag:s7], $0x4000  }
0x2a: {  	[sflag:s7] =	ssyncset.done $0x0  }
0x2b: {  	[sflag:s7] =	ssyncadd.s32 $0xFFFFC000  }
0x2c: {  	_ =	swait.ge [sflag:s12], $0x4000  }
.Ltmp0:
0x2d: {  	[sflag:s12] =	ssyncset.done $0x0;
	(pc) =	sbr.rel @p0 .LBB2_2-.Ltmp0, $4  }
0x2e: {  	[sflag:s12] =	ssyncadd.s32 $0xFFFFC000  }
0x2f: {  	[hbm4b:s14+s2] =	stream.linear.scatter [tilespmem:s10], [sflag:$0x3], $0x4000, $0x38;
	[tilespmem:$0x8A00] =	vst v63  }
0x30: {  	_ =	swait.ge [sflag:s7], $0x4000  }
0x31: {  	s16 =	smov.u32 s18;
	s14 =	sadd.s32 $0x1000, s14;
	[sflag:s7] =	ssyncset.done $0x0  }
0x32: {  	s15 =	sshra.s32 s15, $0x2;
	[sflag:s7] =	ssyncadd.s32 $0xFFFFC000  }
0x33: {  	[tilespmem:s9], [sflag:$0x1] =	stream.indirect.gather [hbm4b:s3+s8], $0x80, s15, s8, $0xb8;
	[tilespmem:$0x8A00] =	vst v63  }
0x34: {  	s15 =	sadd.s32 $0x80, s15  }
0x35: {  	[tilespmem:s10], [sflag:$0x2] =	stream.indirect.gather [hbm4b:s3+s8], $0x80, s15, s8, $0xb8;
	[tilespmem:$0x8A00] =	vst v63  }
0x36: {  	_ =	swait.ge [sflag:s11], $0x4000  }
0x37: {  	[sflag:s11] =	ssyncset.done $0x0  }
0x38: {  	s31 =	sadd.s32 $0xFFFFF800, s14;
	[sflag:s11] =	ssyncadd.s32 $0xFFFFC000  }
0x39: {  	[hbm4b:s31+s2] =	stream.linear.scatter [tilespmem:s9], [sflag:$0x3], $0x4000, $0x38;
	[tilespmem:$0x8A00] =	vst v63  }
0x3a: {  	_ =	swait.ge [sflag:s7], $0x4000  }
0x3b: {  	[sflag:s7] =	ssyncset.done $0x0  }
0x3c: {  	[sflag:s7] =	ssyncadd.s32 $0xFFFFC000  }
0x3d: {  	s13 =	sadd.s32 $0x1, s13;
	_ =	swait.ge [sflag:s12], $0x4000  }
0x3e: {  	p0 =	sne.s32 s13, s5;
	[sflag:s12] =	ssyncset.done $0x0  }
.Ltmp1:
0x3f: {  	[sflag:s12] =	ssyncadd.s32 $0xFFFFC000;
	(pc) =	sbr.rel @p0 .LBB2_1-.Ltmp1, $4  }
0x40: {  	[hbm4b:s14+s2] =	stream.linear.scatter [tilespmem:s10], [sflag:$0x3], $0x4000, $0x38;
	[tilespmem:$0x8A00] =	vst v63  }
0x41: {  	_ =	swait.ge [sflag:s7], $0x4000  }
0x42: {  	[sflag:s7] =	ssyncset.done $0x0  }
0x43: {  	[sflag:s7] =	ssyncadd.s32 $0xFFFFC000  }
0x44: {  	_ =	sfence.sel $0x180000  }
0x45: {  	[bflag:$0x0] =	sbarrier.arrive $0xFFFF  }
0x46: {  	p0 =	sne.s32 s0, $0x0;
	_ =	strace $0x90000047  }
0x47: {  	s0 =	sadd.s32 @!p0 $0x100000, s1;
	[bflag:$0x2] =	sbarrier.arrive $0xFFFF  }
0x48: {  	[sflag:s0] =	ssyncadd.tile.s32 @!p0 $0x1;
	_ =	shalt  }
.Lfunc_end2:
_tile_overlayer_lowered:
.L_overlay_start_2:
0x49: {  	(tag) =	ssettag $0x2  }
0x4a: {  	s0 =	rddreg [dreg:$0x0];
	s2 =	stileid.u32  }
0x4b: {  	s1 =	rddreg [dreg:$0x1];
	p0 =	sne.s32 s2, $0x0  }
0x4c: {  	s3 =	rddreg [dreg:$0x2];
	[bflag:$0x3] =	sbarrier.arrive $0xFFFF;
	s2 =	simm.s32 @!p0 $0x1C03  }
0x4d: {  	[timem:s3], [sflag:s2] =	dma.local @!p0 [hbm:s0], s1  }
0x4e: {  	s0 =	simm.s32 @!p0 $0x3  }
0x4f: {  	_ =	swait.ge @!p0 [sflag:s0], s1  }
0x50: {  	s1 =	ssub.s32 @!p0 $0x0, s1;
	[sflag:s0] =	ssyncset.done @!p0 $0x0  }
0x51: {  	[sflag:s0] =	ssyncadd.s32 @!p0 s1  }
0x52: {  	[bflag:$0x3] =	sbarrier.arrive $0xFFFF  }
0x53: {  	_ =	shalt  }

// kernel: kernel.19.cloned.1.call-start
scs
__scs_entry_jumppad:
0x0: {  	(pc) =	sbr.rel $0x88, $3  }
0x1: {  	(tag) =	ssettag $0x0;
	lr =	simm.s32 $0x1  }
0x2: {  	[smem:$0x3F91] =	sst lr;
	_ =	strace $0xD0000000  }
0x3: {  	_ = 	snop  }
0x4: {  	_ = 	snop  }
0x5: {  	_ = 	snop  }
0x6: {  	_ = 	snop  }
0x7: {  	_ = 	snop  }
__scs_overlays_trampoline_lowered:
0x8: {  	[smem:$0x3FA0] =	sst s0  }
0x9: {  	[smem:$0x3FA1] =	sst s1  }
0xa: {  	[smem:$0x3FA2] =	sst s2  }
0xb: {  	[smem:$0x3FA3] =	sst s3  }
0xc: {  	[smem:$0x3FA4] =	sst s4  }
0xd: {  	[smem:$0x3FA5] =	sst s5  }
0xe: {  	[smem:$0x3FA6] =	sst s6  }
0xf: {  	[smem:$0x3FA7] =	sst s7  }
0x10: {  	[smem:$0x3FA8] =	sst s8  }
0x11: {  	[smem:$0x3FA9] =	sst s9;
	s0 =	simm.s32 @!p0 $0x0  }
0x12: {  	s1 =	sld [smem:$0x3F8F];
	s0 =	simm.s32 @p0 $0x1  }
0x13: {  	[smem:$0x3FAA] =	sst s0;
	s0 =	simm.s32 @!p1 $0x0  }
0x14: {  	s2 =	sld [smem:$0x3F8E];
	s0 =	simm.s32 @p1 $0x1  }
0x15: {  	[smem:$0x3FAB] =	sst s0;
	s0 =	simm.s32 @!p2 $0x0  }
0x16: {  	s3 =	sld [smem:$0x3FDB];
	s0 =	simm.s32 @p2 $0x1  }
0x17: {  	s4 =	simm.s32 $0x1BF5;
	[smem:$0x3FAD] =	sst s0  }
0x18: {  	s0 =	sld [smem:$0x3F90];
	_ =	swait.ge [sflag:s4], $0x0  }
0x19: {  	s7 =	sld [smem:$0x3F91]  }
0x1a: {  	s8 =	sadd.s32 $0xFFFFE003, lr  }
0x1b: {  	s9 =	sadd.s32 $0xFFFFFEF7, lr;
	s5 =	simm.s32 $0xFFFFFFFF;
	p2 =	slt.u32 s8, $0xFFFFF086  }
0x1c: {  	p1 =	slt.u32 s9, $0xF7A;
	s5 =	simm.s32 @!p2 $0x0  }
0x1d: {  	s5 =	simm.s32 @p1 $0x1;
	p0 =	seq.s32 s7, s2  }
0x1e: {  	s7 =	smul.u32 @!p0 $0xF7A, s2;
	p2 =	seq.s32 @!p0 s5, $0x0  }
0x1f: {  	s9 =	smul.u32 $0xF7A, s1;
	s8 =	simm.s32 @!p0 $0x1BF5;
	p2 =	por !p2, p0  }
0x20: {  	[sflag:s8] =	ssyncset.s32 @!p0 $0xFFFFF086;
	s6 =	sadd.s32 @!p0 s3, s7;
	s7 =	simm.s32 @!p0 $0x108  }
0x21: {  	s3 =	sadd.s32 s3, s9;
	s6 =	sadd.s32 @!p0 $0x88, s6;
	s7 =	simm.s32 @p2 $0x1082  }
0x22: {  	[simem:s7], [sflag:s8] =	dma.local @!p0 [hbm:s6], $0xF7A  }
0x23: {  	s9 =	sor.u32 $0xD0000000, s2;
	s6 =	simm.s32 $0x108;
	_ =	swait.ge @!p0 [sflag:s8], $0x0  }
0x24: {  	s3 =	sadd.s32 $0x88, s3;
	s6 =	simm.s32 @!p1 $0x1082;
	[sflag:s4] =	ssyncset.s32 $0xFFFFF086  }
0x25: {  	[simem:s6], [sflag:s4] =	dma.local [hbm:s3], $0xF7A  }
0x26: {  	[smem:$0x3F91] =	sst s1;
	(tag) =	ssettag s2;
	_ =	strace s9  }
0x27: {  	s1 =	sld [smem:$0x3FA1]  }
0x28: {  	s2 =	sld [smem:$0x3FA2]  }
0x29: {  	s4 =	sld [smem:$0x3FA4]  }
0x2a: {  	p0 =	seq.s32 s5, $0x0;
	s5 =	sld [smem:$0x3FA5]  }
0x2b: {  	s6 =	sld [smem:$0x3FA6]  }
0x2c: {  	s7 =	sld [smem:$0x3FA7]  }
0x2d: {  	s3 =	simm.s32 $0x108;
	s8 =	sld [smem:$0x3FA8]  }
0x2e: {  	s3 =	simm.s32 @!p0 $0x1082;
	s9 =	sld [smem:$0x3FA9]  }
0x2f: {  	lr =	sadd.s32 s0, s3;
	s0 =	sld [smem:$0x3FA0]  }
0x30: {  	s3 =	sld [smem:$0x3FA3]  }
0x31: {  	[smem:$0x3FAC] =	sst s10  }
0x32: {  	s10 =	sld [smem:$0x3FAA];
	_ =	sdelay $0x3  }
0x33: {  	p0 =	seq.s32 s10, $0x1;
	s10 =	sld [smem:$0x3FAC];
	_ =	sdelay $0x3  }
0x34: {  	[smem:$0x3FAC] =	sst s10  }
0x35: {  	s10 =	sld [smem:$0x3FAB];
	_ =	sdelay $0x3  }
0x36: {  	p1 =	seq.s32 s10, $0x1;
	s10 =	sld [smem:$0x3FAC];
	_ =	sdelay $0x3  }
0x37: {  	[smem:$0x3FAC] =	sst s10  }
0x38: {  	s10 =	sld [smem:$0x3FAD]  }
0x39: {  	_ = 	snop;
	(pc) =	sbr.ind lr, $3  }
0x3a: {  	_ = 	snop  }
0x3b: {  	_ = 	snop  }
0x3c: {  	p2 =	seq.s32 s10, $0x1;
	s10 =	sld [smem:$0x3FAC]  }
0x3d: {  	_ =	shalt  }
0x3e: {  	_ =	shalt  }
0x3f: {  	_ =	shalt  }
0x40: {  	_ =	shalt  }
0x41: {  	_ =	shalt  }
0x42: {  	_ =	shalt  }
0x43: {  	_ =	shalt  }
0x44: {  	_ =	shalt  }
0x45: {  	_ =	shalt  }
0x46: {  	_ =	shalt  }
0x47: {  	_ =	shalt  }
0x48: {  	_ =	shalt  }
0x49: {  	_ =	shalt  }
0x4a: {  	_ =	shalt  }
0x4b: {  	_ =	shalt  }
0x4c: {  	_ =	shalt  }
0x4d: {  	_ =	shalt  }
0x4e: {  	_ =	shalt  }
0x4f: {  	_ =	shalt  }
0x50: {  	_ =	shalt  }
0x51: {  	_ =	shalt  }
0x52: {  	_ =	shalt  }
0x53: {  	_ =	shalt  }
0x54: {  	_ =	shalt  }
0x55: {  	_ =	shalt  }
0x56: {  	_ =	shalt  }
0x57: {  	_ =	shalt  }
0x58: {  	_ =	shalt  }
0x59: {  	_ =	shalt  }
0x5a: {  	_ =	shalt  }
0x5b: {  	_ =	shalt  }
0x5c: {  	_ =	shalt  }
0x5d: {  	_ =	shalt  }
0x5e: {  	_ =	shalt  }
0x5f: {  	_ =	shalt  }
0x60: {  	_ =	shalt  }
0x61: {  	_ =	shalt  }
0x62: {  	_ =	shalt  }
0x63: {  	_ =	shalt  }
0x64: {  	_ =	shalt  }
0x65: {  	_ =	shalt  }
0x66: {  	_ =	shalt  }
0x67: {  	_ =	shalt  }
0x68: {  	_ =	shalt  }
0x69: {  	_ =	shalt  }
0x6a: {  	_ =	shalt  }
0x6b: {  	_ =	shalt  }
0x6c: {  	_ =	shalt  }
0x6d: {  	_ =	shalt  }
0x6e: {  	_ =	shalt  }
0x6f: {  	_ =	shalt  }
0x70: {  	_ =	shalt  }
0x71: {  	_ =	shalt  }
0x72: {  	_ =	shalt  }
0x73: {  	_ =	shalt  }
0x74: {  	_ =	shalt  }
0x75: {  	_ =	shalt  }
0x76: {  	_ =	shalt  }
0x77: {  	_ =	shalt  }
0x78: {  	_ =	shalt  }
0x79: {  	_ =	shalt  }
0x7a: {  	_ =	shalt  }
0x7b: {  	_ =	shalt  }
0x7c: {  	_ =	shalt  }
0x7d: {  	_ =	shalt  }
0x7e: {  	_ =	shalt  }
0x7f: {  	_ =	shalt  }
0x80: {  	_ =	shalt  }
0x81: {  	_ =	shalt  }
0x82: {  	_ =	shalt  }
0x83: {  	_ =	shalt  }
0x84: {  	_ =	shalt  }
0x85: {  	_ =	shalt  }
0x86: {  	_ =	shalt  }
0x87: {  	_ =	shalt  }
.Lfunc_end0:
.L_simem_size_0:
called_computation.1_lowered:
.L_overlay_start_0:
0x88: {  	s2 =	sld [smem:$0x3FD9]  }
0x89: {  	s3 =	sld [smem:$0x3FFE];
	_ =	sdelay $0x1  }
0x8a: {  	s1 =	srdreg.scid  }
0x8b: {  	s0 =	sand.u32 $0x1, s1  }
0x8c: {  	s17 =	sshll.u32 s0, $0xA;
	s2 =	sadd.s32 s3, s2  }
0x8d: {  	s2 =	sadd.s32 s2, s17  }
0x8e: {  	[smem:$0x3FB8] =	sst s2  }
0x8f: {  	_ = 	snop  }
0x90: {  	s2 =	sld [smem:$0x3FD0];
	(tm) =	ssettm $0x1  }
0x91: {  	s18 =	sld [smem:$0x3FFB];
	_ =	sdelay $0x3  }
0x92: {  	_ =	strace s18  }
0x93: {  	s3 =	sld [smem:$0x3FFC];
	_ =	sdelay $0x3  }
0x94: {  	_ =	strace s3  }
0x95: {  	s3 =	sld [smem:$0x3FFD];
	_ =	sdelay $0x3  }
0x96: {  	_ =	strace s3  }
0x97: {  	_ =	strace $0x8FFFFFFF  }
0x98: {  	s19 =	sld [smem:$0x3FDB];
	_ =	sdelay $0x1  }
0x99: {  	s4 =	simm.s32 $_scs_section_size  }
0x9a: {  	s5 =	simm.s32 $_size__tile_overlayer_lowered;
	s6 =	simm.s32 $_tile_overlayer_lowered  }
0x9b: {  	s22 =	simm.s32 $0x1BFF;
	s21 =	sshll.u32 s6, $0x1;
	s3 =	sadd.s32 s4, s19  }
0x9c: {  	s7 =	simm.s32 $0x0;
	s20 =	sshll.u32 s5, $0x1;
	s5 =	sadd.s32 s21, s3  }
0x9d: {  	[timem:s7], [sflag:s22] =	dma.local [hbm:s5], s20  }
0x9e: {  	_ =	swait.ge [sflag:s22], s20  }
0x9f: {  	s4 =	ssub.s32 $0x0, s20;
	[sflag:s22] =	ssyncset.done $0x0  }
0xa0: {  	[sflag:s22] =	ssyncadd.s32 s4;
	_ =	sdelay $0x1  }
0xa1: {  	s23 =	simm.s32 $0x1B8B  }
0xa2: {  	_ =	swait.ge [sflag:s23], $0x1  }
0xa3: {  	[sflag:s23] =	ssyncset.done $0x0  }
0xa4: {  	s25 =	simm.s32 $0x1B8E;
	s24 =	sld [smem:$0x3FFE];
	[sflag:s23] =	ssyncadd.s32 $0xFFFFFFFF  }
0xa5: {  	s26 =	simm.s32 $execute0_lowered;
	[smem:$0x3FD2] =	sst s25  }
0xa6: {  	s5 =	sshll.u32 s26, $0x1;
	_ =	strace $0x80000049;
	[dreg:$0x1] =	wrdreg $0xFFFFFFFF  }
0xa7: {  	s28 =	simm.s32 $_size_execute0_lowered;
	s3 =	sadd.s32 s3, s5;
	[dreg:$0x0] =	wrdreg $0x0  }
0xa8: {  	s5 =	sshll.u32 s28, $0x1;
	[dreg:$0x2] =	wrdreg s3  }
0xa9: {  	[dreg:$0x3] =	wrdreg s5  }
0xaa: {  	[dreg:$0x4] =	wrdreg $0xC0  }
0xab: {  	_ =	task [dreg:s7], $0x5FFFF  }
0xac: {  	[dreg:$0x1] =	wrdreg $0xFFFFFFFF  }
0xad: {  	[dreg:$0x0] =	wrdreg $0x60  }
0xae: {  	[dreg:$0x2] =	wrdreg s24  }
0xaf: {  	[dreg:$0x3] =	wrdreg s2  }
0xb0: {  	[dreg:$0x4] =	wrdreg $0x9  }
0xb1: {  	_ =	task.clear_ibuf [dreg:s7], $0x5FFFF;
	_ =	strace $0x90000049  }
0xb2: {  	s29 =	simm.s32 $0x9;
	_ =	strace $0x8000004B  }
0xb3: {  	_ =	swait.ge [sflag:s29], $0x1  }
0xb4: {  	[sflag:s29] =	ssyncadd.s32 $0xFFFFFFFF  }
0xb5: {  	_ =	strace $0x9000004B  }
0xb6: {  	_ =	sfence  }
0xb7: {  	s30 =	sld [smem:$0x0];
	_ =	sdelay $0x2  }
0xb8: {  	s31 =	sshll.u32 s1, $0xD;
	s1 =	sshrl.u32 s1, $0x2  }
0xb9: {  	s3 =	sand.u32 $0x4000, s31;
	s1 =	sadd.s32 s1, s30  }
0xba: {  	s0 =	sor.u32 s3, s0;
	s1 =	sshll.u32 s1, $0x11  }
0xbb: {  	s0 =	sor.u32 s1, s0  }
0xbc: {  	s0 =	sadd.s32 $0x8F2B, s0  }
0xbd: {  	[sflag:s0] =	ssyncadd.remote.s32 $0x1  }
0xbe: {  	_ =	sfence.sel $0xFFFF  }
0xbf: {  	[dreg:$0x0] =	wrdreg $0xFFFFFFFF;
	(pc) =	sbr.abs _section_cstart, $3  }
0xc0: {  	[dreg:$0x1] =	wrdreg $0xFFFFFFFF  }
0xc1: {  	_ =	task.clear_ibuf [dreg:s7], $0x2FFFF;
	_ =	strace $0x9FFFFFFF  }
0xc2: {  	(tm) =	ssettm $0x7FFFFFFF  }
0xc3: {  	_ =	shalt  }
tec
execute0_lowered:
.L_overlay_start_1:
0x0: {  	(tag) =	ssettag $0x1  }
0x1: {  	s4 =	rddreg [dreg:$0x0];
	s1 =	srdreg.scid  }
0x2: {  	s0 =	stileid.u32;
	s5 =	rddreg [dreg:$0x1];
	s2 =	simm.s32 $0x0  }
0x3: {  	s10 =	simm.s32 $0x4A00;
	s11 =	simm.s32 $0x1;
	s12 =	simm.s32 $0x2  }
0x4: {  	s13 =	simm.s32 $0x0;
	s6 =	sand.u32 $0x1, s1;
	s1 =	rddreg [dreg:$0x2]  }
0x5: {  	s3 =	sshll.u32 s0, $0x1;
	[smem:$0x7FF] =	sst s2;
	s8 =	smul.u32 $0x14000, s0  }
0x6: {  	s3 =	sor.u32 s6, s3;
	s9 =	ssub.s32 $0x2, s6;
	s6 =	smul.u32 $0xA000, s6  }
0x7: {  	_ =	strace $0x8000004A;
	s7 =	smul.u32 $0xA00, s3;
	s5 =	sadd.s32 s8, s5  }
0x8: {  	s3 =	sadd.s32 $0x5E00, s4;
	s31 =	sshrl.u32 s9, $0x1;
	s6 =	sadd.s32 s6, s5  }
0x9: {  	s8 =	simm.s32 $0x80;
	s7 =	sshrl.u32 s7, $0x3;
	s6 =	sadd.s32 $0x800, s6  }
0xa: {  	s4 =	sadd.s32 s7, s4;
	s7 =	ssub.s32 s9, s31;
	s9 =	simm.s32 $0xA00  }
0xb: {  	s4 =	sadd.s32 $0x15E00, s4;
	s5 =	smax.u32 s7, $0x1;
	s7 =	simm.s32 $0x3  }
.LBB2_1:
0xc: {  	[tilespmem:s2], [sflag:$0x3] =	stream.linear.gather [hbm4b:s4+s2], $0xA00, $0x38;
	[tilespmem:$0x8A00] =	vst v63  }
0xd: {  	_ =	swait.ge [sflag:s7], $0xA00  }
0xe: {  	[sflag:s7] =	ssyncset.done $0x0  }
0xf: {  	s14 =	simm.s32 $0x0;
	[sflag:s7] =	ssyncadd.s32 $0xFFFFF600  }
0x10: {  	[tilespmem:s9], [sflag:$0x1] =	stream.indirect.gather [hbm4b:s3+s8], $0x80, s14, s8, $0xb8;
	[tilespmem:$0x8A00] =	vst v63  }
0x11: {  	s30 =	simm.s32 $0x80  }
0x12: {  	[tilespmem:s10], [sflag:$0x2] =	stream.indirect.gather [hbm4b:s3+s8], $0x80, s30, s8, $0xb8;
	[tilespmem:$0x8A00] =	vst v63  }
0x13: {  	_ =	swait.ge [sflag:s11], $0x4000  }
0x14: {  	[sflag:s11] =	ssyncset.done $0x0  }
0x15: {  	s31 =	sadd.s32 $0xFFFFF800, s6;
	[sflag:s11] =	ssyncadd.s32 $0xFFFFC000  }
0x16: {  	[hbm4b:s31+s2] =	stream.linear.scatter [tilespmem:s9], [sflag:$0x3], $0x4000, $0x38;
	[tilespmem:$0x8A00] =	vst v63  }
0x17: {  	_ =	swait.ge [sflag:s7], $0x4000  }
0x18: {  	[sflag:s7] =	ssyncset.done $0x0  }
0x19: {  	[sflag:s7] =	ssyncadd.s32 $0xFFFFC000  }
0x1a: {  	_ =	swait.ge [sflag:s12], $0x4000  }
0x1b: {  	[sflag:s12] =	ssyncset.done $0x0  }
0x1c: {  	[sflag:s12] =	ssyncadd.s32 $0xFFFFC000  }
0x1d: {  	[hbm4b:s6+s2] =	stream.linear.scatter [tilespmem:s10], [sflag:$0x3], $0x4000, $0x38;
	[tilespmem:$0x8A00] =	vst v63  }
0x1e: {  	s15 =	simm.s32 $0x400;
	_ =	swait.ge [sflag:s7], $0x4000  }
0x1f: {  	s16 =	simm.s32 $0x800;
	s14 =	sadd.s32 $0x1000, s6;
	[sflag:s7] =	ssyncset.done $0x0  }
.LBB2_2:
0x20: {  	s17 =	sshra.s32 s15, $0x2  }
0x21: {  	[sflag:s7] =	ssyncadd.s32 $0xFFFFC000;
	s15 =	smov.u32 s16;
	s18 =	sadd.s32 $0x400, s16  }
0x22: {  	[tilespmem:s9], [sflag:$0x1] =	stream.indirect.gather [hbm4b:s3+s8], $0x80, s17, s8, $0xb8;
	[tilespmem:$0x8A00] =	vst v63  }
0x23: {  	p0 =	sne.s32 s16, $0x2400;
	s16 =	sadd.s32 $0x80, s17  }
0x24: {  	[tilespmem:s10], [sflag:$0x2] =	stream.indirect.gather [hbm4b:s3+s8], $0x80, s16, s8, $0xb8;
	[tilespmem:$0x8A00] =	vst v63  }
0x25: {  	_ =	swait.ge [sflag:s11], $0x4000  }
0x26: {  	[sflag:s11] =	ssyncset.done $0x0  }
0x27: {  	s16 =	sadd.s32 $0xFFFFF800, s14;
	[sflag:s11] =	ssyncadd.s32 $0xFFFFC000  }
0x28: {  	[hbm4b:s16+s2] =	stream.linear.scatter [tilespmem:s9], [sflag:$0x3], $0x4000, $0x38;
	[tilespmem:$0x8A00] =	vst v63  }
0x29: {  	_ =	swait.ge [sflag:s7], $0x4000  }
0x2a: {  	[sflag:s7] =	ssyncset.done $0x0  }
0x2b: {  	[sflag:s7] =	ssyncadd.s32 $0xFFFFC000  }
0x2c: {  	_ =	swait.ge [sflag:s12], $0x4000  }
.Ltmp0:
0x2d: {  	[sflag:s12] =	ssyncset.done $0x0;
	(pc) =	sbr.rel @p0 .LBB2_2-.Ltmp0, $4  }
0x2e: {  	[sflag:s12] =	ssyncadd.s32 $0xFFFFC000  }
0x2f: {  	[hbm4b:s14+s2] =	stream.linear.scatter [tilespmem:s10], [sflag:$0x3], $0x4000, $0x38;
	[tilespmem:$0x8A00] =	vst v63  }
0x30: {  	_ =	swait.ge [sflag:s7], $0x4000  }
0x31: {  	s16 =	smov.u32 s18;
	s14 =	sadd.s32 $0x1000, s14;
	[sflag:s7] =	ssyncset.done $0x0  }
0x32: {  	s15 =	sshra.s32 s15, $0x2;
	[sflag:s7] =	ssyncadd.s32 $0xFFFFC000  }
0x33: {  	[tilespmem:s9], [sflag:$0x1] =	stream.indirect.gather [hbm4b:s3+s8], $0x80, s15, s8, $0xb8;
	[tilespmem:$0x8A00] =	vst v63  }
0x34: {  	s15 =	sadd.s32 $0x80, s15  }
0x35: {  	[tilespmem:s10], [sflag:$0x2] =	stream.indirect.gather [hbm4b:s3+s8], $0x80, s15, s8, $0xb8;
	[tilespmem:$0x8A00] =	vst v63  }
0x36: {  	_ =	swait.ge [sflag:s11], $0x4000  }
0x37: {  	[sflag:s11] =	ssyncset.done $0x0  }
0x38: {  	s31 =	sadd.s32 $0xFFFFF800, s14;
	[sflag:s11] =	ssyncadd.s32 $0xFFFFC000  }
0x39: {  	[hbm4b:s31+s2] =	stream.linear.scatter [tilespmem:s9], [sflag:$0x3], $0x4000, $0x38;
	[tilespmem:$0x8A00] =	vst v63  }
0x3a: {  	_ =	swait.ge [sflag:s7], $0x4000  }
0x3b: {  	[sflag:s7] =	ssyncset.done $0x0  }
0x3c: {  	[sflag:s7] =	ssyncadd.s32 $0xFFFFC000  }
0x3d: {  	s13 =	sadd.s32 $0x1, s13;
	_ =	swait.ge [sflag:s12], $0x4000  }
0x3e: {  	p0 =	sne.s32 s13, s5;
	[sflag:s12] =	ssyncset.done $0x0  }
.Ltmp1:
0x3f: {  	[sflag:s12] =	ssyncadd.s32 $0xFFFFC000;
	(pc) =	sbr.rel @p0 .LBB2_1-.Ltmp1, $4  }
0x40: {  	[hbm4b:s14+s2] =	stream.linear.scatter [tilespmem:s10], [sflag:$0x3], $0x4000, $0x38;
	[tilespmem:$0x8A00] =	vst v63  }
0x41: {  	_ =	swait.ge [sflag:s7], $0x4000  }
0x42: {  	[sflag:s7] =	ssyncset.done $0x0  }
0x43: {  	[sflag:s7] =	ssyncadd.s32 $0xFFFFC000  }
0x44: {  	_ =	sfence.sel $0x180000  }
0x45: {  	[bflag:$0x0] =	sbarrier.arrive $0xFFFF  }
0x46: {  	p0 =	sne.s32 s0, $0x0;
	_ =	strace $0x9000004A  }
0x47: {  	s0 =	sadd.s32 @!p0 $0x100000, s1;
	[bflag:$0x2] =	sbarrier.arrive $0xFFFF  }
0x48: {  	[sflag:s0] =	ssyncadd.tile.s32 @!p0 $0x1;
	_ =	shalt  }
.Lfunc_end2:
_tile_overlayer_lowered:
.L_overlay_start_2:
0x49: {  	(tag) =	ssettag $0x2  }
0x4a: {  	s0 =	rddreg [dreg:$0x0];
	s2 =	stileid.u32  }
0x4b: {  	s1 =	rddreg [dreg:$0x1];
	p0 =	sne.s32 s2, $0x0  }
0x4c: {  	s3 =	rddreg [dreg:$0x2];
	[bflag:$0x3] =	sbarrier.arrive $0xFFFF;
	s2 =	simm.s32 @!p0 $0x1C03  }
0x4d: {  	[timem:s3], [sflag:s2] =	dma.local @!p0 [hbm:s0], s1  }
0x4e: {  	s0 =	simm.s32 @!p0 $0x3  }
0x4f: {  	_ =	swait.ge @!p0 [sflag:s0], s1  }
0x50: {  	s1 =	ssub.s32 @!p0 $0x0, s1;
	[sflag:s0] =	ssyncset.done @!p0 $0x0  }
0x51: {  	[sflag:s0] =	ssyncadd.s32 @!p0 s1  }
0x52: {  	[bflag:$0x3] =	sbarrier.arrive $0xFFFF  }
0x53: {  	_ =	shalt  }

// kernel: kernel.22.cloned.1.call-start
scs
__scs_entry_jumppad:
0x0: {  	(pc) =	sbr.rel $0x88, $3  }
0x1: {  	(tag) =	ssettag $0x0;
	lr =	simm.s32 $0x1  }
0x2: {  	[smem:$0x3F91] =	sst lr;
	_ =	strace $0xD0000000  }
0x3: {  	_ = 	snop  }
0x4: {  	_ = 	snop  }
0x5: {  	_ = 	snop  }
0x6: {  	_ = 	snop  }
0x7: {  	_ = 	snop  }
__scs_overlays_trampoline_lowered:
0x8: {  	[smem:$0x3FA0] =	sst s0  }
0x9: {  	[smem:$0x3FA1] =	sst s1  }
0xa: {  	[smem:$0x3FA2] =	sst s2  }
0xb: {  	[smem:$0x3FA3] =	sst s3  }
0xc: {  	[smem:$0x3FA4] =	sst s4  }
0xd: {  	[smem:$0x3FA5] =	sst s5  }
0xe: {  	[smem:$0x3FA6] =	sst s6  }
0xf: {  	[smem:$0x3FA7] =	sst s7  }
0x10: {  	[smem:$0x3FA8] =	sst s8  }
0x11: {  	[smem:$0x3FA9] =	sst s9;
	s0 =	simm.s32 @!p0 $0x0  }
0x12: {  	s1 =	sld [smem:$0x3F8F];
	s0 =	simm.s32 @p0 $0x1  }
0x13: {  	[smem:$0x3FAA] =	sst s0;
	s0 =	simm.s32 @!p1 $0x0  }
0x14: {  	s2 =	sld [smem:$0x3F8E];
	s0 =	simm.s32 @p1 $0x1  }
0x15: {  	[smem:$0x3FAB] =	sst s0;
	s0 =	simm.s32 @!p2 $0x0  }
0x16: {  	s3 =	sld [smem:$0x3FDB];
	s0 =	simm.s32 @p2 $0x1  }
0x17: {  	s4 =	simm.s32 $0x1BF5;
	[smem:$0x3FAD] =	sst s0  }
0x18: {  	s0 =	sld [smem:$0x3F90];
	_ =	swait.ge [sflag:s4], $0x0  }
0x19: {  	s7 =	sld [smem:$0x3F91]  }
0x1a: {  	s8 =	sadd.s32 $0xFFFFE003, lr  }
0x1b: {  	s9 =	sadd.s32 $0xFFFFFEF7, lr;
	s5 =	simm.s32 $0xFFFFFFFF;
	p2 =	slt.u32 s8, $0xFFFFF086  }
0x1c: {  	p1 =	slt.u32 s9, $0xF7A;
	s5 =	simm.s32 @!p2 $0x0  }
0x1d: {  	s5 =	simm.s32 @p1 $0x1;
	p0 =	seq.s32 s7, s2  }
0x1e: {  	s7 =	smul.u32 @!p0 $0xF7A, s2;
	p2 =	seq.s32 @!p0 s5, $0x0  }
0x1f: {  	s9 =	smul.u32 $0xF7A, s1;
	s8 =	simm.s32 @!p0 $0x1BF5;
	p2 =	por !p2, p0  }
0x20: {  	[sflag:s8] =	ssyncset.s32 @!p0 $0xFFFFF086;
	s6 =	sadd.s32 @!p0 s3, s7;
	s7 =	simm.s32 @!p0 $0x108  }
0x21: {  	s3 =	sadd.s32 s3, s9;
	s6 =	sadd.s32 @!p0 $0x88, s6;
	s7 =	simm.s32 @p2 $0x1082  }
0x22: {  	[simem:s7], [sflag:s8] =	dma.local @!p0 [hbm:s6], $0xF7A  }
0x23: {  	s9 =	sor.u32 $0xD0000000, s2;
	s6 =	simm.s32 $0x108;
	_ =	swait.ge @!p0 [sflag:s8], $0x0  }
0x24: {  	s3 =	sadd.s32 $0x88, s3;
	s6 =	simm.s32 @!p1 $0x1082;
	[sflag:s4] =	ssyncset.s32 $0xFFFFF086  }
0x25: {  	[simem:s6], [sflag:s4] =	dma.local [hbm:s3], $0xF7A  }
0x26: {  	[smem:$0x3F91] =	sst s1;
	(tag) =	ssettag s2;
	_ =	strace s9  }
0x27: {  	s1 =	sld [smem:$0x3FA1]  }
0x28: {  	s2 =	sld [smem:$0x3FA2]  }
0x29: {  	s4 =	sld [smem:$0x3FA4]  }
0x2a: {  	p0 =	seq.s32 s5, $0x0;
	s5 =	sld [smem:$0x3FA5]  }
0x2b: {  	s6 =	sld [smem:$0x3FA6]  }
0x2c: {  	s7 =	sld [smem:$0x3FA7]  }
0x2d: {  	s3 =	simm.s32 $0x108;
	s8 =	sld [smem:$0x3FA8]  }
0x2e: {  	s3 =	simm.s32 @!p0 $0x1082;
	s9 =	sld [smem:$0x3FA9]  }
0x2f: {  	lr =	sadd.s32 s0, s3;
	s0 =	sld [smem:$0x3FA0]  }
0x30: {  	s3 =	sld [smem:$0x3FA3]  }
0x31: {  	[smem:$0x3FAC] =	sst s10  }
0x32: {  	s10 =	sld [smem:$0x3FAA];
	_ =	sdelay $0x3  }
0x33: {  	p0 =	seq.s32 s10, $0x1;
	s10 =	sld [smem:$0x3FAC];
	_ =	sdelay $0x3  }
0x34: {  	[smem:$0x3FAC] =	sst s10  }
0x35: {  	s10 =	sld [smem:$0x3FAB];
	_ =	sdelay $0x3  }
0x36: {  	p1 =	seq.s32 s10, $0x1;
	s10 =	sld [smem:$0x3FAC];
	_ =	sdelay $0x3  }
0x37: {  	[smem:$0x3FAC] =	sst s10  }
0x38: {  	s10 =	sld [smem:$0x3FAD]  }
0x39: {  	_ = 	snop;
	(pc) =	sbr.ind lr, $3  }
0x3a: {  	_ = 	snop  }
0x3b: {  	_ = 	snop  }
0x3c: {  	p2 =	seq.s32 s10, $0x1;
	s10 =	sld [smem:$0x3FAC]  }
0x3d: {  	_ =	shalt  }
0x3e: {  	_ =	shalt  }
0x3f: {  	_ =	shalt  }
0x40: {  	_ =	shalt  }
0x41: {  	_ =	shalt  }
0x42: {  	_ =	shalt  }
0x43: {  	_ =	shalt  }
0x44: {  	_ =	shalt  }
0x45: {  	_ =	shalt  }
0x46: {  	_ =	shalt  }
0x47: {  	_ =	shalt  }
0x48: {  	_ =	shalt  }
0x49: {  	_ =	shalt  }
0x4a: {  	_ =	shalt  }
0x4b: {  	_ =	shalt  }
0x4c: {  	_ =	shalt  }
0x4d: {  	_ =	shalt  }
0x4e: {  	_ =	shalt  }
0x4f: {  	_ =	shalt  }
0x50: {  	_ =	shalt  }
0x51: {  	_ =	shalt  }
0x52: {  	_ =	shalt  }
0x53: {  	_ =	shalt  }
0x54: {  	_ =	shalt  }
0x55: {  	_ =	shalt  }
0x56: {  	_ =	shalt  }
0x57: {  	_ =	shalt  }
0x58: {  	_ =	shalt  }
0x59: {  	_ =	shalt  }
0x5a: {  	_ =	shalt  }
0x5b: {  	_ =	shalt  }
0x5c: {  	_ =	shalt  }
0x5d: {  	_ =	shalt  }
0x5e: {  	_ =	shalt  }
0x5f: {  	_ =	shalt  }
0x60: {  	_ =	shalt  }
0x61: {  	_ =	shalt  }
0x62: {  	_ =	shalt  }
0x63: {  	_ =	shalt  }
0x64: {  	_ =	shalt  }
0x65: {  	_ =	shalt  }
0x66: {  	_ =	shalt  }
0x67: {  	_ =	shalt  }
0x68: {  	_ =	shalt  }
0x69: {  	_ =	shalt  }
0x6a: {  	_ =	shalt  }
0x6b: {  	_ =	shalt  }
0x6c: {  	_ =	shalt  }
0x6d: {  	_ =	shalt  }
0x6e: {  	_ =	shalt  }
0x6f: {  	_ =	shalt  }
0x70: {  	_ =	shalt  }
0x71: {  	_ =	shalt  }
0x72: {  	_ =	shalt  }
0x73: {  	_ =	shalt  }
0x74: {  	_ =	shalt  }
0x75: {  	_ =	shalt  }
0x76: {  	_ =	shalt  }
0x77: {  	_ =	shalt  }
0x78: {  	_ =	shalt  }
0x79: {  	_ =	shalt  }
0x7a: {  	_ =	shalt  }
0x7b: {  	_ =	shalt  }
0x7c: {  	_ =	shalt  }
0x7d: {  	_ =	shalt  }
0x7e: {  	_ =	shalt  }
0x7f: {  	_ =	shalt  }
0x80: {  	_ =	shalt  }
0x81: {  	_ =	shalt  }
0x82: {  	_ =	shalt  }
0x83: {  	_ =	shalt  }
0x84: {  	_ =	shalt  }
0x85: {  	_ =	shalt  }
0x86: {  	_ =	shalt  }
0x87: {  	_ =	shalt  }
.Lfunc_end0:
.L_simem_size_0:
called_computation.2_lowered:
.L_overlay_start_0:
0x88: {  	s2 =	sld [smem:$0x3FD9]  }
0x89: {  	s3 =	sld [smem:$0x3FFE];
	_ =	sdelay $0x1  }
0x8a: {  	s1 =	srdreg.scid  }
0x8b: {  	s0 =	sand.u32 $0x1, s1  }
0x8c: {  	s17 =	sshll.u32 s0, $0xA;
	s2 =	sadd.s32 s3, s2  }
0x8d: {  	s2 =	sadd.s32 s2, s17  }
0x8e: {  	[smem:$0x3FB8] =	sst s2  }
0x8f: {  	_ = 	snop  }
0x90: {  	s2 =	sld [smem:$0x3FD0];
	(tm) =	ssettm $0x1  }
0x91: {  	s18 =	sld [smem:$0x3FFB];
	_ =	sdelay $0x3  }
0x92: {  	_ =	strace s18  }
0x93: {  	s3 =	sld [smem:$0x3FFC];
	_ =	sdelay $0x3  }
0x94: {  	_ =	strace s3  }
0x95: {  	s3 =	sld [smem:$0x3FFD];
	_ =	sdelay $0x3  }
0x96: {  	_ =	strace s3  }
0x97: {  	_ =	strace $0x8FFFFFFF  }
0x98: {  	s19 =	sld [smem:$0x3FDB];
	_ =	sdelay $0x1  }
0x99: {  	s4 =	simm.s32 $_scs_section_size  }
0x9a: {  	s5 =	simm.s32 $_size__tile_overlayer_lowered;
	s6 =	simm.s32 $_tile_overlayer_lowered  }
0x9b: {  	s22 =	simm.s32 $0x1BFF;
	s21 =	sshll.u32 s6, $0x1;
	s3 =	sadd.s32 s4, s19  }
0x9c: {  	s7 =	simm.s32 $0x0;
	s20 =	sshll.u32 s5, $0x1;
	s5 =	sadd.s32 s21, s3  }
0x9d: {  	[timem:s7], [sflag:s22] =	dma.local [hbm:s5], s20  }
0x9e: {  	_ =	swait.ge [sflag:s22], s20  }
0x9f: {  	s4 =	ssub.s32 $0x0, s20;
	[sflag:s22] =	ssyncset.done $0x0  }
0xa0: {  	[sflag:s22] =	ssyncadd.s32 s4;
	_ =	sdelay $0x1  }
0xa1: {  	s23 =	simm.s32 $0x1B8B  }
0xa2: {  	_ =	swait.ge [sflag:s23], $0x1  }
0xa3: {  	[sflag:s23] =	ssyncset.done $0x0  }
0xa4: {  	s25 =	simm.s32 $0x1B8E;
	s24 =	sld [smem:$0x3FFE];
	[sflag:s23] =	ssyncadd.s32 $0xFFFFFFFF  }
0xa5: {  	s26 =	simm.s32 $execute0_lowered;
	[smem:$0x3FD2] =	sst s25  }
0xa6: {  	s5 =	sshll.u32 s26, $0x1;
	_ =	strace $0x8000004C;
	[dreg:$0x1] =	wrdreg $0xFFFFFFFF  }
0xa7: {  	s28 =	simm.s32 $_size_execute0_lowered;
	s3 =	sadd.s32 s3, s5;
	[dreg:$0x0] =	wrdreg $0x0  }
0xa8: {  	s5 =	sshll.u32 s28, $0x1;
	[dreg:$0x2] =	wrdreg s3  }
0xa9: {  	[dreg:$0x3] =	wrdreg s5  }
0xaa: {  	[dreg:$0x4] =	wrdreg $0xC0  }
0xab: {  	_ =	task [dreg:s7], $0x5FFFF  }
0xac: {  	[dreg:$0x1] =	wrdreg $0xFFFFFFFF  }
0xad: {  	[dreg:$0x0] =	wrdreg $0x60  }
0xae: {  	[dreg:$0x2] =	wrdreg s24  }
0xaf: {  	[dreg:$0x3] =	wrdreg s2  }
0xb0: {  	[dreg:$0x4] =	wrdreg $0x9  }
0xb1: {  	_ =	task.clear_ibuf [dreg:s7], $0x5FFFF;
	_ =	strace $0x9000004C  }
0xb2: {  	s29 =	simm.s32 $0x9;
	_ =	strace $0x8000004E  }
0xb3: {  	_ =	swait.ge [sflag:s29], $0x1  }
0xb4: {  	[sflag:s29] =	ssyncadd.s32 $0xFFFFFFFF  }
0xb5: {  	_ =	strace $0x9000004E  }
0xb6: {  	_ =	sfence  }
0xb7: {  	s30 =	sld [smem:$0x0];
	_ =	sdelay $0x2  }
0xb8: {  	s31 =	sshll.u32 s1, $0xD;
	s1 =	sshrl.u32 s1, $0x2  }
0xb9: {  	s3 =	sand.u32 $0x4000, s31;
	s1 =	sadd.s32 s1, s30  }
0xba: {  	s0 =	sor.u32 s3, s0;
	s1 =	sshll.u32 s1, $0x11  }
0xbb: {  	s0 =	sor.u32 s1, s0  }
0xbc: {  	s0 =	sadd.s32 $0x8F2B, s0  }
0xbd: {  	[sflag:s0] =	ssyncadd.remote.s32 $0x1  }
0xbe: {  	_ =	sfence.sel $0xFFFF  }
0xbf: {  	[dreg:$0x0] =	wrdreg $0xFFFFFFFF;
	(pc) =	sbr.abs _section_cstart, $3  }
0xc0: {  	[dreg:$0x1] =	wrdreg $0xFFFFFFFF  }
0xc1: {  	_ =	task.clear_ibuf [dreg:s7], $0x2FFFF;
	_ =	strace $0x9FFFFFFF  }
0xc2: {  	(tm) =	ssettm $0x7FFFFFFF  }
0xc3: {  	_ =	shalt  }
tec
execute0_lowered:
.L_overlay_start_1:
0x0: {  	(tag) =	ssettag $0x1  }
0x1: {  	s4 =	rddreg [dreg:$0x0];
	s1 =	srdreg.scid  }
0x2: {  	s0 =	stileid.u32;
	s5 =	rddreg [dreg:$0x1];
	s2 =	simm.s32 $0x0  }
0x3: {  	s10 =	simm.s32 $0x4A00;
	s11 =	simm.s32 $0x1;
	s12 =	simm.s32 $0x2  }
0x4: {  	s13 =	simm.s32 $0x0;
	s6 =	sand.u32 $0x1, s1;
	s1 =	rddreg [dreg:$0x2]  }
0x5: {  	s3 =	sshll.u32 s0, $0x1;
	[smem:$0x7FF] =	sst s2;
	s8 =	smul.u32 $0x14000, s0  }
0x6: {  	s3 =	sor.u32 s6, s3;
	s9 =	ssub.s32 $0x2, s6;
	s6 =	smul.u32 $0xA000, s6  }
0x7: {  	_ =	strace $0x8000004D;
	s7 =	smul.u32 $0xA00, s3;
	s5 =	sadd.s32 s8, s5  }
0x8: {  	s3 =	sadd.s32 $0x5E00, s4;
	s31 =	sshrl.u32 s9, $0x1;
	s6 =	sadd.s32 s6, s5  }
0x9: {  	s8 =	simm.s32 $0x80;
	s7 =	sshrl.u32 s7, $0x3;
	s6 =	sadd.s32 $0x800, s6  }
0xa: {  	s4 =	sadd.s32 s7, s4;
	s7 =	ssub.s32 s9, s31;
	s9 =	simm.s32 $0xA00  }
0xb: {  	s4 =	sadd.s32 $0x15E00, s4;
	s5 =	smax.u32 s7, $0x1;
	s7 =	simm.s32 $0x3  }
.LBB2_1:
0xc: {  	[tilespmem:s2], [sflag:$0x3] =	stream.linear.gather [hbm4b:s4+s2], $0xA00, $0x38;
	[tilespmem:$0x8A00] =	vst v63  }
0xd: {  	_ =	swait.ge [sflag:s7], $0xA00  }
0xe: {  	[sflag:s7] =	ssyncset.done $0x0  }
0xf: {  	s14 =	simm.s32 $0x0;
	[sflag:s7] =	ssyncadd.s32 $0xFFFFF600  }
0x10: {  	[tilespmem:s9], [sflag:$0x1] =	stream.indirect.gather [hbm4b:s3+s8], $0x80, s14, s8, $0xb8;
	[tilespmem:$0x8A00] =	vst v63  }
0x11: {  	s30 =	simm.s32 $0x80  }
0x12: {  	[tilespmem:s10], [sflag:$0x2] =	stream.indirect.gather [hbm4b:s3+s8], $0x80, s30, s8, $0xb8;
	[tilespmem:$0x8A00] =	vst v63  }
0x13: {  	_ =	swait.ge [sflag:s11], $0x4000  }
0x14: {  	[sflag:s11] =	ssyncset.done $0x0  }
0x15: {  	s31 =	sadd.s32 $0xFFFFF800, s6;
	[sflag:s11] =	ssyncadd.s32 $0xFFFFC000  }
0x16: {  	[hbm4b:s31+s2] =	stream.linear.scatter [tilespmem:s9], [sflag:$0x3], $0x4000, $0x38;
	[tilespmem:$0x8A00] =	vst v63  }
0x17: {  	_ =	swait.ge [sflag:s7], $0x4000  }
0x18: {  	[sflag:s7] =	ssyncset.done $0x0  }
0x19: {  	[sflag:s7] =	ssyncadd.s32 $0xFFFFC000  }
0x1a: {  	_ =	swait.ge [sflag:s12], $0x4000  }
0x1b: {  	[sflag:s12] =	ssyncset.done $0x0  }
0x1c: {  	[sflag:s12] =	ssyncadd.s32 $0xFFFFC000  }
0x1d: {  	[hbm4b:s6+s2] =	stream.linear.scatter [tilespmem:s10], [sflag:$0x3], $0x4000, $0x38;
	[tilespmem:$0x8A00] =	vst v63  }
0x1e: {  	s15 =	simm.s32 $0x400;
	_ =	swait.ge [sflag:s7], $0x4000  }
0x1f: {  	s16 =	simm.s32 $0x800;
	s14 =	sadd.s32 $0x1000, s6;
	[sflag:s7] =	ssyncset.done $0x0  }
.LBB2_2:
0x20: {  	s17 =	sshra.s32 s15, $0x2  }
0x21: {  	[sflag:s7] =	ssyncadd.s32 $0xFFFFC000;
	s15 =	smov.u32 s16;
	s18 =	sadd.s32 $0x400, s16  }
0x22: {  	[tilespmem:s9], [sflag:$0x1] =	stream.indirect.gather [hbm4b:s3+s8], $0x80, s17, s8, $0xb8;
	[tilespmem:$0x8A00] =	vst v63  }
0x23: {  	p0 =	sne.s32 s16, $0x2400;
	s16 =	sadd.s32 $0x80, s17  }
0x24: {  	[tilespmem:s10], [sflag:$0x2] =	stream.indirect.gather [hbm4b:s3+s8], $0x80, s16, s8, $0xb8;
	[tilespmem:$0x8A00] =	vst v63  }
0x25: {  	_ =	swait.ge [sflag:s11], $0x4000  }
0x26: {  	[sflag:s11] =	ssyncset.done $0x0  }
0x27: {  	s16 =	sadd.s32 $0xFFFFF800, s14;
	[sflag:s11] =	ssyncadd.s32 $0xFFFFC000  }
0x28: {  	[hbm4b:s16+s2] =	stream.linear.scatter [tilespmem:s9], [sflag:$0x3], $0x4000, $0x38;
	[tilespmem:$0x8A00] =	vst v63  }
0x29: {  	_ =	swait.ge [sflag:s7], $0x4000  }
0x2a: {  	[sflag:s7] =	ssyncset.done $0x0  }
0x2b: {  	[sflag:s7] =	ssyncadd.s32 $0xFFFFC000  }
0x2c: {  	_ =	swait.ge [sflag:s12], $0x4000  }
.Ltmp0:
0x2d: {  	[sflag:s12] =	ssyncset.done $0x0;
	(pc) =	sbr.rel @p0 .LBB2_2-.Ltmp0, $4  }
0x2e: {  	[sflag:s12] =	ssyncadd.s32 $0xFFFFC000  }
0x2f: {  	[hbm4b:s14+s2] =	stream.linear.scatter [tilespmem:s10], [sflag:$0x3], $0x4000, $0x38;
	[tilespmem:$0x8A00] =	vst v63  }
0x30: {  	_ =	swait.ge [sflag:s7], $0x4000  }
0x31: {  	s16 =	smov.u32 s18;
	s14 =	sadd.s32 $0x1000, s14;
	[sflag:s7] =	ssyncset.done $0x0  }
0x32: {  	s15 =	sshra.s32 s15, $0x2;
	[sflag:s7] =	ssyncadd.s32 $0xFFFFC000  }
0x33: {  	[tilespmem:s9], [sflag:$0x1] =	stream.indirect.gather [hbm4b:s3+s8], $0x80, s15, s8, $0xb8;
	[tilespmem:$0x8A00] =	vst v63  }
0x34: {  	s15 =	sadd.s32 $0x80, s15  }
0x35: {  	[tilespmem:s10], [sflag:$0x2] =	stream.indirect.gather [hbm4b:s3+s8], $0x80, s15, s8, $0xb8;
	[tilespmem:$0x8A00] =	vst v63  }
0x36: {  	_ =	swait.ge [sflag:s11], $0x4000  }
0x37: {  	[sflag:s11] =	ssyncset.done $0x0  }
0x38: {  	s31 =	sadd.s32 $0xFFFFF800, s14;
	[sflag:s11] =	ssyncadd.s32 $0xFFFFC000  }
0x39: {  	[hbm4b:s31+s2] =	stream.linear.scatter [tilespmem:s9], [sflag:$0x3], $0x4000, $0x38;
	[tilespmem:$0x8A00] =	vst v63  }
0x3a: {  	_ =	swait.ge [sflag:s7], $0x4000  }
0x3b: {  	[sflag:s7] =	ssyncset.done $0x0  }
0x3c: {  	[sflag:s7] =	ssyncadd.s32 $0xFFFFC000  }
0x3d: {  	s13 =	sadd.s32 $0x1, s13;
	_ =	swait.ge [sflag:s12], $0x4000  }
0x3e: {  	p0 =	sne.s32 s13, s5;
	[sflag:s12] =	ssyncset.done $0x0  }
.Ltmp1:
0x3f: {  	[sflag:s12] =	ssyncadd.s32 $0xFFFFC000;
	(pc) =	sbr.rel @p0 .LBB2_1-.Ltmp1, $4  }
0x40: {  	[hbm4b:s14+s2] =	stream.linear.scatter [tilespmem:s10], [sflag:$0x3], $0x4000, $0x38;
	[tilespmem:$0x8A00] =	vst v63  }
0x41: {  	_ =	swait.ge [sflag:s7], $0x4000  }
0x42: {  	[sflag:s7] =	ssyncset.done $0x0  }
0x43: {  	[sflag:s7] =	ssyncadd.s32 $0xFFFFC000  }
0x44: {  	_ =	sfence.sel $0x180000  }
0x45: {  	[bflag:$0x0] =	sbarrier.arrive $0xFFFF  }
0x46: {  	p0 =	sne.s32 s0, $0x0;
	_ =	strace $0x9000004D  }
0x47: {  	s0 =	sadd.s32 @!p0 $0x100000, s1;
	[bflag:$0x2] =	sbarrier.arrive $0xFFFF  }
0x48: {  	[sflag:s0] =	ssyncadd.tile.s32 @!p0 $0x1;
	_ =	shalt  }
.Lfunc_end2:
_tile_overlayer_lowered:
.L_overlay_start_2:
0x49: {  	(tag) =	ssettag $0x2  }
0x4a: {  	s0 =	rddreg [dreg:$0x0];
	s2 =	stileid.u32  }
0x4b: {  	s1 =	rddreg [dreg:$0x1];
	p0 =	sne.s32 s2, $0x0  }
0x4c: {  	s3 =	rddreg [dreg:$0x2];
	[bflag:$0x3] =	sbarrier.arrive $0xFFFF;
	s2 =	simm.s32 @!p0 $0x1C03  }
0x4d: {  	[timem:s3], [sflag:s2] =	dma.local @!p0 [hbm:s0], s1  }
0x4e: {  	s0 =	simm.s32 @!p0 $0x3  }
0x4f: {  	_ =	swait.ge @!p0 [sflag:s0], s1  }
0x50: {  	s1 =	ssub.s32 @!p0 $0x0, s1;
	[sflag:s0] =	ssyncset.done @!p0 $0x0  }
0x51: {  	[sflag:s0] =	ssyncadd.s32 @!p0 s1  }
0x52: {  	[bflag:$0x3] =	sbarrier.arrive $0xFFFF  }
0x53: {  	_ =	shalt  }

// kernel: kernel.25.cloned.1.call-start
scs
__scs_entry_jumppad:
0x0: {  	(pc) =	sbr.rel $0x88, $3  }
0x1: {  	(tag) =	ssettag $0x0;
	lr =	simm.s32 $0x1  }
0x2: {  	[smem:$0x3F91] =	sst lr;
	_ =	strace $0xD0000000  }
0x3: {  	_ = 	snop  }
0x4: {  	_ = 	snop  }
0x5: {  	_ = 	snop  }
0x6: {  	_ = 	snop  }
0x7: {  	_ = 	snop  }
__scs_overlays_trampoline_lowered:
0x8: {  	[smem:$0x3FA0] =	sst s0  }
0x9: {  	[smem:$0x3FA1] =	sst s1  }
0xa: {  	[smem:$0x3FA2] =	sst s2  }
0xb: {  	[smem:$0x3FA3] =	sst s3  }
0xc: {  	[smem:$0x3FA4] =	sst s4  }
0xd: {  	[smem:$0x3FA5] =	sst s5  }
0xe: {  	[smem:$0x3FA6] =	sst s6  }
0xf: {  	[smem:$0x3FA7] =	sst s7  }
0x10: {  	[smem:$0x3FA8] =	sst s8  }
0x11: {  	[smem:$0x3FA9] =	sst s9;
	s0 =	simm.s32 @!p0 $0x0  }
0x12: {  	s1 =	sld [smem:$0x3F8F];
	s0 =	simm.s32 @p0 $0x1  }
0x13: {  	[smem:$0x3FAA] =	sst s0;
	s0 =	simm.s32 @!p1 $0x0  }
0x14: {  	s2 =	sld [smem:$0x3F8E];
	s0 =	simm.s32 @p1 $0x1  }
0x15: {  	[smem:$0x3FAB] =	sst s0;
	s0 =	simm.s32 @!p2 $0x0  }
0x16: {  	s3 =	sld [smem:$0x3FDB];
	s0 =	simm.s32 @p2 $0x1  }
0x17: {  	s4 =	simm.s32 $0x1BF5;
	[smem:$0x3FAD] =	sst s0  }
0x18: {  	s0 =	sld [smem:$0x3F90];
	_ =	swait.ge [sflag:s4], $0x0  }
0x19: {  	s7 =	sld [smem:$0x3F91]  }
0x1a: {  	s8 =	sadd.s32 $0xFFFFE003, lr  }
0x1b: {  	s9 =	sadd.s32 $0xFFFFFEF7, lr;
	s5 =	simm.s32 $0xFFFFFFFF;
	p2 =	slt.u32 s8, $0xFFFFF086  }
0x1c: {  	p1 =	slt.u32 s9, $0xF7A;
	s5 =	simm.s32 @!p2 $0x0  }
0x1d: {  	s5 =	simm.s32 @p1 $0x1;
	p0 =	seq.s32 s7, s2  }
0x1e: {  	s7 =	smul.u32 @!p0 $0xF7A, s2;
	p2 =	seq.s32 @!p0 s5, $0x0  }
0x1f: {  	s9 =	smul.u32 $0xF7A, s1;
	s8 =	simm.s32 @!p0 $0x1BF5;
	p2 =	por !p2, p0  }
0x20: {  	[sflag:s8] =	ssyncset.s32 @!p0 $0xFFFFF086;
	s6 =	sadd.s32 @!p0 s3, s7;
	s7 =	simm.s32 @!p0 $0x108  }
0x21: {  	s3 =	sadd.s32 s3, s9;
	s6 =	sadd.s32 @!p0 $0x88, s6;
	s7 =	simm.s32 @p2 $0x1082  }
0x22: {  	[simem:s7], [sflag:s8] =	dma.local @!p0 [hbm:s6], $0xF7A  }
0x23: {  	s9 =	sor.u32 $0xD0000000, s2;
	s6 =	simm.s32 $0x108;
	_ =	swait.ge @!p0 [sflag:s8], $0x0  }
0x24: {  	s3 =	sadd.s32 $0x88, s3;
	s6 =	simm.s32 @!p1 $0x1082;
	[sflag:s4] =	ssyncset.s32 $0xFFFFF086  }
0x25: {  	[simem:s6], [sflag:s4] =	dma.local [hbm:s3], $0xF7A  }
0x26: {  	[smem:$0x3F91] =	sst s1;
	(tag) =	ssettag s2;
	_ =	strace s9  }
0x27: {  	s1 =	sld [smem:$0x3FA1]  }
0x28: {  	s2 =	sld [smem:$0x3FA2]  }
0x29: {  	s4 =	sld [smem:$0x3FA4]  }
0x2a: {  	p0 =	seq.s32 s5, $0x0;
	s5 =	sld [smem:$0x3FA5]  }
0x2b: {  	s6 =	sld [smem:$0x3FA6]  }
0x2c: {  	s7 =	sld [smem:$0x3FA7]  }
0x2d: {  	s3 =	simm.s32 $0x108;
	s8 =	sld [smem:$0x3FA8]  }
0x2e: {  	s3 =	simm.s32 @!p0 $0x1082;
	s9 =	sld [smem:$0x3FA9]  }
0x2f: {  	lr =	sadd.s32 s0, s3;
	s0 =	sld [smem:$0x3FA0]  }
0x30: {  	s3 =	sld [smem:$0x3FA3]  }
0x31: {  	[smem:$0x3FAC] =	sst s10  }
0x32: {  	s10 =	sld [smem:$0x3FAA];
	_ =	sdelay $0x3  }
0x33: {  	p0 =	seq.s32 s10, $0x1;
	s10 =	sld [smem:$0x3FAC];
	_ =	sdelay $0x3  }
0x34: {  	[smem:$0x3FAC] =	sst s10  }
0x35: {  	s10 =	sld [smem:$0x3FAB];
	_ =	sdelay $0x3  }
0x36: {  	p1 =	seq.s32 s10, $0x1;
	s10 =	sld [smem:$0x3FAC];
	_ =	sdelay $0x3  }
0x37: {  	[smem:$0x3FAC] =	sst s10  }
0x38: {  	s10 =	sld [smem:$0x3FAD]  }
0x39: {  	_ = 	snop;
	(pc) =	sbr.ind lr, $3  }
0x3a: {  	_ = 	snop  }
0x3b: {  	_ = 	snop  }
0x3c: {  	p2 =	seq.s32 s10, $0x1;
	s10 =	sld [smem:$0x3FAC]  }
0x3d: {  	_ =	shalt  }
0x3e: {  	_ =	shalt  }
0x3f: {  	_ =	shalt  }
0x40: {  	_ =	shalt  }
0x41: {  	_ =	shalt  }
0x42: {  	_ =	shalt  }
0x43: {  	_ =	shalt  }
0x44: {  	_ =	shalt  }
0x45: {  	_ =	shalt  }
0x46: {  	_ =	shalt  }
0x47: {  	_ =	shalt  }
0x48: {  	_ =	shalt  }
0x49: {  	_ =	shalt  }
0x4a: {  	_ =	shalt  }
0x4b: {  	_ =	shalt  }
0x4c: {  	_ =	shalt  }
0x4d: {  	_ =	shalt  }
0x4e: {  	_ =	shalt  }
0x4f: {  	_ =	shalt  }
0x50: {  	_ =	shalt  }
0x51: {  	_ =	shalt  }
0x52: {  	_ =	shalt  }
0x53: {  	_ =	shalt  }
0x54: {  	_ =	shalt  }
0x55: {  	_ =	shalt  }
0x56: {  	_ =	shalt  }
0x57: {  	_ =	shalt  }
0x58: {  	_ =	shalt  }
0x59: {  	_ =	shalt  }
0x5a: {  	_ =	shalt  }
0x5b: {  	_ =	shalt  }
0x5c: {  	_ =	shalt  }
0x5d: {  	_ =	shalt  }
0x5e: {  	_ =	shalt  }
0x5f: {  	_ =	shalt  }
0x60: {  	_ =	shalt  }
0x61: {  	_ =	shalt  }
0x62: {  	_ =	shalt  }
0x63: {  	_ =	shalt  }
0x64: {  	_ =	shalt  }
0x65: {  	_ =	shalt  }
0x66: {  	_ =	shalt  }
0x67: {  	_ =	shalt  }
0x68: {  	_ =	shalt  }
0x69: {  	_ =	shalt  }
0x6a: {  	_ =	shalt  }
0x6b: {  	_ =	shalt  }
0x6c: {  	_ =	shalt  }
0x6d: {  	_ =	shalt  }
0x6e: {  	_ =	shalt  }
0x6f: {  	_ =	shalt  }
0x70: {  	_ =	shalt  }
0x71: {  	_ =	shalt  }
0x72: {  	_ =	shalt  }
0x73: {  	_ =	shalt  }
0x74: {  	_ =	shalt  }
0x75: {  	_ =	shalt  }
0x76: {  	_ =	shalt  }
0x77: {  	_ =	shalt  }
0x78: {  	_ =	shalt  }
0x79: {  	_ =	shalt  }
0x7a: {  	_ =	shalt  }
0x7b: {  	_ =	shalt  }
0x7c: {  	_ =	shalt  }
0x7d: {  	_ =	shalt  }
0x7e: {  	_ =	shalt  }
0x7f: {  	_ =	shalt  }
0x80: {  	_ =	shalt  }
0x81: {  	_ =	shalt  }
0x82: {  	_ =	shalt  }
0x83: {  	_ =	shalt  }
0x84: {  	_ =	shalt  }
0x85: {  	_ =	shalt  }
0x86: {  	_ =	shalt  }
0x87: {  	_ =	shalt  }
.Lfunc_end0:
.L_simem_size_0:
called_computation.3_lowered:
.L_overlay_start_0:
0x88: {  	s2 =	sld [smem:$0x3FD9]  }
0x89: {  	s3 =	sld [smem:$0x3FFE];
	_ =	sdelay $0x1  }
0x8a: {  	s1 =	srdreg.scid  }
0x8b: {  	s0 =	sand.u32 $0x1, s1  }
0x8c: {  	s17 =	sshll.u32 s0, $0xA;
	s2 =	sadd.s32 s3, s2  }
0x8d: {  	s2 =	sadd.s32 s2, s17  }
0x8e: {  	[smem:$0x3FB8] =	sst s2  }
0x8f: {  	_ = 	snop  }
0x90: {  	s2 =	sld [smem:$0x3FD0];
	(tm) =	ssettm $0x1  }
0x91: {  	s18 =	sld [smem:$0x3FFB];
	_ =	sdelay $0x3  }
0x92: {  	_ =	strace s18  }
0x93: {  	s3 =	sld [smem:$0x3FFC];
	_ =	sdelay $0x3  }
0x94: {  	_ =	strace s3  }
0x95: {  	s3 =	sld [smem:$0x3FFD];
	_ =	sdelay $0x3  }
0x96: {  	_ =	strace s3  }
0x97: {  	_ =	strace $0x8FFFFFFF  }
0x98: {  	s19 =	sld [smem:$0x3FDB];
	_ =	sdelay $0x1  }
0x99: {  	s4 =	simm.s32 $_scs_section_size  }
0x9a: {  	s5 =	simm.s32 $_size__tile_overlayer_lowered;
	s6 =	simm.s32 $_tile_overlayer_lowered  }
0x9b: {  	s22 =	simm.s32 $0x1BFF;
	s21 =	sshll.u32 s6, $0x1;
	s3 =	sadd.s32 s4, s19  }
0x9c: {  	s7 =	simm.s32 $0x0;
	s20 =	sshll.u32 s5, $0x1;
	s5 =	sadd.s32 s21, s3  }
0x9d: {  	[timem:s7], [sflag:s22] =	dma.local [hbm:s5], s20  }
0x9e: {  	_ =	swait.ge [sflag:s22], s20  }
0x9f: {  	s4 =	ssub.s32 $0x0, s20;
	[sflag:s22] =	ssyncset.done $0x0  }
0xa0: {  	[sflag:s22] =	ssyncadd.s32 s4;
	_ =	sdelay $0x1  }
0xa1: {  	s23 =	simm.s32 $0x1B8B  }
0xa2: {  	_ =	swait.ge [sflag:s23], $0x1  }
0xa3: {  	[sflag:s23] =	ssyncset.done $0x0  }
0xa4: {  	s25 =	simm.s32 $0x1B8E;
	s24 =	sld [smem:$0x3FFE];
	[sflag:s23] =	ssyncadd.s32 $0xFFFFFFFF  }
0xa5: {  	s26 =	simm.s32 $execute0_lowered;
	[smem:$0x3FD2] =	sst s25  }
0xa6: {  	s5 =	sshll.u32 s26, $0x1;
	_ =	strace $0x8000004F;
	[dreg:$0x1] =	wrdreg $0xFFFFFFFF  }
0xa7: {  	s28 =	simm.s32 $_size_execute0_lowered;
	s3 =	sadd.s32 s3, s5;
	[dreg:$0x0] =	wrdreg $0x0  }
0xa8: {  	s5 =	sshll.u32 s28, $0x1;
	[dreg:$0x2] =	wrdreg s3  }
0xa9: {  	[dreg:$0x3] =	wrdreg s5  }
0xaa: {  	[dreg:$0x4] =	wrdreg $0xC0  }
0xab: {  	_ =	task [dreg:s7], $0x5FFFF  }
0xac: {  	[dreg:$0x1] =	wrdreg $0xFFFFFFFF  }
0xad: {  	[dreg:$0x0] =	wrdreg $0x60  }
0xae: {  	[dreg:$0x2] =	wrdreg s24  }
0xaf: {  	[dreg:$0x3] =	wrdreg s2  }
0xb0: {  	[dreg:$0x4] =	wrdreg $0x9  }
0xb1: {  	_ =	task.clear_ibuf [dreg:s7], $0x5FFFF;
	_ =	strace $0x9000004F  }
0xb2: {  	s29 =	simm.s32 $0x9;
	_ =	strace $0x80000051  }
0xb3: {  	_ =	swait.ge [sflag:s29], $0x1  }
0xb4: {  	[sflag:s29] =	ssyncadd.s32 $0xFFFFFFFF  }
0xb5: {  	_ =	strace $0x90000051  }
0xb6: {  	_ =	sfence  }
0xb7: {  	s30 =	sld [smem:$0x0];
	_ =	sdelay $0x2  }
0xb8: {  	s31 =	sshll.u32 s1, $0xD;
	s1 =	sshrl.u32 s1, $0x2  }
0xb9: {  	s3 =	sand.u32 $0x4000, s31;
	s1 =	sadd.s32 s1, s30  }
0xba: {  	s0 =	sor.u32 s3, s0;
	s1 =	sshll.u32 s1, $0x11  }
0xbb: {  	s0 =	sor.u32 s1, s0  }
0xbc: {  	s0 =	sadd.s32 $0x8F2B, s0  }
0xbd: {  	[sflag:s0] =	ssyncadd.remote.s32 $0x1  }
0xbe: {  	_ =	sfence.sel $0xFFFF  }
0xbf: {  	[dreg:$0x0] =	wrdreg $0xFFFFFFFF;
	(pc) =	sbr.abs _section_cstart, $3  }
0xc0: {  	[dreg:$0x1] =	wrdreg $0xFFFFFFFF  }
0xc1: {  	_ =	task.clear_ibuf [dreg:s7], $0x2FFFF;
	_ =	strace $0x9FFFFFFF  }
0xc2: {  	(tm) =	ssettm $0x7FFFFFFF  }
0xc3: {  	_ =	shalt  }
tec
execute0_lowered:
.L_overlay_start_1:
0x0: {  	(tag) =	ssettag $0x1  }
0x1: {  	s4 =	rddreg [dreg:$0x0];
	s1 =	srdreg.scid  }
0x2: {  	s0 =	stileid.u32;
	s5 =	rddreg [dreg:$0x1];
	s2 =	simm.s32 $0x0  }
0x3: {  	s10 =	simm.s32 $0x4A00;
	s11 =	simm.s32 $0x1;
	s12 =	simm.s32 $0x2  }
0x4: {  	s13 =	simm.s32 $0x0;
	s6 =	sand.u32 $0x1, s1;
	s1 =	rddreg [dreg:$0x2]  }
0x5: {  	s3 =	sshll.u32 s0, $0x1;
	[smem:$0x7FF] =	sst s2;
	s8 =	smul.u32 $0x14000, s0  }
0x6: {  	s3 =	sor.u32 s6, s3;
	s9 =	ssub.s32 $0x2, s6;
	s6 =	smul.u32 $0xA000, s6  }
0x7: {  	_ =	strace $0x80000050;
	s7 =	smul.u32 $0xA00, s3;
	s5 =	sadd.s32 s8, s5  }
0x8: {  	s3 =	sadd.s32 $0x5E00, s4;
	s31 =	sshrl.u32 s9, $0x1;
	s6 =	sadd.s32 s6, s5  }
0x9: {  	s8 =	simm.s32 $0x80;
	s7 =	sshrl.u32 s7, $0x3;
	s6 =	sadd.s32 $0x800, s6  }
0xa: {  	s4 =	sadd.s32 s7, s4;
	s7 =	ssub.s32 s9, s31;
	s9 =	simm.s32 $0xA00  }
0xb: {  	s4 =	sadd.s32 $0x15E00, s4;
	s5 =	smax.u32 s7, $0x1;
	s7 =	simm.s32 $0x3  }
.LBB2_1:
0xc: {  	[tilespmem:s2], [sflag:$0x3] =	stream.linear.gather [hbm4b:s4+s2], $0xA00, $0x38;
	[tilespmem:$0x8A00] =	vst v63  }
0xd: {  	_ =	swait.ge [sflag:s7], $0xA00  }
0xe: {  	[sflag:s7] =	ssyncset.done $0x0  }
0xf: {  	s14 =	simm.s32 $0x0;
	[sflag:s7] =	ssyncadd.s32 $0xFFFFF600  }
0x10: {  	[tilespmem:s9], [sflag:$0x1] =	stream.indirect.gather [hbm4b:s3+s8], $0x80, s14, s8, $0xb8;
	[tilespmem:$0x8A00] =	vst v63  }
0x11: {  	s30 =	simm.s32 $0x80  }
0x12: {  	[tilespmem:s10], [sflag:$0x2] =	stream.indirect.gather [hbm4b:s3+s8], $0x80, s30, s8, $0xb8;
	[tilespmem:$0x8A00] =	vst v63  }
0x13: {  	_ =	swait.ge [sflag:s11], $0x4000  }
0x14: {  	[sflag:s11] =	ssyncset.done $0x0  }
0x15: {  	s31 =	sadd.s32 $0xFFFFF800, s6;
	[sflag:s11] =	ssyncadd.s32 $0xFFFFC000  }
0x16: {  	[hbm4b:s31+s2] =	stream.linear.scatter [tilespmem:s9], [sflag:$0x3], $0x4000, $0x38;
	[tilespmem:$0x8A00] =	vst v63  }
0x17: {  	_ =	swait.ge [sflag:s7], $0x4000  }
0x18: {  	[sflag:s7] =	ssyncset.done $0x0  }
0x19: {  	[sflag:s7] =	ssyncadd.s32 $0xFFFFC000  }
0x1a: {  	_ =	swait.ge [sflag:s12], $0x4000  }
0x1b: {  	[sflag:s12] =	ssyncset.done $0x0  }
0x1c: {  	[sflag:s12] =	ssyncadd.s32 $0xFFFFC000  }
0x1d: {  	[hbm4b:s6+s2] =	stream.linear.scatter [tilespmem:s10], [sflag:$0x3], $0x4000, $0x38;
	[tilespmem:$0x8A00] =	vst v63  }
0x1e: {  	s15 =	simm.s32 $0x400;
	_ =	swait.ge [sflag:s7], $0x4000  }
0x1f: {  	s16 =	simm.s32 $0x800;
	s14 =	sadd.s32 $0x1000, s6;
	[sflag:s7] =	ssyncset.done $0x0  }
.LBB2_2:
0x20: {  	s17 =	sshra.s32 s15, $0x2  }
0x21: {  	[sflag:s7] =	ssyncadd.s32 $0xFFFFC000;
	s15 =	smov.u32 s16;
	s18 =	sadd.s32 $0x400, s16  }
0x22: {  	[tilespmem:s9], [sflag:$0x1] =	stream.indirect.gather [hbm4b:s3+s8], $0x80, s17, s8, $0xb8;
	[tilespmem:$0x8A00] =	vst v63  }
0x23: {  	p0 =	sne.s32 s16, $0x2400;
	s16 =	sadd.s32 $0x80, s17  }
0x24: {  	[tilespmem:s10], [sflag:$0x2] =	stream.indirect.gather [hbm4b:s3+s8], $0x80, s16, s8, $0xb8;
	[tilespmem:$0x8A00] =	vst v63  }
0x25: {  	_ =	swait.ge [sflag:s11], $0x4000  }
0x26: {  	[sflag:s11] =	ssyncset.done $0x0  }
0x27: {  	s16 =	sadd.s32 $0xFFFFF800, s14;
	[sflag:s11] =	ssyncadd.s32 $0xFFFFC000  }
0x28: {  	[hbm4b:s16+s2] =	stream.linear.scatter [tilespmem:s9], [sflag:$0x3], $0x4000, $0x38;
	[tilespmem:$0x8A00] =	vst v63  }
0x29: {  	_ =	swait.ge [sflag:s7], $0x4000  }
0x2a: {  	[sflag:s7] =	ssyncset.done $0x0  }
0x2b: {  	[sflag:s7] =	ssyncadd.s32 $0xFFFFC000  }
0x2c: {  	_ =	swait.ge [sflag:s12], $0x4000  }
.Ltmp0:
0x2d: {  	[sflag:s12] =	ssyncset.done $0x0;
	(pc) =	sbr.rel @p0 .LBB2_2-.Ltmp0, $4  }
0x2e: {  	[sflag:s12] =	ssyncadd.s32 $0xFFFFC000  }
0x2f: {  	[hbm4b:s14+s2] =	stream.linear.scatter [tilespmem:s10], [sflag:$0x3], $0x4000, $0x38;
	[tilespmem:$0x8A00] =	vst v63  }
0x30: {  	_ =	swait.ge [sflag:s7], $0x4000  }
0x31: {  	s16 =	smov.u32 s18;
	s14 =	sadd.s32 $0x1000, s14;
	[sflag:s7] =	ssyncset.done $0x0  }
0x32: {  	s15 =	sshra.s32 s15, $0x2;
	[sflag:s7] =	ssyncadd.s32 $0xFFFFC000  }
0x33: {  	[tilespmem:s9], [sflag:$0x1] =	stream.indirect.gather [hbm4b:s3+s8], $0x80, s15, s8, $0xb8;
	[tilespmem:$0x8A00] =	vst v63  }
0x34: {  	s15 =	sadd.s32 $0x80, s15  }
0x35: {  	[tilespmem:s10], [sflag:$0x2] =	stream.indirect.gather [hbm4b:s3+s8], $0x80, s15, s8, $0xb8;
	[tilespmem:$0x8A00] =	vst v63  }
0x36: {  	_ =	swait.ge [sflag:s11], $0x4000  }
0x37: {  	[sflag:s11] =	ssyncset.done $0x0  }
0x38: {  	s31 =	sadd.s32 $0xFFFFF800, s14;
	[sflag:s11] =	ssyncadd.s32 $0xFFFFC000  }
0x39: {  	[hbm4b:s31+s2] =	stream.linear.scatter [tilespmem:s9], [sflag:$0x3], $0x4000, $0x38;
	[tilespmem:$0x8A00] =	vst v63  }
0x3a: {  	_ =	swait.ge [sflag:s7], $0x4000  }
0x3b: {  	[sflag:s7] =	ssyncset.done $0x0  }
0x3c: {  	[sflag:s7] =	ssyncadd.s32 $0xFFFFC000  }
0x3d: {  	s13 =	sadd.s32 $0x1, s13;
	_ =	swait.ge [sflag:s12], $0x4000  }
0x3e: {  	p0 =	sne.s32 s13, s5;
	[sflag:s12] =	ssyncset.done $0x0  }
.Ltmp1:
0x3f: {  	[sflag:s12] =	ssyncadd.s32 $0xFFFFC000;
	(pc) =	sbr.rel @p0 .LBB2_1-.Ltmp1, $4  }
0x40: {  	[hbm4b:s14+s2] =	stream.linear.scatter [tilespmem:s10], [sflag:$0x3], $0x4000, $0x38;
	[tilespmem:$0x8A00] =	vst v63  }
0x41: {  	_ =	swait.ge [sflag:s7], $0x4000  }
0x42: {  	[sflag:s7] =	ssyncset.done $0x0  }
0x43: {  	[sflag:s7] =	ssyncadd.s32 $0xFFFFC000  }
0x44: {  	_ =	sfence.sel $0x180000  }
0x45: {  	[bflag:$0x0] =	sbarrier.arrive $0xFFFF  }
0x46: {  	p0 =	sne.s32 s0, $0x0;
	_ =	strace $0x90000050  }
0x47: {  	s0 =	sadd.s32 @!p0 $0x100000, s1;
	[bflag:$0x2] =	sbarrier.arrive $0xFFFF  }
0x48: {  	[sflag:s0] =	ssyncadd.tile.s32 @!p0 $0x1;
	_ =	shalt  }
.Lfunc_end2:
_tile_overlayer_lowered:
.L_overlay_start_2:
0x49: {  	(tag) =	ssettag $0x2  }
0x4a: {  	s0 =	rddreg [dreg:$0x0];
	s2 =	stileid.u32  }
0x4b: {  	s1 =	rddreg [dreg:$0x1];
	p0 =	sne.s32 s2, $0x0  }
0x4c: {  	s3 =	rddreg [dreg:$0x2];
	[bflag:$0x3] =	sbarrier.arrive $0xFFFF;
	s2 =	simm.s32 @!p0 $0x1C03  }
0x4d: {  	[timem:s3], [sflag:s2] =	dma.local @!p0 [hbm:s0], s1  }
0x4e: {  	s0 =	simm.s32 @!p0 $0x3  }
0x4f: {  	_ =	swait.ge @!p0 [sflag:s0], s1  }
0x50: {  	s1 =	ssub.s32 @!p0 $0x0, s1;
	[sflag:s0] =	ssyncset.done @!p0 $0x0  }
0x51: {  	[sflag:s0] =	ssyncadd.s32 @!p0 s1  }
0x52: {  	[bflag:$0x3] =	sbarrier.arrive $0xFFFF  }
0x53: {  	_ =	shalt  }

</sc_bundles>
